<compile_context>
chip_gen: v7x
topology: tpu7x:2x2x1
jax: 0.10.2.dev20260603
libtpu: 0.0.44.dev20260713+nightly
codegen_flags: <defaults>
</compile_context>

<pallas_src>
import functools

import jax
import jax.numpy as jnp
from jax import lax
from jax.experimental import pallas as pl
from jax.experimental.pallas import tpu as pltpu
from jax.experimental.pallas import tpu_sc as plsc

N, E, H = 10000, 320000, 128

NC, NS, L = 2, 16, 16

EPT = E // NS
K = 80
NCHUNK = EPT // K
CPG = 50
NGRP = NCHUNK // CPG
ROW_CHUNKS = N // K



_MM_BLOCK = 1000


def _matmul_body(x_ref, uw_ref, ub_ref, vw_ref, vb_ref, ux_ref, vx_ref):
    x_blk = x_ref[...]
    dn = (((1,), (1,)), ((), ()))
    ux_ref[...] = lax.dot_general(
        x_blk, uw_ref[...], dn, precision=lax.Precision.HIGHEST,
        preferred_element_type=jnp.float32) + ub_ref[...][None, :]
    vx_ref[...] = lax.dot_general(
        x_blk, vw_ref[...], dn, precision=lax.Precision.HIGHEST,
        preferred_element_type=jnp.float32) + vb_ref[...][None, :]


def _matmuls(x, Us_W, Us_b, Vs_W, Vs_b):
    grid = (N // _MM_BLOCK,)
    out_shape = jax.ShapeDtypeStruct((N, H), jnp.float32)
    full = lambda i: (0, 0)
    return pl.pallas_call(
        _matmul_body,
        grid=grid,
        in_specs=[
            pl.BlockSpec((_MM_BLOCK, H), lambda i: (i, 0)),
            pl.BlockSpec((H, H), full),
            pl.BlockSpec((H,), lambda i: (0,)),
            pl.BlockSpec((H, H), full),
            pl.BlockSpec((H,), lambda i: (0,)),
        ],
        out_specs=[
            pl.BlockSpec((_MM_BLOCK, H), lambda i: (i, 0)),
            pl.BlockSpec((_MM_BLOCK, H), lambda i: (i, 0)),
        ],
        out_shape=[out_shape, out_shape],
    )(x, Us_W, Us_b, Vs_W, Vs_b)




def _sc_body(vx_hbm, gate_hbm, src_hbm, dst_hbm, agg_hbm, gsum_hbm,
             src_grp, dst_grp, dstbuf, rows_v, gate_v, sem_g, sem_l, sem_sc,
             acc_sh):
    cid = lax.axis_index("c")
    sid = lax.axis_index("s")

    if True:
        zeros = jnp.zeros((L,), jnp.float32)

        @pl.loop(0, K)
        def _(r):
            for j in range(H // L):
                rows_v[0][r, pl.ds(j * L, L)] = zeros

        for k in range(8):
            i = sid + k * NS

            @pl.when(i < ROW_CHUNKS)
            def _():
                pltpu.sync_copy(rows_v[0], acc_sh.at[pl.ds(i * K, K)])

        plsc.subcore_barrier()

        base0 = sid * EPT

        def run_pipeline(with_gather):
            @pl.loop(0, NGRP)
            def _(g):
                gbase = base0 + g * CPG * K

                pltpu.sync_copy(dst_hbm.at[pl.ds(gbase, CPG * K)], dst_grp)
                if with_gather:
                    pltpu.sync_copy(src_hbm.at[pl.ds(gbase, CPG * K)], src_grp)

                def issue_inputs(c, b):
                    pltpu.async_copy(gate_hbm.at[pl.ds(gbase + c * K, K)],
                                     gate_v[b], sem_l[b])
                    if with_gather:
                        pltpu.async_copy(
                            vx_hbm.at[src_grp.at[pl.ds(c * K, K)]],
                            rows_v[b], sem_g[b])

                def drain_gate(c, b):
                    pltpu.make_async_copy(
                        gate_hbm.at[pl.ds(gbase + c * K, K)],
                        gate_v[b], sem_l[b]).wait()

                issue_inputs(0, 0)

                @pl.loop(0, CPG // 2)
                def _(i):
                    for b in range(2):
                        c = 2 * i + b
                        if with_gather:
                            pltpu.make_async_copy(
                                vx_hbm.at[src_grp.at[pl.ds(c * K, K)]],
                                rows_v[b], sem_g[b]).wait()
                        else:
                            drain_gate(c, b)

                        @pl.when(c >= 1)
                        def _():
                            pltpu.make_async_copy(
                                gate_v[1 - b], acc_sh.at[dstbuf[1 - b]],
                                sem_sc[1 - b]).wait()

                        if b == 0:
                            issue_inputs(c + 1, 1)
                        else:
                            @pl.when(i < CPG // 2 - 1)
                            def _():
                                issue_inputs(c + 1, 0)

                        for j in range(K // L):
                            dstbuf[b][pl.ds(j * L, L)] = (
                                dst_grp[pl.ds(c * K + j * L, L)])

                        if with_gather:
                            drain_gate(c, b)

                            @pl.loop(0, K)
                            def _(r):
                                for j in range(H // L):
                                    sl = pl.ds(j * L, L)
                                    gate_v[b][r, sl] = (
                                        rows_v[b][r, sl] * gate_v[b][r, sl])

                        pltpu.async_copy(gate_v[b], acc_sh.at[dstbuf[b]],
                                         sem_sc[b], add=True)

                pltpu.make_async_copy(
                    gate_v[1], acc_sh.at[dstbuf[1]], sem_sc[1]).wait()

        @pl.when(cid == 0)
        def _():
            run_pipeline(True)

        @pl.when(cid == 1)
        def _():
            run_pipeline(False)

        plsc.subcore_barrier()

        for k in range(10):
            b = k % 2
            i = sid + k * NS
            ip = i - 2 * NS
            if k >= 2:
                @pl.when(ip < ROW_CHUNKS)
                def _():
                    slp = pl.ds(ip * K, K)

                    @pl.when(cid == 0)
                    def _():
                        pltpu.make_async_copy(
                            rows_v[b], agg_hbm.at[slp], sem_g[b]).wait()

                    @pl.when(cid == 1)
                    def _():
                        pltpu.make_async_copy(
                            rows_v[b], gsum_hbm.at[slp], sem_g[b]).wait()
            if k < 8:
                @pl.when(i < ROW_CHUNKS)
                def _():
                    sl = pl.ds(i * K, K)
                    pltpu.sync_copy(acc_sh.at[sl], rows_v[b])

                    @pl.when(cid == 0)
                    def _():
                        pltpu.async_copy(rows_v[b], agg_hbm.at[sl], sem_g[b])

                    @pl.when(cid == 1)
                    def _():
                        pltpu.async_copy(rows_v[b], gsum_hbm.at[sl], sem_g[b])


def _sc_aggregate(Vx, edge_gate, src, dst):
    mesh = plsc.VectorSubcoreMesh(core_axis_name="c", subcore_axis_name="s")
    out_t = jax.ShapeDtypeStruct((N, H), jnp.float32)
    kfn = pl.kernel(
        _sc_body,
        out_type=(out_t, out_t),
        mesh=mesh,
        scratch_types=[
            pltpu.VMEM((CPG * K,), jnp.int32),
            pltpu.VMEM((CPG * K,), jnp.int32),
            [pltpu.VMEM((K,), jnp.int32) for _ in range(2)],
            [pltpu.VMEM((K, H), jnp.float32) for _ in range(2)],
            [pltpu.VMEM((K, H), jnp.float32) for _ in range(2)],
            [pltpu.SemaphoreType.DMA for _ in range(2)],
            [pltpu.SemaphoreType.DMA for _ in range(2)],
            [pltpu.SemaphoreType.DMA for _ in range(2)],
            pltpu.VMEM_SHARED((N, H), jnp.float32),
        ],
    )
    return kfn(Vx, edge_gate, src, dst)




def _combine_body(ux_ref, agg_ref, gsum_ref, out_ref):
    out_ref[...] = ux_ref[...] + agg_ref[...] / (gsum_ref[...] + 1e-20)


def _combine(Ux, agg, gsum):
    spec = pl.BlockSpec((_MM_BLOCK, H), lambda i: (i, 0))
    return pl.pallas_call(
        _combine_body,
        grid=(N // _MM_BLOCK,),
        in_specs=[spec, spec, spec],
        out_specs=spec,
        out_shape=jax.ShapeDtypeStruct((N, H), jnp.float32),
    )(Ux, agg, gsum)




def kernel(x, edge_gate, edge_index, Us_W, Us_b, Vs_W, Vs_b):
    Ux, Vx = _matmuls(x, Us_W, Us_b, Vs_W, Vs_b)
    src = edge_index[0]
    dst = edge_index[1]
    agg, gsum = _sc_aggregate(Vx, edge_gate, src, dst)
    return _combine(Ux, agg, gsum)

# --- scband reference (transcript-rebuilt; emitter-appended) ---
"""Pipeline reference for scband-node-features-33741263077802 (READ-ONLY COPY).

The authoritative reference and input builder live on the scoring server;
editing this copy changes nothing except your own understanding.
"""

import jax, jax.numpy as jnp
import numpy as np

N, E, H = 10000, 320000, 128

def setup_inputs(seed: int = 0) -> dict:
    key = jax.random.key(seed)
    k1, k2, k3, k4, k5, k6, k7 = jax.random.split(key, 7)
    x = jax.random.normal(k1, (N, H), dtype=jnp.float32)
    edge_gate = jax.random.uniform(k2, (E, H), dtype=jnp.float32)
    edge_index = jax.random.randint(k3, (2, E), 0, N, dtype=jnp.int32)
    s = 1.0 / np.sqrt(H)
    Us_W = jax.random.uniform(k4, (H, H), minval=-s, maxval=s, dtype=jnp.float32)
    Us_b = jax.random.uniform(k5, (H,), minval=-s, maxval=s, dtype=jnp.float32)
    Vs_W = jax.random.uniform(k6, (H, H), minval=-s, maxval=s, dtype=jnp.float32)
    Vs_b = jax.random.uniform(k7, (H,), minval=-s, maxval=s, dtype=jnp.float32)
    return {"x": x, "edge_gate": edge_gate, "edge_index": edge_index,
            "Us_W": Us_W, "Us_b": Us_b, "Vs_W": Vs_W, "Vs_b": Vs_b}

def reference(x, edge_gate, edge_index, Us_W, Us_b, Vs_W, Vs_b):
    # x_i = U*x_i + ( sum_j gate_ij * (V*x_j) ) / ( sum_j gate_ij )  (mean aggregation)
    Ux = x @ Us_W.T + Us_b
    Vx = x @ Vs_W.T + Vs_b
    src_nodes = edge_index[0]
    dst_nodes = edge_index[1]
    neighbor_Vx = jnp.take(Vx, src_nodes, axis=0)
    gated_neighbors = neighbor_Vx * edge_gate
    aggregated = jax.ops.segment_sum(gated_neighbors, dst_nodes, num_segments=x.shape[0])
    gate_sum = jax.ops.segment_sum(edge_gate, dst_nodes, num_segments=x.shape[0])
    aggregated = aggregated / (gate_sum + 1e-20)
    x_new = Ux + aggregated
    return x_new

if __name__ == "__main__":
    import jax
    _d = setup_inputs()
    print(jax.jit(kernel)(*tuple(_d.values())))

</pallas_src>

<mosaic_0001>
#map = affine_map<(d0, d1) -> (0, 0)>
#map1 = affine_map<(d0, d1) -> (0)>
module attributes {stable_mosaic.version = 14 : i64} {
  func.func @_sc_body(%arg0: i32, %arg1: i32, %arg2: memref<10000x128xf32, #tpu.memory_space<hbm>>, %arg3: memref<320000x128xf32, #tpu.memory_space<hbm>>, %arg4: memref<320000xi32, #tpu.memory_space<hbm>>, %arg5: memref<320000xi32, #tpu.memory_space<hbm>>, %arg6: memref<10000x128xf32, #tpu.memory_space<hbm>>, %arg7: memref<10000x128xf32, #tpu.memory_space<hbm>>, %arg8: memref<4000xi32, #tpu.memory_space<vmem>>, %arg9: memref<4000xi32, #tpu.memory_space<vmem>>, %arg10: memref<80xi32, #tpu.memory_space<vmem>>, %arg11: memref<80xi32, #tpu.memory_space<vmem>>, %arg12: memref<80x128xf32, #tpu.memory_space<vmem>>, %arg13: memref<80x128xf32, #tpu.memory_space<vmem>>, %arg14: memref<80x128xf32, #tpu.memory_space<vmem>>, %arg15: memref<80x128xf32, #tpu.memory_space<vmem>>, %arg16: memref<!tpu.dma_semaphore, #tpu.memory_space<semaphore_mem>>, %arg17: memref<!tpu.dma_semaphore, #tpu.memory_space<semaphore_mem>>, %arg18: memref<!tpu.dma_semaphore, #tpu.memory_space<semaphore_mem>>, %arg19: memref<!tpu.dma_semaphore, #tpu.memory_space<semaphore_mem>>, %arg20: memref<!tpu.dma_semaphore, #tpu.memory_space<semaphore_mem>>, %arg21: memref<!tpu.dma_semaphore, #tpu.memory_space<semaphore_mem>>, %arg22: memref<10000x128xf32, #tpu.memory_space<vmem_shared>>) attributes {dimension_semantics = [#tpu.dimension_semantics<core_parallel>, #tpu.dimension_semantics<subcore_parallel>], iteration_bounds = array<i64: 2, 16>, scalar_prefetch = 0 : i64, scratch_operands = 15 : i64, tpu.core_type = #tpu.core_type<sc_vector_subcore>, window_params = [{transform_indices = #map}, {transform_indices = #map}, {transform_indices = #map1}, {transform_indices = #map1}, {transform_indices = #map}, {transform_indices = #map}]} {
    %broadcast_in_dim3A = arith.constant 0.000000e+00 : f32
    %broadcast_in_dim3A_0 = vector.broadcast %broadcast_in_dim3A : f32 to vector<16xf32>
    %scan3A = arith.constant 0 : i32
    %scan3A_1 = arith.constant 80 : i32
    %scan3A_2 = arith.addi %scan3A, %scan3A_1 : i32
    %scan3A_3 = arith.constant 1 : i32
    scf.for %scan3A_187 = %scan3A to %scan3A_2 step %scan3A_3  : i32 {
      %mul3A_188 = arith.constant 1 : i32
      %mul3A_189 = arith.muli %scan3A_187, %mul3A_188 : i32
      %add3A_190 = arith.constant 0 : i32
      %add3A_191 = arith.addi %add3A_190, %mul3A_189 : i32
      %swap3A = arith.index_cast %add3A_191 : i32 to index
      %swap3A_192 = arith.constant 0 : index
      %swap3A_193 = tpu.vector_load %arg12[%swap3A, %swap3A_192] {strides = array<i32>} : memref<80x128xf32, #tpu.memory_space<vmem>>, vector<1x16xf32>,
      %swap3A_194 = vector.shape_cast %swap3A_193 : vector<1x16xf32> to vector<16xf32>
      %swap3A_195 = vector.shape_cast %broadcast_in_dim3A_0 : vector<16xf32> to vector<1x16xf32>
      tpu.vector_store %arg12[%swap3A, %swap3A_192], %swap3A_195 {strides = array<i32>} : memref<80x128xf32, #tpu.memory_space<vmem>>, vector<1x16xf32>,
      %swap3A_196 = arith.index_cast %add3A_191 : i32 to index
      %swap3A_197 = arith.constant 16 : index
      %swap3A_198 = tpu.vector_load %arg12[%swap3A_196, %swap3A_197] {strides = array<i32>} : memref<80x128xf32, #tpu.memory_space<vmem>>, vector<1x16xf32>,
      %swap3A_199 = vector.shape_cast %swap3A_198 : vector<1x16xf32> to vector<16xf32>
      %swap3A_200 = vector.shape_cast %broadcast_in_dim3A_0 : vector<16xf32> to vector<1x16xf32>
      tpu.vector_store %arg12[%swap3A_196, %swap3A_197], %swap3A_200 {strides = array<i32>} : memref<80x128xf32, #tpu.memory_space<vmem>>, vector<1x16xf32>,
      %swap3A_201 = arith.index_cast %add3A_191 : i32 to index
      %swap3A_202 = arith.constant 32 : index
      %swap3A_203 = tpu.vector_load %arg12[%swap3A_201, %swap3A_202] {strides = array<i32>} : memref<80x128xf32, #tpu.memory_space<vmem>>, vector<1x16xf32>,
      %swap3A_204 = vector.shape_cast %swap3A_203 : vector<1x16xf32> to vector<16xf32>
      %swap3A_205 = vector.shape_cast %broadcast_in_dim3A_0 : vector<16xf32> to vector<1x16xf32>
      tpu.vector_store %arg12[%swap3A_201, %swap3A_202], %swap3A_205 {strides = array<i32>} : memref<80x128xf32, #tpu.memory_space<vmem>>, vector<1x16xf32>,
      %swap3A_206 = arith.index_cast %add3A_191 : i32 to index
      %swap3A_207 = arith.constant 48 : index
      %swap3A_208 = tpu.vector_load %arg12[%swap3A_206, %swap3A_207] {strides = array<i32>} : memref<80x128xf32, #tpu.memory_space<vmem>>, vector<1x16xf32>,
      %swap3A_209 = vector.shape_cast %swap3A_208 : vector<1x16xf32> to vector<16xf32>
      %swap3A_210 = vector.shape_cast %broadcast_in_dim3A_0 : vector<16xf32> to vector<1x16xf32>
      tpu.vector_store %arg12[%swap3A_206, %swap3A_207], %swap3A_210 {strides = array<i32>} : memref<80x128xf32, #tpu.memory_space<vmem>>, vector<1x16xf32>,
      %swap3A_211 = arith.index_cast %add3A_191 : i32 to index
      %swap3A_212 = arith.constant 64 : index
      %swap3A_213 = tpu.vector_load %arg12[%swap3A_211, %swap3A_212] {strides = array<i32>} : memref<80x128xf32, #tpu.memory_space<vmem>>, vector<1x16xf32>,
      %swap3A_214 = vector.shape_cast %swap3A_213 : vector<1x16xf32> to vector<16xf32>
      %swap3A_215 = vector.shape_cast %broadcast_in_dim3A_0 : vector<16xf32> to vector<1x16xf32>
      tpu.vector_store %arg12[%swap3A_211, %swap3A_212], %swap3A_215 {strides = array<i32>} : memref<80x128xf32, #tpu.memory_space<vmem>>, vector<1x16xf32>,
      %swap3A_216 = arith.index_cast %add3A_191 : i32 to index
      %swap3A_217 = arith.constant 80 : index
      %swap3A_218 = tpu.vector_load %arg12[%swap3A_216, %swap3A_217] {strides = array<i32>} : memref<80x128xf32, #tpu.memory_space<vmem>>, vector<1x16xf32>,
      %swap3A_219 = vector.shape_cast %swap3A_218 : vector<1x16xf32> to vector<16xf32>
      %swap3A_220 = vector.shape_cast %broadcast_in_dim3A_0 : vector<16xf32> to vector<1x16xf32>
      tpu.vector_store %arg12[%swap3A_216, %swap3A_217], %swap3A_220 {strides = array<i32>} : memref<80x128xf32, #tpu.memory_space<vmem>>, vector<1x16xf32>,
      %swap3A_221 = arith.index_cast %add3A_191 : i32 to index
      %swap3A_222 = arith.constant 96 : index
      %swap3A_223 = tpu.vector_load %arg12[%swap3A_221, %swap3A_222] {strides = array<i32>} : memref<80x128xf32, #tpu.memory_space<vmem>>, vector<1x16xf32>,
      %swap3A_224 = vector.shape_cast %swap3A_223 : vector<1x16xf32> to vector<16xf32>
      %swap3A_225 = vector.shape_cast %broadcast_in_dim3A_0 : vector<16xf32> to vector<1x16xf32>
      tpu.vector_store %arg12[%swap3A_221, %swap3A_222], %swap3A_225 {strides = array<i32>} : memref<80x128xf32, #tpu.memory_space<vmem>>, vector<1x16xf32>,
      %swap3A_226 = arith.index_cast %add3A_191 : i32 to index
      %swap3A_227 = arith.constant 112 : index
      %swap3A_228 = tpu.vector_load %arg12[%swap3A_226, %swap3A_227] {strides = array<i32>} : memref<80x128xf32, #tpu.memory_space<vmem>>, vector<1x16xf32>,
      %swap3A_229 = vector.shape_cast %swap3A_228 : vector<1x16xf32> to vector<16xf32>
      %swap3A_230 = vector.shape_cast %broadcast_in_dim3A_0 : vector<16xf32> to vector<1x16xf32>
      tpu.vector_store %arg12[%swap3A_226, %swap3A_227], %swap3A_230 {strides = array<i32>} : memref<80x128xf32, #tpu.memory_space<vmem>>, vector<1x16xf32>,
    }
    %scan3A_4 = arith.constant 80 : i32
    %add3A = arith.constant 0 : i32
    %add3A_5 = arith.addi %arg1, %add3A : i32
    %lt3A = arith.constant 125 : i32
    %lt3A_6 = arith.cmpi slt, %add3A_5, %lt3A : i32
    %convert_element_type3A = arith.extui %lt3A_6 : i1 to i32
    %cond3A = arith.constant 0 : i32
    %cond3A_7 = arith.cmpi ne, %convert_element_type3A, %cond3A : i32
    scf.if %cond3A_7 {
      %mul3A_187 = arith.constant 80 : i32
      %mul3A_188 = arith.muli %add3A_5, %mul3A_187 : i32
      "tpu.region"() ({
        %run_scoped3A = tpu.sem_alloc : memref<!tpu.dma_semaphore, #tpu.memory_space<semaphore_mem>>
        %dma_start3A = arith.constant 0 : i32
        %dma_start3A_189 = tpu.memref_slice %arg22[%mul3A_188, %dma_start3A] : memref<10000x128xf32, #tpu.memory_space<vmem_shared>> -> memref<80x128xf32, #tpu.memory_space<vmem_shared>>
        %dma_start3A_190 = arith.constant 0 : i32
        %dma_start3A_191 = tpu.memref_slice %arg22[%mul3A_188, %dma_start3A_190] : memref<10000x128xf32, #tpu.memory_space<vmem_shared>> -> memref<80x128xf32, #tpu.memory_space<vmem_shared>>
        tpu.enqueue_dma source(%arg12 : memref<80x128xf32, #tpu.memory_space<vmem>>) target(%dma_start3A_191 : memref<80x128xf32, #tpu.memory_space<vmem_shared>>) target_semaphore(%run_scoped3A : memref<!tpu.dma_semaphore, #tpu.memory_space<semaphore_mem>>)
        %dma_wait3A = arith.constant 0 : i32
        %dma_wait3A_192 = tpu.memref_slice %arg22[%mul3A_188, %dma_wait3A] : memref<10000x128xf32, #tpu.memory_space<vmem_shared>> -> memref<80x128xf32, #tpu.memory_space<vmem_shared>>
        %dma_wait3A_193 = arith.constant 0 : i32
        %dma_wait3A_194 = tpu.memref_slice %arg22[%mul3A_188, %dma_wait3A_193] : memref<10000x128xf32, #tpu.memory_space<vmem_shared>> -> memref<80x128xf32, #tpu.memory_space<vmem_shared>>
        tpu.wait_dma2 semaphore(%run_scoped3A : memref<!tpu.dma_semaphore, #tpu.memory_space<semaphore_mem>>) src(%arg12 : memref<80x128xf32, #tpu.memory_space<vmem>>) dst(%dma_wait3A_194 : memref<80x128xf32, #tpu.memory_space<vmem_shared>>)
        tpu.yield
      }) : () -> ()
    } else {
    }
    %add3A_8 = arith.constant 16 : i32
    %add3A_9 = arith.addi %arg1, %add3A_8 : i32
    %lt3A_10 = arith.constant 125 : i32
    %lt3A_11 = arith.cmpi slt, %add3A_9, %lt3A_10 : i32
    %convert_element_type3A_12 = arith.extui %lt3A_11 : i1 to i32
    %cond3A_13 = arith.constant 0 : i32
    %cond3A_14 = arith.cmpi ne, %convert_element_type3A_12, %cond3A_13 : i32
    scf.if %cond3A_14 {
      %mul3A_187 = arith.constant 80 : i32
      %mul3A_188 = arith.muli %add3A_9, %mul3A_187 : i32
      "tpu.region"() ({
        %run_scoped3A = tpu.sem_alloc : memref<!tpu.dma_semaphore, #tpu.memory_space<semaphore_mem>>
        %dma_start3A = arith.constant 0 : i32
        %dma_start3A_189 = tpu.memref_slice %arg22[%mul3A_188, %dma_start3A] : memref<10000x128xf32, #tpu.memory_space<vmem_shared>> -> memref<80x128xf32, #tpu.memory_space<vmem_shared>>
        %dma_start3A_190 = arith.constant 0 : i32
        %dma_start3A_191 = tpu.memref_slice %arg22[%mul3A_188, %dma_start3A_190] : memref<10000x128xf32, #tpu.memory_space<vmem_shared>> -> memref<80x128xf32, #tpu.memory_space<vmem_shared>>
        tpu.enqueue_dma source(%arg12 : memref<80x128xf32, #tpu.memory_space<vmem>>) target(%dma_start3A_191 : memref<80x128xf32, #tpu.memory_space<vmem_shared>>) target_semaphore(%run_scoped3A : memref<!tpu.dma_semaphore, #tpu.memory_space<semaphore_mem>>)
        %dma_wait3A = arith.constant 0 : i32
        %dma_wait3A_192 = tpu.memref_slice %arg22[%mul3A_188, %dma_wait3A] : memref<10000x128xf32, #tpu.memory_space<vmem_shared>> -> memref<80x128xf32, #tpu.memory_space<vmem_shared>>
        %dma_wait3A_193 = arith.constant 0 : i32
        %dma_wait3A_194 = tpu.memref_slice %arg22[%mul3A_188, %dma_wait3A_193] : memref<10000x128xf32, #tpu.memory_space<vmem_shared>> -> memref<80x128xf32, #tpu.memory_space<vmem_shared>>
        tpu.wait_dma2 semaphore(%run_scoped3A : memref<!tpu.dma_semaphore, #tpu.memory_space<semaphore_mem>>) src(%arg12 : memref<80x128xf32, #tpu.memory_space<vmem>>) dst(%dma_wait3A_194 : memref<80x128xf32, #tpu.memory_space<vmem_shared>>)
        tpu.yield
      }) : () -> ()
    } else {
    }
    %add3A_15 = arith.constant 32 : i32
    %add3A_16 = arith.addi %arg1, %add3A_15 : i32
    %lt3A_17 = arith.constant 125 : i32
    %lt3A_18 = arith.cmpi slt, %add3A_16, %lt3A_17 : i32
    %convert_element_type3A_19 = arith.extui %lt3A_18 : i1 to i32
    %cond3A_20 = arith.constant 0 : i32
    %cond3A_21 = arith.cmpi ne, %convert_element_type3A_19, %cond3A_20 : i32
    scf.if %cond3A_21 {
      %mul3A_187 = arith.constant 80 : i32
      %mul3A_188 = arith.muli %add3A_16, %mul3A_187 : i32
      "tpu.region"() ({
        %run_scoped3A = tpu.sem_alloc : memref<!tpu.dma_semaphore, #tpu.memory_space<semaphore_mem>>
        %dma_start3A = arith.constant 0 : i32
        %dma_start3A_189 = tpu.memref_slice %arg22[%mul3A_188, %dma_start3A] : memref<10000x128xf32, #tpu.memory_space<vmem_shared>> -> memref<80x128xf32, #tpu.memory_space<vmem_shared>>
        %dma_start3A_190 = arith.constant 0 : i32
        %dma_start3A_191 = tpu.memref_slice %arg22[%mul3A_188, %dma_start3A_190] : memref<10000x128xf32, #tpu.memory_space<vmem_shared>> -> memref<80x128xf32, #tpu.memory_space<vmem_shared>>
        tpu.enqueue_dma source(%arg12 : memref<80x128xf32, #tpu.memory_space<vmem>>) target(%dma_start3A_191 : memref<80x128xf32, #tpu.memory_space<vmem_shared>>) target_semaphore(%run_scoped3A : memref<!tpu.dma_semaphore, #tpu.memory_space<semaphore_mem>>)
        %dma_wait3A = arith.constant 0 : i32
        %dma_wait3A_192 = tpu.memref_slice %arg22[%mul3A_188, %dma_wait3A] : memref<10000x128xf32, #tpu.memory_space<vmem_shared>> -> memref<80x128xf32, #tpu.memory_space<vmem_shared>>
        %dma_wait3A_193 = arith.constant 0 : i32
        %dma_wait3A_194 = tpu.memref_slice %arg22[%mul3A_188, %dma_wait3A_193] : memref<10000x128xf32, #tpu.memory_space<vmem_shared>> -> memref<80x128xf32, #tpu.memory_space<vmem_shared>>
        tpu.wait_dma2 semaphore(%run_scoped3A : memref<!tpu.dma_semaphore, #tpu.memory_space<semaphore_mem>>) src(%arg12 : memref<80x128xf32, #tpu.memory_space<vmem>>) dst(%dma_wait3A_194 : memref<80x128xf32, #tpu.memory_space<vmem_shared>>)
        tpu.yield
      }) : () -> ()
    } else {
    }
    %add3A_22 = arith.constant 48 : i32
    %add3A_23 = arith.addi %arg1, %add3A_22 : i32
    %lt3A_24 = arith.constant 125 : i32
    %lt3A_25 = arith.cmpi slt, %add3A_23, %lt3A_24 : i32
    %convert_element_type3A_26 = arith.extui %lt3A_25 : i1 to i32
    %cond3A_27 = arith.constant 0 : i32
    %cond3A_28 = arith.cmpi ne, %convert_element_type3A_26, %cond3A_27 : i32
    scf.if %cond3A_28 {
      %mul3A_187 = arith.constant 80 : i32
      %mul3A_188 = arith.muli %add3A_23, %mul3A_187 : i32
      "tpu.region"() ({
        %run_scoped3A = tpu.sem_alloc : memref<!tpu.dma_semaphore, #tpu.memory_space<semaphore_mem>>
        %dma_start3A = arith.constant 0 : i32
        %dma_start3A_189 = tpu.memref_slice %arg22[%mul3A_188, %dma_start3A] : memref<10000x128xf32, #tpu.memory_space<vmem_shared>> -> memref<80x128xf32, #tpu.memory_space<vmem_shared>>
        %dma_start3A_190 = arith.constant 0 : i32
        %dma_start3A_191 = tpu.memref_slice %arg22[%mul3A_188, %dma_start3A_190] : memref<10000x128xf32, #tpu.memory_space<vmem_shared>> -> memref<80x128xf32, #tpu.memory_space<vmem_shared>>
        tpu.enqueue_dma source(%arg12 : memref<80x128xf32, #tpu.memory_space<vmem>>) target(%dma_start3A_191 : memref<80x128xf32, #tpu.memory_space<vmem_shared>>) target_semaphore(%run_scoped3A : memref<!tpu.dma_semaphore, #tpu.memory_space<semaphore_mem>>)
        %dma_wait3A = arith.constant 0 : i32
        %dma_wait3A_192 = tpu.memref_slice %arg22[%mul3A_188, %dma_wait3A] : memref<10000x128xf32, #tpu.memory_space<vmem_shared>> -> memref<80x128xf32, #tpu.memory_space<vmem_shared>>
        %dma_wait3A_193 = arith.constant 0 : i32
        %dma_wait3A_194 = tpu.memref_slice %arg22[%mul3A_188, %dma_wait3A_193] : memref<10000x128xf32, #tpu.memory_space<vmem_shared>> -> memref<80x128xf32, #tpu.memory_space<vmem_shared>>
        tpu.wait_dma2 semaphore(%run_scoped3A : memref<!tpu.dma_semaphore, #tpu.memory_space<semaphore_mem>>) src(%arg12 : memref<80x128xf32, #tpu.memory_space<vmem>>) dst(%dma_wait3A_194 : memref<80x128xf32, #tpu.memory_space<vmem_shared>>)
        tpu.yield
      }) : () -> ()
    } else {
    }
    %add3A_29 = arith.constant 64 : i32
    %add3A_30 = arith.addi %arg1, %add3A_29 : i32
    %lt3A_31 = arith.constant 125 : i32
    %lt3A_32 = arith.cmpi slt, %add3A_30, %lt3A_31 : i32
    %convert_element_type3A_33 = arith.extui %lt3A_32 : i1 to i32
    %cond3A_34 = arith.constant 0 : i32
    %cond3A_35 = arith.cmpi ne, %convert_element_type3A_33, %cond3A_34 : i32
    scf.if %cond3A_35 {
      %mul3A_187 = arith.constant 80 : i32
      %mul3A_188 = arith.muli %add3A_30, %mul3A_187 : i32
      "tpu.region"() ({
        %run_scoped3A = tpu.sem_alloc : memref<!tpu.dma_semaphore, #tpu.memory_space<semaphore_mem>>
        %dma_start3A = arith.constant 0 : i32
        %dma_start3A_189 = tpu.memref_slice %arg22[%mul3A_188, %dma_start3A] : memref<10000x128xf32, #tpu.memory_space<vmem_shared>> -> memref<80x128xf32, #tpu.memory_space<vmem_shared>>
        %dma_start3A_190 = arith.constant 0 : i32
        %dma_start3A_191 = tpu.memref_slice %arg22[%mul3A_188, %dma_start3A_190] : memref<10000x128xf32, #tpu.memory_space<vmem_shared>> -> memref<80x128xf32, #tpu.memory_space<vmem_shared>>
        tpu.enqueue_dma source(%arg12 : memref<80x128xf32, #tpu.memory_space<vmem>>) target(%dma_start3A_191 : memref<80x128xf32, #tpu.memory_space<vmem_shared>>) target_semaphore(%run_scoped3A : memref<!tpu.dma_semaphore, #tpu.memory_space<semaphore_mem>>)
        %dma_wait3A = arith.constant 0 : i32
        %dma_wait3A_192 = tpu.memref_slice %arg22[%mul3A_188, %dma_wait3A] : memref<10000x128xf32, #tpu.memory_space<vmem_shared>> -> memref<80x128xf32, #tpu.memory_space<vmem_shared>>
        %dma_wait3A_193 = arith.constant 0 : i32
        %dma_wait3A_194 = tpu.memref_slice %arg22[%mul3A_188, %dma_wait3A_193] : memref<10000x128xf32, #tpu.memory_space<vmem_shared>> -> memref<80x128xf32, #tpu.memory_space<vmem_shared>>
        tpu.wait_dma2 semaphore(%run_scoped3A : memref<!tpu.dma_semaphore, #tpu.memory_space<semaphore_mem>>) src(%arg12 : memref<80x128xf32, #tpu.memory_space<vmem>>) dst(%dma_wait3A_194 : memref<80x128xf32, #tpu.memory_space<vmem_shared>>)
        tpu.yield
      }) : () -> ()
    } else {
    }
    %add3A_36 = arith.constant 80 : i32
    %add3A_37 = arith.addi %arg1, %add3A_36 : i32
    %lt3A_38 = arith.constant 125 : i32
    %lt3A_39 = arith.cmpi slt, %add3A_37, %lt3A_38 : i32
    %convert_element_type3A_40 = arith.extui %lt3A_39 : i1 to i32
    %cond3A_41 = arith.constant 0 : i32
    %cond3A_42 = arith.cmpi ne, %convert_element_type3A_40, %cond3A_41 : i32
    scf.if %cond3A_42 {
      %mul3A_187 = arith.constant 80 : i32
      %mul3A_188 = arith.muli %add3A_37, %mul3A_187 : i32
      "tpu.region"() ({
        %run_scoped3A = tpu.sem_alloc : memref<!tpu.dma_semaphore, #tpu.memory_space<semaphore_mem>>
        %dma_start3A = arith.constant 0 : i32
        %dma_start3A_189 = tpu.memref_slice %arg22[%mul3A_188, %dma_start3A] : memref<10000x128xf32, #tpu.memory_space<vmem_shared>> -> memref<80x128xf32, #tpu.memory_space<vmem_shared>>
        %dma_start3A_190 = arith.constant 0 : i32
        %dma_start3A_191 = tpu.memref_slice %arg22[%mul3A_188, %dma_start3A_190] : memref<10000x128xf32, #tpu.memory_space<vmem_shared>> -> memref<80x128xf32, #tpu.memory_space<vmem_shared>>
        tpu.enqueue_dma source(%arg12 : memref<80x128xf32, #tpu.memory_space<vmem>>) target(%dma_start3A_191 : memref<80x128xf32, #tpu.memory_space<vmem_shared>>) target_semaphore(%run_scoped3A : memref<!tpu.dma_semaphore, #tpu.memory_space<semaphore_mem>>)
        %dma_wait3A = arith.constant 0 : i32
        %dma_wait3A_192 = tpu.memref_slice %arg22[%mul3A_188, %dma_wait3A] : memref<10000x128xf32, #tpu.memory_space<vmem_shared>> -> memref<80x128xf32, #tpu.memory_space<vmem_shared>>
        %dma_wait3A_193 = arith.constant 0 : i32
        %dma_wait3A_194 = tpu.memref_slice %arg22[%mul3A_188, %dma_wait3A_193] : memref<10000x128xf32, #tpu.memory_space<vmem_shared>> -> memref<80x128xf32, #tpu.memory_space<vmem_shared>>
        tpu.wait_dma2 semaphore(%run_scoped3A : memref<!tpu.dma_semaphore, #tpu.memory_space<semaphore_mem>>) src(%arg12 : memref<80x128xf32, #tpu.memory_space<vmem>>) dst(%dma_wait3A_194 : memref<80x128xf32, #tpu.memory_space<vmem_shared>>)
        tpu.yield
      }) : () -> ()
    } else {
    }
    %add3A_43 = arith.constant 96 : i32
    %add3A_44 = arith.addi %arg1, %add3A_43 : i32
    %lt3A_45 = arith.constant 125 : i32
    %lt3A_46 = arith.cmpi slt, %add3A_44, %lt3A_45 : i32
    %convert_element_type3A_47 = arith.extui %lt3A_46 : i1 to i32
    %cond3A_48 = arith.constant 0 : i32
    %cond3A_49 = arith.cmpi ne, %convert_element_type3A_47, %cond3A_48 : i32
    scf.if %cond3A_49 {
      %mul3A_187 = arith.constant 80 : i32
      %mul3A_188 = arith.muli %add3A_44, %mul3A_187 : i32
      "tpu.region"() ({
        %run_scoped3A = tpu.sem_alloc : memref<!tpu.dma_semaphore, #tpu.memory_space<semaphore_mem>>
        %dma_start3A = arith.constant 0 : i32
        %dma_start3A_189 = tpu.memref_slice %arg22[%mul3A_188, %dma_start3A] : memref<10000x128xf32, #tpu.memory_space<vmem_shared>> -> memref<80x128xf32, #tpu.memory_space<vmem_shared>>
        %dma_start3A_190 = arith.constant 0 : i32
        %dma_start3A_191 = tpu.memref_slice %arg22[%mul3A_188, %dma_start3A_190] : memref<10000x128xf32, #tpu.memory_space<vmem_shared>> -> memref<80x128xf32, #tpu.memory_space<vmem_shared>>
        tpu.enqueue_dma source(%arg12 : memref<80x128xf32, #tpu.memory_space<vmem>>) target(%dma_start3A_191 : memref<80x128xf32, #tpu.memory_space<vmem_shared>>) target_semaphore(%run_scoped3A : memref<!tpu.dma_semaphore, #tpu.memory_space<semaphore_mem>>)
        %dma_wait3A = arith.constant 0 : i32
        %dma_wait3A_192 = tpu.memref_slice %arg22[%mul3A_188, %dma_wait3A] : memref<10000x128xf32, #tpu.memory_space<vmem_shared>> -> memref<80x128xf32, #tpu.memory_space<vmem_shared>>
        %dma_wait3A_193 = arith.constant 0 : i32
        %dma_wait3A_194 = tpu.memref_slice %arg22[%mul3A_188, %dma_wait3A_193] : memref<10000x128xf32, #tpu.memory_space<vmem_shared>> -> memref<80x128xf32, #tpu.memory_space<vmem_shared>>
        tpu.wait_dma2 semaphore(%run_scoped3A : memref<!tpu.dma_semaphore, #tpu.memory_space<semaphore_mem>>) src(%arg12 : memref<80x128xf32, #tpu.memory_space<vmem>>) dst(%dma_wait3A_194 : memref<80x128xf32, #tpu.memory_space<vmem_shared>>)
        tpu.yield
      }) : () -> ()
    } else {
    }
    %add3A_50 = arith.constant 112 : i32
    %add3A_51 = arith.addi %arg1, %add3A_50 : i32
    %lt3A_52 = arith.constant 125 : i32
    %lt3A_53 = arith.cmpi slt, %add3A_51, %lt3A_52 : i32
    %convert_element_type3A_54 = arith.extui %lt3A_53 : i1 to i32
    %cond3A_55 = arith.constant 0 : i32
    %cond3A_56 = arith.cmpi ne, %convert_element_type3A_54, %cond3A_55 : i32
    scf.if %cond3A_56 {
      %mul3A_187 = arith.constant 80 : i32
      %mul3A_188 = arith.muli %add3A_51, %mul3A_187 : i32
      "tpu.region"() ({
        %run_scoped3A = tpu.sem_alloc : memref<!tpu.dma_semaphore, #tpu.memory_space<semaphore_mem>>
        %dma_start3A = arith.constant 0 : i32
        %dma_start3A_189 = tpu.memref_slice %arg22[%mul3A_188, %dma_start3A] : memref<10000x128xf32, #tpu.memory_space<vmem_shared>> -> memref<80x128xf32, #tpu.memory_space<vmem_shared>>
        %dma_start3A_190 = arith.constant 0 : i32
        %dma_start3A_191 = tpu.memref_slice %arg22[%mul3A_188, %dma_start3A_190] : memref<10000x128xf32, #tpu.memory_space<vmem_shared>> -> memref<80x128xf32, #tpu.memory_space<vmem_shared>>
        tpu.enqueue_dma source(%arg12 : memref<80x128xf32, #tpu.memory_space<vmem>>) target(%dma_start3A_191 : memref<80x128xf32, #tpu.memory_space<vmem_shared>>) target_semaphore(%run_scoped3A : memref<!tpu.dma_semaphore, #tpu.memory_space<semaphore_mem>>)
        %dma_wait3A = arith.constant 0 : i32
        %dma_wait3A_192 = tpu.memref_slice %arg22[%mul3A_188, %dma_wait3A] : memref<10000x128xf32, #tpu.memory_space<vmem_shared>> -> memref<80x128xf32, #tpu.memory_space<vmem_shared>>
        %dma_wait3A_193 = arith.constant 0 : i32
        %dma_wait3A_194 = tpu.memref_slice %arg22[%mul3A_188, %dma_wait3A_193] : memref<10000x128xf32, #tpu.memory_space<vmem_shared>> -> memref<80x128xf32, #tpu.memory_space<vmem_shared>>
        tpu.wait_dma2 semaphore(%run_scoped3A : memref<!tpu.dma_semaphore, #tpu.memory_space<semaphore_mem>>) src(%arg12 : memref<80x128xf32, #tpu.memory_space<vmem>>) dst(%dma_wait3A_194 : memref<80x128xf32, #tpu.memory_space<vmem_shared>>)
        tpu.yield
      }) : () -> ()
    } else {
    }
    %barrier3A = arith.constant 0 : index
    tpu.barrier barrier_id(%barrier3A)
    %mul3A = arith.constant 20000 : i32
    %mul3A_57 = arith.muli %arg1, %mul3A : i32
    %eq3A = arith.constant 0 : i32
    %eq3A_58 = arith.cmpi eq, %arg0, %eq3A : i32
    %convert_element_type3A_59 = arith.extui %eq3A_58 : i1 to i32
    %cond3A_60 = arith.constant 0 : i32
    %cond3A_61 = arith.cmpi ne, %convert_element_type3A_59, %cond3A_60 : i32
    scf.if %cond3A_61 {
      %scan3A_187 = arith.constant 0 : i32
      %scan3A_188 = arith.constant 5 : i32
      %scan3A_189 = arith.addi %scan3A_187, %scan3A_188 : i32
      %scan3A_190 = arith.constant 1 : i32
      scf.for %scan3A_192 = %scan3A_187 to %scan3A_189 step %scan3A_190  : i32 {
        %mul3A_193 = arith.constant 1 : i32
        %mul3A_194 = arith.muli %scan3A_192, %mul3A_193 : i32
        %add3A_195 = arith.constant 0 : i32
        %add3A_196 = arith.addi %add3A_195, %mul3A_194 : i32
        %mul3A_197 = arith.constant 50 : i32
        %mul3A_198 = arith.muli %add3A_196, %mul3A_197 : i32
        %mul3A_199 = arith.constant 80 : i32
        %mul3A_200 = arith.muli %mul3A_198, %mul3A_199 : i32
        %add3A_201 = arith.addi %mul3A_57, %mul3A_200 : i32
        "tpu.region"() ({
          %run_scoped3A = tpu.sem_alloc : memref<!tpu.dma_semaphore, #tpu.memory_space<semaphore_mem>>
          %dma_start3A_219 = tpu.memref_slice %arg5[%add3A_201] : memref<320000xi32, #tpu.memory_space<hbm>> -> memref<4000xi32, #tpu.memory_space<hbm>>
          %dma_start3A_220 = tpu.memref_slice %arg5[%add3A_201] : memref<320000xi32, #tpu.memory_space<hbm>> -> memref<4000xi32, #tpu.memory_space<hbm>>
          tpu.enqueue_dma source(%dma_start3A_220 : memref<4000xi32, #tpu.memory_space<hbm>>) target(%arg9 : memref<4000xi32, #tpu.memory_space<vmem>>) target_semaphore(%run_scoped3A : memref<!tpu.dma_semaphore, #tpu.memory_space<semaphore_mem>>)
          %dma_wait3A_221 = tpu.memref_slice %arg5[%add3A_201] : memref<320000xi32, #tpu.memory_space<hbm>> -> memref<4000xi32, #tpu.memory_space<hbm>>
          %dma_wait3A_222 = tpu.memref_slice %arg5[%add3A_201] : memref<320000xi32, #tpu.memory_space<hbm>> -> memref<4000xi32, #tpu.memory_space<hbm>>
          tpu.wait_dma2 semaphore(%run_scoped3A : memref<!tpu.dma_semaphore, #tpu.memory_space<semaphore_mem>>) src(%dma_wait3A_222 : memref<4000xi32, #tpu.memory_space<hbm>>) dst(%arg9 : memref<4000xi32, #tpu.memory_space<vmem>>)
          tpu.yield
        }) : () -> ()
        "tpu.region"() ({
          %run_scoped3A = tpu.sem_alloc : memref<!tpu.dma_semaphore, #tpu.memory_space<semaphore_mem>>
          %dma_start3A_219 = tpu.memref_slice %arg4[%add3A_201] : memref<320000xi32, #tpu.memory_space<hbm>> -> memref<4000xi32, #tpu.memory_space<hbm>>
          %dma_start3A_220 = tpu.memref_slice %arg4[%add3A_201] : memref<320000xi32, #tpu.memory_space<hbm>> -> memref<4000xi32, #tpu.memory_space<hbm>>
          tpu.enqueue_dma source(%dma_start3A_220 : memref<4000xi32, #tpu.memory_space<hbm>>) target(%arg8 : memref<4000xi32, #tpu.memory_space<vmem>>) target_semaphore(%run_scoped3A : memref<!tpu.dma_semaphore, #tpu.memory_space<semaphore_mem>>)
          %dma_wait3A_221 = tpu.memref_slice %arg4[%add3A_201] : memref<320000xi32, #tpu.memory_space<hbm>> -> memref<4000xi32, #tpu.memory_space<hbm>>
          %dma_wait3A_222 = tpu.memref_slice %arg4[%add3A_201] : memref<320000xi32, #tpu.memory_space<hbm>> -> memref<4000xi32, #tpu.memory_space<hbm>>
          tpu.wait_dma2 semaphore(%run_scoped3A : memref<!tpu.dma_semaphore, #tpu.memory_space<semaphore_mem>>) src(%dma_wait3A_222 : memref<4000xi32, #tpu.memory_space<hbm>>) dst(%arg8 : memref<4000xi32, #tpu.memory_space<vmem>>)
          tpu.yield
        }) : () -> ()
        %add3A_202 = arith.constant 0 : i32
        %add3A_203 = arith.addi %add3A_201, %add3A_202 : i32
        %dma_start3A = arith.constant 0 : i32
        %dma_start3A_204 = tpu.memref_slice %arg3[%add3A_203, %dma_start3A] : memref<320000x128xf32, #tpu.memory_space<hbm>> -> memref<80x128xf32, #tpu.memory_space<hbm>>
        %dma_start3A_205 = arith.constant 0 : i32
        %dma_start3A_206 = tpu.memref_slice %arg3[%add3A_203, %dma_start3A_205] : memref<320000x128xf32, #tpu.memory_space<hbm>> -> memref<80x128xf32, #tpu.memory_space<hbm>>
        tpu.enqueue_dma source(%dma_start3A_206 : memref<80x128xf32, #tpu.memory_space<hbm>>) target(%arg14 : memref<80x128xf32, #tpu.memory_space<vmem>>) target_semaphore(%arg18 : memref<!tpu.dma_semaphore, #tpu.memory_space<semaphore_mem>>)
        %dma_start3A_207 = arith.constant 0 : i32
        %dma_start3A_208 = tpu.memref_slice %arg8[%dma_start3A_207] : memref<4000xi32, #tpu.memory_space<vmem>> -> memref<80xi32, #tpu.memory_space<vmem>>
        %dma_start3A_209 = arith.constant 0 : i32
        %dma_start3A_210 = arith.constant 0 : i32
        %dma_start3A_211 = tpu.memref_slice %arg2[%dma_start3A_209, %dma_start3A_210] : memref<10000x128xf32, #tpu.memory_space<hbm>> -> memref<10000x128xf32, #tpu.memory_space<hbm>>
        tpu.enqueue_indirect_dma source(%dma_start3A_211 : memref<10000x128xf32, #tpu.memory_space<hbm>>) target(%arg12 : memref<80x128xf32, #tpu.memory_space<vmem>>) offsets(%dma_start3A_208 : memref<80xi32, #tpu.memory_space<vmem>>) semaphore(%arg16 : memref<!tpu.dma_semaphore, #tpu.memory_space<semaphore_mem>>)
        %scan3A_212 = arith.constant 0 : i32
        %scan3A_213 = arith.constant 25 : i32
        %scan3A_214 = arith.addi %scan3A_212, %scan3A_213 : i32
        %scan3A_215 = arith.constant 1 : i32
        scf.for %scan3A_219 = %scan3A_212 to %scan3A_214 step %scan3A_215  : i32 {
          %mul3A_220 = arith.constant 1 : i32
          %mul3A_221 = arith.muli %scan3A_219, %mul3A_220 : i32
          %add3A_222 = arith.constant 0 : i32
          %add3A_223 = arith.addi %add3A_222, %mul3A_221 : i32
          %mul3A_224 = arith.constant 2 : i32
          %mul3A_225 = arith.muli %mul3A_224, %add3A_223 : i32
          %add3A_226 = arith.constant 0 : i32
          %add3A_227 = arith.addi %mul3A_225, %add3A_226 : i32
          %mul3A_228 = arith.constant 80 : i32
          %mul3A_229 = arith.muli %add3A_227, %mul3A_228 : i32
          %dma_wait3A_230 = tpu.memref_slice %arg8[%mul3A_229] : memref<4000xi32, #tpu.memory_space<vmem>> -> memref<80xi32, #tpu.memory_space<vmem>>
          %dma_wait3A_231 = arith.constant 0 : i32
          %dma_wait3A_232 = arith.constant 0 : i32
          %dma_wait3A_233 = tpu.memref_slice %arg2[%dma_wait3A_231, %dma_wait3A_232] : memref<10000x128xf32, #tpu.memory_space<hbm>> -> memref<10000x128xf32, #tpu.memory_space<hbm>>
          tpu.wait_indirect_dma semaphore(%arg16 : memref<!tpu.dma_semaphore, #tpu.memory_space<semaphore_mem>>) src(%dma_wait3A_233 : memref<10000x128xf32, #tpu.memory_space<hbm>>) dst(%arg12 : memref<80x128xf32, #tpu.memory_space<vmem>>)
          %ge3A = arith.constant 1 : i32
          %ge3A_234 = arith.cmpi sge, %add3A_227, %ge3A : i32
          %convert_element_type3A_235 = arith.extui %ge3A_234 : i1 to i32
          %cond3A_236 = arith.constant 0 : i32
          %cond3A_237 = arith.cmpi ne, %convert_element_type3A_235, %cond3A_236 : i32
          scf.if %cond3A_237 {
            %dma_wait3A_411 = arith.constant 0 : i32
            %dma_wait3A_412 = arith.constant 0 : i32
            %dma_wait3A_413 = tpu.memref_slice %arg22[%dma_wait3A_411, %dma_wait3A_412] : memref<10000x128xf32, #tpu.memory_space<vmem_shared>> -> memref<10000x128xf32, #tpu.memory_space<vmem_shared>>
            tpu.wait_indirect_dma semaphore(%arg21 : memref<!tpu.dma_semaphore, #tpu.memory_space<semaphore_mem>>) src(%arg15 : memref<80x128xf32, #tpu.memory_space<vmem>>) dst(%dma_wait3A_413 : memref<10000x128xf32, #tpu.memory_space<vmem_shared>>)
          } else {
          }
          %add3A_238 = arith.constant 1 : i32
          %add3A_239 = arith.addi %add3A_227, %add3A_238 : i32
          %mul3A_240 = arith.constant 80 : i32
          %mul3A_241 = arith.muli %add3A_239, %mul3A_240 : i32
          %add3A_242 = arith.addi %add3A_201, %mul3A_241 : i32
          %dma_start3A_243 = arith.constant 0 : i32
          %dma_start3A_244 = tpu.memref_slice %arg3[%add3A_242, %dma_start3A_243] : memref<320000x128xf32, #tpu.memory_space<hbm>> -> memref<80x128xf32, #tpu.memory_space<hbm>>
          %dma_start3A_245 = arith.constant 0 : i32
          %dma_start3A_246 = tpu.memref_slice %arg3[%add3A_242, %dma_start3A_245] : memref<320000x128xf32, #tpu.memory_space<hbm>> -> memref<80x128xf32, #tpu.memory_space<hbm>>
          tpu.enqueue_dma source(%dma_start3A_246 : memref<80x128xf32, #tpu.memory_space<hbm>>) target(%arg15 : memref<80x128xf32, #tpu.memory_space<vmem>>) target_semaphore(%arg19 : memref<!tpu.dma_semaphore, #tpu.memory_space<semaphore_mem>>)
          %mul3A_247 = arith.constant 80 : i32
          %mul3A_248 = arith.muli %add3A_239, %mul3A_247 : i32
          %dma_start3A_249 = tpu.memref_slice %arg8[%mul3A_248] : memref<4000xi32, #tpu.memory_space<vmem>> -> memref<80xi32, #tpu.memory_space<vmem>>
          %dma_start3A_250 = arith.constant 0 : i32
          %dma_start3A_251 = arith.constant 0 : i32
          %dma_start3A_252 = tpu.memref_slice %arg2[%dma_start3A_250, %dma_start3A_251] : memref<10000x128xf32, #tpu.memory_space<hbm>> -> memref<10000x128xf32, #tpu.memory_space<hbm>>
          tpu.enqueue_indirect_dma source(%dma_start3A_252 : memref<10000x128xf32, #tpu.memory_space<hbm>>) target(%arg13 : memref<80x128xf32, #tpu.memory_space<vmem>>) offsets(%dma_start3A_249 : memref<80xi32, #tpu.memory_space<vmem>>) semaphore(%arg17 : memref<!tpu.dma_semaphore, #tpu.memory_space<semaphore_mem>>)
          %mul3A_253 = arith.constant 80 : i32
          %mul3A_254 = arith.muli %add3A_227, %mul3A_253 : i32
          %add3A_255 = arith.constant 0 : i32
          %add3A_256 = arith.addi %mul3A_254, %add3A_255 : i32
          %get3A = arith.index_cast %add3A_256 : i32 to index
          %get3A_257 = tpu.vector_load %arg9[%get3A] {strides = array<i32>} : memref<4000xi32, #tpu.memory_space<vmem>>, vector<16xi32>,
          %get3A_258 = vector.shape_cast %get3A_257 : vector<16xi32> to vector<16xi32>
          %swap3A = arith.constant 0 : index
          %swap3A_259 = tpu.vector_load %arg10[%swap3A] {strides = array<i32>} : memref<80xi32, #tpu.memory_space<vmem>>, vector<16xi32>,
          %swap3A_260 = vector.shape_cast %swap3A_259 : vector<16xi32> to vector<16xi32>
          %swap3A_261 = vector.shape_cast %get3A_258 : vector<16xi32> to vector<16xi32>
          tpu.vector_store %arg10[%swap3A], %swap3A_261 {strides = array<i32>} : memref<80xi32, #tpu.memory_space<vmem>>, vector<16xi32>,
          %mul3A_262 = arith.constant 80 : i32
          %mul3A_263 = arith.muli %add3A_227, %mul3A_262 : i32
          %add3A_264 = arith.constant 16 : i32
          %add3A_265 = arith.addi %mul3A_263, %add3A_264 : i32
          %get3A_266 = arith.index_cast %add3A_265 : i32 to index
          %get3A_267 = tpu.vector_load %arg9[%get3A_266] {strides = array<i32>} : memref<4000xi32, #tpu.memory_space<vmem>>, vector<16xi32>,
          %get3A_268 = vector.shape_cast %get3A_267 : vector<16xi32> to vector<16xi32>
          %swap3A_269 = arith.constant 16 : index
          %swap3A_270 = tpu.vector_load %arg10[%swap3A_269] {strides = array<i32>} : memref<80xi32, #tpu.memory_space<vmem>>, vector<16xi32>,
          %swap3A_271 = vector.shape_cast %swap3A_270 : vector<16xi32> to vector<16xi32>
          %swap3A_272 = vector.shape_cast %get3A_268 : vector<16xi32> to vector<16xi32>
          tpu.vector_store %arg10[%swap3A_269], %swap3A_272 {strides = array<i32>} : memref<80xi32, #tpu.memory_space<vmem>>, vector<16xi32>,
          %mul3A_273 = arith.constant 80 : i32
          %mul3A_274 = arith.muli %add3A_227, %mul3A_273 : i32
          %add3A_275 = arith.constant 32 : i32
          %add3A_276 = arith.addi %mul3A_274, %add3A_275 : i32
          %get3A_277 = arith.index_cast %add3A_276 : i32 to index
          %get3A_278 = tpu.vector_load %arg9[%get3A_277] {strides = array<i32>} : memref<4000xi32, #tpu.memory_space<vmem>>, vector<16xi32>,
          %get3A_279 = vector.shape_cast %get3A_278 : vector<16xi32> to vector<16xi32>
          %swap3A_280 = arith.constant 32 : index
          %swap3A_281 = tpu.vector_load %arg10[%swap3A_280] {strides = array<i32>} : memref<80xi32, #tpu.memory_space<vmem>>, vector<16xi32>,
          %swap3A_282 = vector.shape_cast %swap3A_281 : vector<16xi32> to vector<16xi32>
          %swap3A_283 = vector.shape_cast %get3A_279 : vector<16xi32> to vector<16xi32>
          tpu.vector_store %arg10[%swap3A_280], %swap3A_283 {strides = array<i32>} : memref<80xi32, #tpu.memory_space<vmem>>, vector<16xi32>,
          %mul3A_284 = arith.constant 80 : i32
          %mul3A_285 = arith.muli %add3A_227, %mul3A_284 : i32
          %add3A_286 = arith.constant 48 : i32
          %add3A_287 = arith.addi %mul3A_285, %add3A_286 : i32
          %get3A_288 = arith.index_cast %add3A_287 : i32 to index
          %get3A_289 = tpu.vector_load %arg9[%get3A_288] {strides = array<i32>} : memref<4000xi32, #tpu.memory_space<vmem>>, vector<16xi32>,
          %get3A_290 = vector.shape_cast %get3A_289 : vector<16xi32> to vector<16xi32>
          %swap3A_291 = arith.constant 48 : index
          %swap3A_292 = tpu.vector_load %arg10[%swap3A_291] {strides = array<i32>} : memref<80xi32, #tpu.memory_space<vmem>>, vector<16xi32>,
          %swap3A_293 = vector.shape_cast %swap3A_292 : vector<16xi32> to vector<16xi32>
          %swap3A_294 = vector.shape_cast %get3A_290 : vector<16xi32> to vector<16xi32>
          tpu.vector_store %arg10[%swap3A_291], %swap3A_294 {strides = array<i32>} : memref<80xi32, #tpu.memory_space<vmem>>, vector<16xi32>,
          %mul3A_295 = arith.constant 80 : i32
          %mul3A_296 = arith.muli %add3A_227, %mul3A_295 : i32
          %add3A_297 = arith.constant 64 : i32
          %add3A_298 = arith.addi %mul3A_296, %add3A_297 : i32
          %get3A_299 = arith.index_cast %add3A_298 : i32 to index
          %get3A_300 = tpu.vector_load %arg9[%get3A_299] {strides = array<i32>} : memref<4000xi32, #tpu.memory_space<vmem>>, vector<16xi32>,
          %get3A_301 = vector.shape_cast %get3A_300 : vector<16xi32> to vector<16xi32>
          %swap3A_302 = arith.constant 64 : index
          %swap3A_303 = tpu.vector_load %arg10[%swap3A_302] {strides = array<i32>} : memref<80xi32, #tpu.memory_space<vmem>>, vector<16xi32>,
          %swap3A_304 = vector.shape_cast %swap3A_303 : vector<16xi32> to vector<16xi32>
          %swap3A_305 = vector.shape_cast %get3A_301 : vector<16xi32> to vector<16xi32>
          tpu.vector_store %arg10[%swap3A_302], %swap3A_305 {strides = array<i32>} : memref<80xi32, #tpu.memory_space<vmem>>, vector<16xi32>,
          %mul3A_306 = arith.constant 80 : i32
          %mul3A_307 = arith.muli %add3A_227, %mul3A_306 : i32
          %add3A_308 = arith.addi %add3A_201, %mul3A_307 : i32
          %dma_wait3A_309 = arith.constant 0 : i32
          %dma_wait3A_310 = tpu.memref_slice %arg3[%add3A_308, %dma_wait3A_309] : memref<320000x128xf32, #tpu.memory_space<hbm>> -> memref<80x128xf32, #tpu.memory_space<hbm>>
          %dma_wait3A_311 = arith.constant 0 : i32
          %dma_wait3A_312 = tpu.memref_slice %arg3[%add3A_308, %dma_wait3A_311] : memref<320000x128xf32, #tpu.memory_space<hbm>> -> memref<80x128xf32, #tpu.memory_space<hbm>>
          tpu.wait_dma2 semaphore(%arg18 : memref<!tpu.dma_semaphore, #tpu.memory_space<semaphore_mem>>) src(%dma_wait3A_312 : memref<80x128xf32, #tpu.memory_space<hbm>>) dst(%arg14 : memref<80x128xf32, #tpu.memory_space<vmem>>)
          %scan3A_313 = arith.constant 0 : i32
          %scan3A_314 = arith.constant 80 : i32
          %scan3A_315 = arith.addi %scan3A_313, %scan3A_314 : i32
          %scan3A_316 = arith.constant 1 : i32
          scf.for %scan3A_411 = %scan3A_313 to %scan3A_315 step %scan3A_316  : i32 {
            %mul3A_412 = arith.constant 1 : i32
            %mul3A_413 = arith.muli %scan3A_411, %mul3A_412 : i32
            %add3A_414 = arith.constant 0 : i32
            %add3A_415 = arith.addi %add3A_414, %mul3A_413 : i32
            %get3A_416 = arith.index_cast %add3A_415 : i32 to index
            %get3A_417 = arith.constant 0 : index
            %get3A_418 = tpu.vector_load %arg12[%get3A_416, %get3A_417] {strides = array<i32>} : memref<80x128xf32, #tpu.memory_space<vmem>>, vector<1x16xf32>,
            %get3A_419 = vector.shape_cast %get3A_418 : vector<1x16xf32> to vector<16xf32>
            %get3A_420 = arith.index_cast %add3A_415 : i32 to index
            %get3A_421 = arith.constant 0 : index
            %get3A_422 = tpu.vector_load %arg14[%get3A_420, %get3A_421] {strides = array<i32>} : memref<80x128xf32, #tpu.memory_space<vmem>>, vector<1x16xf32>,
            %get3A_423 = vector.shape_cast %get3A_422 : vector<1x16xf32> to vector<16xf32>
            %mul3A_424 = arith.mulf %get3A_419, %get3A_423 : vector<16xf32>
            %swap3A_425 = arith.index_cast %add3A_415 : i32 to index
            %swap3A_426 = arith.constant 0 : index
            %swap3A_427 = tpu.vector_load %arg14[%swap3A_425, %swap3A_426] {strides = array<i32>} : memref<80x128xf32, #tpu.memory_space<vmem>>, vector<1x16xf32>,
            %swap3A_428 = vector.shape_cast %swap3A_427 : vector<1x16xf32> to vector<16xf32>
            %swap3A_429 = vector.shape_cast %mul3A_424 : vector<16xf32> to vector<1x16xf32>
            tpu.vector_store %arg14[%swap3A_425, %swap3A_426], %swap3A_429 {strides = array<i32>} : memref<80x128xf32, #tpu.memory_space<vmem>>, vector<1x16xf32>,
            %get3A_430 = arith.index_cast %add3A_415 : i32 to index
            %get3A_431 = arith.constant 16 : index
            %get3A_432 = tpu.vector_load %arg12[%get3A_430, %get3A_431] {strides = array<i32>} : memref<80x128xf32, #tpu.memory_space<vmem>>, vector<1x16xf32>,
            %get3A_433 = vector.shape_cast %get3A_432 : vector<1x16xf32> to vector<16xf32>
            %get3A_434 = arith.index_cast %add3A_415 : i32 to index
            %get3A_435 = arith.constant 16 : index
            %get3A_436 = tpu.vector_load %arg14[%get3A_434, %get3A_435] {strides = array<i32>} : memref<80x128xf32, #tpu.memory_space<vmem>>, vector<1x16xf32>,
            %get3A_437 = vector.shape_cast %get3A_436 : vector<1x16xf32> to vector<16xf32>
            %mul3A_438 = arith.mulf %get3A_433, %get3A_437 : vector<16xf32>
            %swap3A_439 = arith.index_cast %add3A_415 : i32 to index
            %swap3A_440 = arith.constant 16 : index
            %swap3A_441 = tpu.vector_load %arg14[%swap3A_439, %swap3A_440] {strides = array<i32>} : memref<80x128xf32, #tpu.memory_space<vmem>>, vector<1x16xf32>,
            %swap3A_442 = vector.shape_cast %swap3A_441 : vector<1x16xf32> to vector<16xf32>
            %swap3A_443 = vector.shape_cast %mul3A_438 : vector<16xf32> to vector<1x16xf32>
            tpu.vector_store %arg14[%swap3A_439, %swap3A_440], %swap3A_443 {strides = array<i32>} : memref<80x128xf32, #tpu.memory_space<vmem>>, vector<1x16xf32>,
            %get3A_444 = arith.index_cast %add3A_415 : i32 to index
            %get3A_445 = arith.constant 32 : index
            %get3A_446 = tpu.vector_load %arg12[%get3A_444, %get3A_445] {strides = array<i32>} : memref<80x128xf32, #tpu.memory_space<vmem>>, vector<1x16xf32>,
            %get3A_447 = vector.shape_cast %get3A_446 : vector<1x16xf32> to vector<16xf32>
            %get3A_448 = arith.index_cast %add3A_415 : i32 to index
            %get3A_449 = arith.constant 32 : index
            %get3A_450 = tpu.vector_load %arg14[%get3A_448, %get3A_449] {strides = array<i32>} : memref<80x128xf32, #tpu.memory_space<vmem>>, vector<1x16xf32>,
            %get3A_451 = vector.shape_cast %get3A_450 : vector<1x16xf32> to vector<16xf32>
            %mul3A_452 = arith.mulf %get3A_447, %get3A_451 : vector<16xf32>
            %swap3A_453 = arith.index_cast %add3A_415 : i32 to index
            %swap3A_454 = arith.constant 32 : index
            %swap3A_455 = tpu.vector_load %arg14[%swap3A_453, %swap3A_454] {strides = array<i32>} : memref<80x128xf32, #tpu.memory_space<vmem>>, vector<1x16xf32>,
            %swap3A_456 = vector.shape_cast %swap3A_455 : vector<1x16xf32> to vector<16xf32>
            %swap3A_457 = vector.shape_cast %mul3A_452 : vector<16xf32> to vector<1x16xf32>
            tpu.vector_store %arg14[%swap3A_453, %swap3A_454], %swap3A_457 {strides = array<i32>} : memref<80x128xf32, #tpu.memory_space<vmem>>, vector<1x16xf32>,
            %get3A_458 = arith.index_cast %add3A_415 : i32 to index
            %get3A_459 = arith.constant 48 : index
            %get3A_460 = tpu.vector_load %arg12[%get3A_458, %get3A_459] {strides = array<i32>} : memref<80x128xf32, #tpu.memory_space<vmem>>, vector<1x16xf32>,
            %get3A_461 = vector.shape_cast %get3A_460 : vector<1x16xf32> to vector<16xf32>
            %get3A_462 = arith.index_cast %add3A_415 : i32 to index
            %get3A_463 = arith.constant 48 : index
            %get3A_464 = tpu.vector_load %arg14[%get3A_462, %get3A_463] {strides = array<i32>} : memref<80x128xf32, #tpu.memory_space<vmem>>, vector<1x16xf32>,
            %get3A_465 = vector.shape_cast %get3A_464 : vector<1x16xf32> to vector<16xf32>
            %mul3A_466 = arith.mulf %get3A_461, %get3A_465 : vector<16xf32>
            %swap3A_467 = arith.index_cast %add3A_415 : i32 to index
            %swap3A_468 = arith.constant 48 : index
            %swap3A_469 = tpu.vector_load %arg14[%swap3A_467, %swap3A_468] {strides = array<i32>} : memref<80x128xf32, #tpu.memory_space<vmem>>, vector<1x16xf32>,
            %swap3A_470 = vector.shape_cast %swap3A_469 : vector<1x16xf32> to vector<16xf32>
            %swap3A_471 = vector.shape_cast %mul3A_466 : vector<16xf32> to vector<1x16xf32>
            tpu.vector_store %arg14[%swap3A_467, %swap3A_468], %swap3A_471 {strides = array<i32>} : memref<80x128xf32, #tpu.memory_space<vmem>>, vector<1x16xf32>,
            %get3A_472 = arith.index_cast %add3A_415 : i32 to index
            %get3A_473 = arith.constant 64 : index
            %get3A_474 = tpu.vector_load %arg12[%get3A_472, %get3A_473] {strides = array<i32>} : memref<80x128xf32, #tpu.memory_space<vmem>>, vector<1x16xf32>,
            %get3A_475 = vector.shape_cast %get3A_474 : vector<1x16xf32> to vector<16xf32>
            %get3A_476 = arith.index_cast %add3A_415 : i32 to index
            %get3A_477 = arith.constant 64 : index
            %get3A_478 = tpu.vector_load %arg14[%get3A_476, %get3A_477] {strides = array<i32>} : memref<80x128xf32, #tpu.memory_space<vmem>>, vector<1x16xf32>,
            %get3A_479 = vector.shape_cast %get3A_478 : vector<1x16xf32> to vector<16xf32>
            %mul3A_480 = arith.mulf %get3A_475, %get3A_479 : vector<16xf32>
            %swap3A_481 = arith.index_cast %add3A_415 : i32 to index
            %swap3A_482 = arith.constant 64 : index
            %swap3A_483 = tpu.vector_load %arg14[%swap3A_481, %swap3A_482] {strides = array<i32>} : memref<80x128xf32, #tpu.memory_space<vmem>>, vector<1x16xf32>,
            %swap3A_484 = vector.shape_cast %swap3A_483 : vector<1x16xf32> to vector<16xf32>
            %swap3A_485 = vector.shape_cast %mul3A_480 : vector<16xf32> to vector<1x16xf32>
            tpu.vector_store %arg14[%swap3A_481, %swap3A_482], %swap3A_485 {strides = array<i32>} : memref<80x128xf32, #tpu.memory_space<vmem>>, vector<1x16xf32>,
            %get3A_486 = arith.index_cast %add3A_415 : i32 to index
            %get3A_487 = arith.constant 80 : index
            %get3A_488 = tpu.vector_load %arg12[%get3A_486, %get3A_487] {strides = array<i32>} : memref<80x128xf32, #tpu.memory_space<vmem>>, vector<1x16xf32>,
            %get3A_489 = vector.shape_cast %get3A_488 : vector<1x16xf32> to vector<16xf32>
            %get3A_490 = arith.index_cast %add3A_415 : i32 to index
            %get3A_491 = arith.constant 80 : index
            %get3A_492 = tpu.vector_load %arg14[%get3A_490, %get3A_491] {strides = array<i32>} : memref<80x128xf32, #tpu.memory_space<vmem>>, vector<1x16xf32>,
            %get3A_493 = vector.shape_cast %get3A_492 : vector<1x16xf32> to vector<16xf32>
            %mul3A_494 = arith.mulf %get3A_489, %get3A_493 : vector<16xf32>
            %swap3A_495 = arith.index_cast %add3A_415 : i32 to index
            %swap3A_496 = arith.constant 80 : index
            %swap3A_497 = tpu.vector_load %arg14[%swap3A_495, %swap3A_496] {strides = array<i32>} : memref<80x128xf32, #tpu.memory_space<vmem>>, vector<1x16xf32>,
            %swap3A_498 = vector.shape_cast %swap3A_497 : vector<1x16xf32> to vector<16xf32>
            %swap3A_499 = vector.shape_cast %mul3A_494 : vector<16xf32> to vector<1x16xf32>
            tpu.vector_store %arg14[%swap3A_495, %swap3A_496], %swap3A_499 {strides = array<i32>} : memref<80x128xf32, #tpu.memory_space<vmem>>, vector<1x16xf32>,
            %get3A_500 = arith.index_cast %add3A_415 : i32 to index
            %get3A_501 = arith.constant 96 : index
            %get3A_502 = tpu.vector_load %arg12[%get3A_500, %get3A_501] {strides = array<i32>} : memref<80x128xf32, #tpu.memory_space<vmem>>, vector<1x16xf32>,
            %get3A_503 = vector.shape_cast %get3A_502 : vector<1x16xf32> to vector<16xf32>
            %get3A_504 = arith.index_cast %add3A_415 : i32 to index
            %get3A_505 = arith.constant 96 : index
            %get3A_506 = tpu.vector_load %arg14[%get3A_504, %get3A_505] {strides = array<i32>} : memref<80x128xf32, #tpu.memory_space<vmem>>, vector<1x16xf32>,
            %get3A_507 = vector.shape_cast %get3A_506 : vector<1x16xf32> to vector<16xf32>
            %mul3A_508 = arith.mulf %get3A_503, %get3A_507 : vector<16xf32>
            %swap3A_509 = arith.index_cast %add3A_415 : i32 to index
            %swap3A_510 = arith.constant 96 : index
            %swap3A_511 = tpu.vector_load %arg14[%swap3A_509, %swap3A_510] {strides = array<i32>} : memref<80x128xf32, #tpu.memory_space<vmem>>, vector<1x16xf32>,
            %swap3A_512 = vector.shape_cast %swap3A_511 : vector<1x16xf32> to vector<16xf32>
            %swap3A_513 = vector.shape_cast %mul3A_508 : vector<16xf32> to vector<1x16xf32>
            tpu.vector_store %arg14[%swap3A_509, %swap3A_510], %swap3A_513 {strides = array<i32>} : memref<80x128xf32, #tpu.memory_space<vmem>>, vector<1x16xf32>,
            %get3A_514 = arith.index_cast %add3A_415 : i32 to index
            %get3A_515 = arith.constant 112 : index
            %get3A_516 = tpu.vector_load %arg12[%get3A_514, %get3A_515] {strides = array<i32>} : memref<80x128xf32, #tpu.memory_space<vmem>>, vector<1x16xf32>,
            %get3A_517 = vector.shape_cast %get3A_516 : vector<1x16xf32> to vector<16xf32>
            %get3A_518 = arith.index_cast %add3A_415 : i32 to index
            %get3A_519 = arith.constant 112 : index
            %get3A_520 = tpu.vector_load %arg14[%get3A_518, %get3A_519] {strides = array<i32>} : memref<80x128xf32, #tpu.memory_space<vmem>>, vector<1x16xf32>,
            %get3A_521 = vector.shape_cast %get3A_520 : vector<1x16xf32> to vector<16xf32>
            %mul3A_522 = arith.mulf %get3A_517, %get3A_521 : vector<16xf32>
            %swap3A_523 = arith.index_cast %add3A_415 : i32 to index
            %swap3A_524 = arith.constant 112 : index
            %swap3A_525 = tpu.vector_load %arg14[%swap3A_523, %swap3A_524] {strides = array<i32>} : memref<80x128xf32, #tpu.memory_space<vmem>>, vector<1x16xf32>,
            %swap3A_526 = vector.shape_cast %swap3A_525 : vector<1x16xf32> to vector<16xf32>
            %swap3A_527 = vector.shape_cast %mul3A_522 : vector<16xf32> to vector<1x16xf32>
            tpu.vector_store %arg14[%swap3A_523, %swap3A_524], %swap3A_527 {strides = array<i32>} : memref<80x128xf32, #tpu.memory_space<vmem>>, vector<1x16xf32>,
          }
          %scan3A_317 = arith.constant 80 : i32
          %dma_start3A_318 = arith.constant 0 : i32
          %dma_start3A_319 = arith.constant 0 : i32
          %dma_start3A_320 = tpu.memref_slice %arg22[%dma_start3A_318, %dma_start3A_319] : memref<10000x128xf32, #tpu.memory_space<vmem_shared>> -> memref<10000x128xf32, #tpu.memory_space<vmem_shared>>
          tpu.enqueue_indirect_dma source(%arg14 : memref<80x128xf32, #tpu.memory_space<vmem>>) target(%dma_start3A_320 : memref<10000x128xf32, #tpu.memory_space<vmem_shared>>) offsets(%arg10 : memref<80xi32, #tpu.memory_space<vmem>>) semaphore(%arg20 : memref<!tpu.dma_semaphore, #tpu.memory_space<semaphore_mem>>) {add = true}
          %mul3A_321 = arith.constant 2 : i32
          %mul3A_322 = arith.muli %mul3A_321, %add3A_223 : i32
          %add3A_323 = arith.constant 1 : i32
          %add3A_324 = arith.addi %mul3A_322, %add3A_323 : i32
          %mul3A_325 = arith.constant 80 : i32
          %mul3A_326 = arith.muli %add3A_324, %mul3A_325 : i32
          %dma_wait3A_327 = tpu.memref_slice %arg8[%mul3A_326] : memref<4000xi32, #tpu.memory_space<vmem>> -> memref<80xi32, #tpu.memory_space<vmem>>
          %dma_wait3A_328 = arith.constant 0 : i32
          %dma_wait3A_329 = arith.constant 0 : i32
          %dma_wait3A_330 = tpu.memref_slice %arg2[%dma_wait3A_328, %dma_wait3A_329] : memref<10000x128xf32, #tpu.memory_space<hbm>> -> memref<10000x128xf32, #tpu.memory_space<hbm>>
          tpu.wait_indirect_dma semaphore(%arg17 : memref<!tpu.dma_semaphore, #tpu.memory_space<semaphore_mem>>) src(%dma_wait3A_330 : memref<10000x128xf32, #tpu.memory_space<hbm>>) dst(%arg13 : memref<80x128xf32, #tpu.memory_space<vmem>>)
          %ge3A_331 = arith.constant 1 : i32
          %ge3A_332 = arith.cmpi sge, %add3A_324, %ge3A_331 : i32
          %convert_element_type3A_333 = arith.extui %ge3A_332 : i1 to i32
          %cond3A_334 = arith.constant 0 : i32
          %cond3A_335 = arith.cmpi ne, %convert_element_type3A_333, %cond3A_334 : i32
          scf.if %cond3A_335 {
            %dma_wait3A_411 = arith.constant 0 : i32
            %dma_wait3A_412 = arith.constant 0 : i32
            %dma_wait3A_413 = tpu.memref_slice %arg22[%dma_wait3A_411, %dma_wait3A_412] : memref<10000x128xf32, #tpu.memory_space<vmem_shared>> -> memref<10000x128xf32, #tpu.memory_space<vmem_shared>>
            tpu.wait_indirect_dma semaphore(%arg20 : memref<!tpu.dma_semaphore, #tpu.memory_space<semaphore_mem>>) src(%arg14 : memref<80x128xf32, #tpu.memory_space<vmem>>) dst(%dma_wait3A_413 : memref<10000x128xf32, #tpu.memory_space<vmem_shared>>)
          } else {
          }
          %lt3A_336 = arith.constant 24 : i32
          %lt3A_337 = arith.cmpi slt, %add3A_223, %lt3A_336 : i32
          %convert_element_type3A_338 = arith.extui %lt3A_337 : i1 to i32
          %cond3A_339 = arith.constant 0 : i32
          %cond3A_340 = arith.cmpi ne, %convert_element_type3A_338, %cond3A_339 : i32
          scf.if %cond3A_340 {
            %add3A_411 = arith.constant 1 : i32
            %add3A_412 = arith.addi %add3A_324, %add3A_411 : i32
            %mul3A_413 = arith.constant 80 : i32
            %mul3A_414 = arith.muli %add3A_412, %mul3A_413 : i32
            %add3A_415 = arith.addi %add3A_201, %mul3A_414 : i32
            %dma_start3A_416 = arith.constant 0 : i32
            %dma_start3A_417 = tpu.memref_slice %arg3[%add3A_415, %dma_start3A_416] : memref<320000x128xf32, #tpu.memory_space<hbm>> -> memref<80x128xf32, #tpu.memory_space<hbm>>
            %dma_start3A_418 = arith.constant 0 : i32
            %dma_start3A_419 = tpu.memref_slice %arg3[%add3A_415, %dma_start3A_418] : memref<320000x128xf32, #tpu.memory_space<hbm>> -> memref<80x128xf32, #tpu.memory_space<hbm>>
            tpu.enqueue_dma source(%dma_start3A_419 : memref<80x128xf32, #tpu.memory_space<hbm>>) target(%arg14 : memref<80x128xf32, #tpu.memory_space<vmem>>) target_semaphore(%arg18 : memref<!tpu.dma_semaphore, #tpu.memory_space<semaphore_mem>>)
            %mul3A_420 = arith.constant 80 : i32
            %mul3A_421 = arith.muli %add3A_412, %mul3A_420 : i32
            %dma_start3A_422 = tpu.memref_slice %arg8[%mul3A_421] : memref<4000xi32, #tpu.memory_space<vmem>> -> memref<80xi32, #tpu.memory_space<vmem>>
            %dma_start3A_423 = arith.constant 0 : i32
            %dma_start3A_424 = arith.constant 0 : i32
            %dma_start3A_425 = tpu.memref_slice %arg2[%dma_start3A_423, %dma_start3A_424] : memref<10000x128xf32, #tpu.memory_space<hbm>> -> memref<10000x128xf32, #tpu.memory_space<hbm>>
            tpu.enqueue_indirect_dma source(%dma_start3A_425 : memref<10000x128xf32, #tpu.memory_space<hbm>>) target(%arg12 : memref<80x128xf32, #tpu.memory_space<vmem>>) offsets(%dma_start3A_422 : memref<80xi32, #tpu.memory_space<vmem>>) semaphore(%arg16 : memref<!tpu.dma_semaphore, #tpu.memory_space<semaphore_mem>>)
          } else {
          }
          %mul3A_341 = arith.constant 80 : i32
          %mul3A_342 = arith.muli %add3A_324, %mul3A_341 : i32
          %add3A_343 = arith.constant 0 : i32
          %add3A_344 = arith.addi %mul3A_342, %add3A_343 : i32
          %get3A_345 = arith.index_cast %add3A_344 : i32 to index
          %get3A_346 = tpu.vector_load %arg9[%get3A_345] {strides = array<i32>} : memref<4000xi32, #tpu.memory_space<vmem>>, vector<16xi32>,
          %get3A_347 = vector.shape_cast %get3A_346 : vector<16xi32> to vector<16xi32>
          %swap3A_348 = arith.constant 0 : index
          %swap3A_349 = tpu.vector_load %arg11[%swap3A_348] {strides = array<i32>} : memref<80xi32, #tpu.memory_space<vmem>>, vector<16xi32>,
          %swap3A_350 = vector.shape_cast %swap3A_349 : vector<16xi32> to vector<16xi32>
          %swap3A_351 = vector.shape_cast %get3A_347 : vector<16xi32> to vector<16xi32>
          tpu.vector_store %arg11[%swap3A_348], %swap3A_351 {strides = array<i32>} : memref<80xi32, #tpu.memory_space<vmem>>, vector<16xi32>,
          %mul3A_352 = arith.constant 80 : i32
          %mul3A_353 = arith.muli %add3A_324, %mul3A_352 : i32
          %add3A_354 = arith.constant 16 : i32
          %add3A_355 = arith.addi %mul3A_353, %add3A_354 : i32
          %get3A_356 = arith.index_cast %add3A_355 : i32 to index
          %get3A_357 = tpu.vector_load %arg9[%get3A_356] {strides = array<i32>} : memref<4000xi32, #tpu.memory_space<vmem>>, vector<16xi32>,
          %get3A_358 = vector.shape_cast %get3A_357 : vector<16xi32> to vector<16xi32>
          %swap3A_359 = arith.constant 16 : index
          %swap3A_360 = tpu.vector_load %arg11[%swap3A_359] {strides = array<i32>} : memref<80xi32, #tpu.memory_space<vmem>>, vector<16xi32>,
          %swap3A_361 = vector.shape_cast %swap3A_360 : vector<16xi32> to vector<16xi32>
          %swap3A_362 = vector.shape_cast %get3A_358 : vector<16xi32> to vector<16xi32>
          tpu.vector_store %arg11[%swap3A_359], %swap3A_362 {strides = array<i32>} : memref<80xi32, #tpu.memory_space<vmem>>, vector<16xi32>,
          %mul3A_363 = arith.constant 80 : i32
          %mul3A_364 = arith.muli %add3A_324, %mul3A_363 : i32
          %add3A_365 = arith.constant 32 : i32
          %add3A_366 = arith.addi %mul3A_364, %add3A_365 : i32
          %get3A_367 = arith.index_cast %add3A_366 : i32 to index
          %get3A_368 = tpu.vector_load %arg9[%get3A_367] {strides = array<i32>} : memref<4000xi32, #tpu.memory_space<vmem>>, vector<16xi32>,
          %get3A_369 = vector.shape_cast %get3A_368 : vector<16xi32> to vector<16xi32>
          %swap3A_370 = arith.constant 32 : index
          %swap3A_371 = tpu.vector_load %arg11[%swap3A_370] {strides = array<i32>} : memref<80xi32, #tpu.memory_space<vmem>>, vector<16xi32>,
          %swap3A_372 = vector.shape_cast %swap3A_371 : vector<16xi32> to vector<16xi32>
          %swap3A_373 = vector.shape_cast %get3A_369 : vector<16xi32> to vector<16xi32>
          tpu.vector_store %arg11[%swap3A_370], %swap3A_373 {strides = array<i32>} : memref<80xi32, #tpu.memory_space<vmem>>, vector<16xi32>,
          %mul3A_374 = arith.constant 80 : i32
          %mul3A_375 = arith.muli %add3A_324, %mul3A_374 : i32
          %add3A_376 = arith.constant 48 : i32
          %add3A_377 = arith.addi %mul3A_375, %add3A_376 : i32
          %get3A_378 = arith.index_cast %add3A_377 : i32 to index
          %get3A_379 = tpu.vector_load %arg9[%get3A_378] {strides = array<i32>} : memref<4000xi32, #tpu.memory_space<vmem>>, vector<16xi32>,
          %get3A_380 = vector.shape_cast %get3A_379 : vector<16xi32> to vector<16xi32>
          %swap3A_381 = arith.constant 48 : index
          %swap3A_382 = tpu.vector_load %arg11[%swap3A_381] {strides = array<i32>} : memref<80xi32, #tpu.memory_space<vmem>>, vector<16xi32>,
          %swap3A_383 = vector.shape_cast %swap3A_382 : vector<16xi32> to vector<16xi32>
          %swap3A_384 = vector.shape_cast %get3A_380 : vector<16xi32> to vector<16xi32>
          tpu.vector_store %arg11[%swap3A_381], %swap3A_384 {strides = array<i32>} : memref<80xi32, #tpu.memory_space<vmem>>, vector<16xi32>,
          %mul3A_385 = arith.constant 80 : i32
          %mul3A_386 = arith.muli %add3A_324, %mul3A_385 : i32
          %add3A_387 = arith.constant 64 : i32
          %add3A_388 = arith.addi %mul3A_386, %add3A_387 : i32
          %get3A_389 = arith.index_cast %add3A_388 : i32 to index
          %get3A_390 = tpu.vector_load %arg9[%get3A_389] {strides = array<i32>} : memref<4000xi32, #tpu.memory_space<vmem>>, vector<16xi32>,
          %get3A_391 = vector.shape_cast %get3A_390 : vector<16xi32> to vector<16xi32>
          %swap3A_392 = arith.constant 64 : index
          %swap3A_393 = tpu.vector_load %arg11[%swap3A_392] {strides = array<i32>} : memref<80xi32, #tpu.memory_space<vmem>>, vector<16xi32>,
          %swap3A_394 = vector.shape_cast %swap3A_393 : vector<16xi32> to vector<16xi32>
          %swap3A_395 = vector.shape_cast %get3A_391 : vector<16xi32> to vector<16xi32>
          tpu.vector_store %arg11[%swap3A_392], %swap3A_395 {strides = array<i32>} : memref<80xi32, #tpu.memory_space<vmem>>, vector<16xi32>,
          %mul3A_396 = arith.constant 80 : i32
          %mul3A_397 = arith.muli %add3A_324, %mul3A_396 : i32
          %add3A_398 = arith.addi %add3A_201, %mul3A_397 : i32
          %dma_wait3A_399 = arith.constant 0 : i32
          %dma_wait3A_400 = tpu.memref_slice %arg3[%add3A_398, %dma_wait3A_399] : memref<320000x128xf32, #tpu.memory_space<hbm>> -> memref<80x128xf32, #tpu.memory_space<hbm>>
          %dma_wait3A_401 = arith.constant 0 : i32
          %dma_wait3A_402 = tpu.memref_slice %arg3[%add3A_398, %dma_wait3A_401] : memref<320000x128xf32, #tpu.memory_space<hbm>> -> memref<80x128xf32, #tpu.memory_space<hbm>>
          tpu.wait_dma2 semaphore(%arg19 : memref<!tpu.dma_semaphore, #tpu.memory_space<semaphore_mem>>) src(%dma_wait3A_402 : memref<80x128xf32, #tpu.memory_space<hbm>>) dst(%arg15 : memref<80x128xf32, #tpu.memory_space<vmem>>)
          %scan3A_403 = arith.constant 0 : i32
          %scan3A_404 = arith.constant 80 : i32
          %scan3A_405 = arith.addi %scan3A_403, %scan3A_404 : i32
          %scan3A_406 = arith.constant 1 : i32
          scf.for %scan3A_411 = %scan3A_403 to %scan3A_405 step %scan3A_406  : i32 {
            %mul3A_412 = arith.constant 1 : i32
            %mul3A_413 = arith.muli %scan3A_411, %mul3A_412 : i32
            %add3A_414 = arith.constant 0 : i32
            %add3A_415 = arith.addi %add3A_414, %mul3A_413 : i32
            %get3A_416 = arith.index_cast %add3A_415 : i32 to index
            %get3A_417 = arith.constant 0 : index
            %get3A_418 = tpu.vector_load %arg13[%get3A_416, %get3A_417] {strides = array<i32>} : memref<80x128xf32, #tpu.memory_space<vmem>>, vector<1x16xf32>,
            %get3A_419 = vector.shape_cast %get3A_418 : vector<1x16xf32> to vector<16xf32>
            %get3A_420 = arith.index_cast %add3A_415 : i32 to index
            %get3A_421 = arith.constant 0 : index
            %get3A_422 = tpu.vector_load %arg15[%get3A_420, %get3A_421] {strides = array<i32>} : memref<80x128xf32, #tpu.memory_space<vmem>>, vector<1x16xf32>,
            %get3A_423 = vector.shape_cast %get3A_422 : vector<1x16xf32> to vector<16xf32>
            %mul3A_424 = arith.mulf %get3A_419, %get3A_423 : vector<16xf32>
            %swap3A_425 = arith.index_cast %add3A_415 : i32 to index
            %swap3A_426 = arith.constant 0 : index
            %swap3A_427 = tpu.vector_load %arg15[%swap3A_425, %swap3A_426] {strides = array<i32>} : memref<80x128xf32, #tpu.memory_space<vmem>>, vector<1x16xf32>,
            %swap3A_428 = vector.shape_cast %swap3A_427 : vector<1x16xf32> to vector<16xf32>
            %swap3A_429 = vector.shape_cast %mul3A_424 : vector<16xf32> to vector<1x16xf32>
            tpu.vector_store %arg15[%swap3A_425, %swap3A_426], %swap3A_429 {strides = array<i32>} : memref<80x128xf32, #tpu.memory_space<vmem>>, vector<1x16xf32>,
            %get3A_430 = arith.index_cast %add3A_415 : i32 to index
            %get3A_431 = arith.constant 16 : index
            %get3A_432 = tpu.vector_load %arg13[%get3A_430, %get3A_431] {strides = array<i32>} : memref<80x128xf32, #tpu.memory_space<vmem>>, vector<1x16xf32>,
            %get3A_433 = vector.shape_cast %get3A_432 : vector<1x16xf32> to vector<16xf32>
            %get3A_434 = arith.index_cast %add3A_415 : i32 to index
            %get3A_435 = arith.constant 16 : index
            %get3A_436 = tpu.vector_load %arg15[%get3A_434, %get3A_435] {strides = array<i32>} : memref<80x128xf32, #tpu.memory_space<vmem>>, vector<1x16xf32>,
            %get3A_437 = vector.shape_cast %get3A_436 : vector<1x16xf32> to vector<16xf32>
            %mul3A_438 = arith.mulf %get3A_433, %get3A_437 : vector<16xf32>
            %swap3A_439 = arith.index_cast %add3A_415 : i32 to index
            %swap3A_440 = arith.constant 16 : index
            %swap3A_441 = tpu.vector_load %arg15[%swap3A_439, %swap3A_440] {strides = array<i32>} : memref<80x128xf32, #tpu.memory_space<vmem>>, vector<1x16xf32>,
            %swap3A_442 = vector.shape_cast %swap3A_441 : vector<1x16xf32> to vector<16xf32>
            %swap3A_443 = vector.shape_cast %mul3A_438 : vector<16xf32> to vector<1x16xf32>
            tpu.vector_store %arg15[%swap3A_439, %swap3A_440], %swap3A_443 {strides = array<i32>} : memref<80x128xf32, #tpu.memory_space<vmem>>, vector<1x16xf32>,
            %get3A_444 = arith.index_cast %add3A_415 : i32 to index
            %get3A_445 = arith.constant 32 : index
            %get3A_446 = tpu.vector_load %arg13[%get3A_444, %get3A_445] {strides = array<i32>} : memref<80x128xf32, #tpu.memory_space<vmem>>, vector<1x16xf32>,
            %get3A_447 = vector.shape_cast %get3A_446 : vector<1x16xf32> to vector<16xf32>
            %get3A_448 = arith.index_cast %add3A_415 : i32 to index
            %get3A_449 = arith.constant 32 : index
            %get3A_450 = tpu.vector_load %arg15[%get3A_448, %get3A_449] {strides = array<i32>} : memref<80x128xf32, #tpu.memory_space<vmem>>, vector<1x16xf32>,
            %get3A_451 = vector.shape_cast %get3A_450 : vector<1x16xf32> to vector<16xf32>
            %mul3A_452 = arith.mulf %get3A_447, %get3A_451 : vector<16xf32>
            %swap3A_453 = arith.index_cast %add3A_415 : i32 to index
            %swap3A_454 = arith.constant 32 : index
            %swap3A_455 = tpu.vector_load %arg15[%swap3A_453, %swap3A_454] {strides = array<i32>} : memref<80x128xf32, #tpu.memory_space<vmem>>, vector<1x16xf32>,
            %swap3A_456 = vector.shape_cast %swap3A_455 : vector<1x16xf32> to vector<16xf32>
            %swap3A_457 = vector.shape_cast %mul3A_452 : vector<16xf32> to vector<1x16xf32>
            tpu.vector_store %arg15[%swap3A_453, %swap3A_454], %swap3A_457 {strides = array<i32>} : memref<80x128xf32, #tpu.memory_space<vmem>>, vector<1x16xf32>,
            %get3A_458 = arith.index_cast %add3A_415 : i32 to index
            %get3A_459 = arith.constant 48 : index
            %get3A_460 = tpu.vector_load %arg13[%get3A_458, %get3A_459] {strides = array<i32>} : memref<80x128xf32, #tpu.memory_space<vmem>>, vector<1x16xf32>,
            %get3A_461 = vector.shape_cast %get3A_460 : vector<1x16xf32> to vector<16xf32>
            %get3A_462 = arith.index_cast %add3A_415 : i32 to index
            %get3A_463 = arith.constant 48 : index
            %get3A_464 = tpu.vector_load %arg15[%get3A_462, %get3A_463] {strides = array<i32>} : memref<80x128xf32, #tpu.memory_space<vmem>>, vector<1x16xf32>,
            %get3A_465 = vector.shape_cast %get3A_464 : vector<1x16xf32> to vector<16xf32>
            %mul3A_466 = arith.mulf %get3A_461, %get3A_465 : vector<16xf32>
            %swap3A_467 = arith.index_cast %add3A_415 : i32 to index
            %swap3A_468 = arith.constant 48 : index
            %swap3A_469 = tpu.vector_load %arg15[%swap3A_467, %swap3A_468] {strides = array<i32>} : memref<80x128xf32, #tpu.memory_space<vmem>>, vector<1x16xf32>,
            %swap3A_470 = vector.shape_cast %swap3A_469 : vector<1x16xf32> to vector<16xf32>
            %swap3A_471 = vector.shape_cast %mul3A_466 : vector<16xf32> to vector<1x16xf32>
            tpu.vector_store %arg15[%swap3A_467, %swap3A_468], %swap3A_471 {strides = array<i32>} : memref<80x128xf32, #tpu.memory_space<vmem>>, vector<1x16xf32>,
            %get3A_472 = arith.index_cast %add3A_415 : i32 to index
            %get3A_473 = arith.constant 64 : index
            %get3A_474 = tpu.vector_load %arg13[%get3A_472, %get3A_473] {strides = array<i32>} : memref<80x128xf32, #tpu.memory_space<vmem>>, vector<1x16xf32>,
            %get3A_475 = vector.shape_cast %get3A_474 : vector<1x16xf32> to vector<16xf32>
            %get3A_476 = arith.index_cast %add3A_415 : i32 to index
            %get3A_477 = arith.constant 64 : index
            %get3A_478 = tpu.vector_load %arg15[%get3A_476, %get3A_477] {strides = array<i32>} : memref<80x128xf32, #tpu.memory_space<vmem>>, vector<1x16xf32>,
            %get3A_479 = vector.shape_cast %get3A_478 : vector<1x16xf32> to vector<16xf32>
            %mul3A_480 = arith.mulf %get3A_475, %get3A_479 : vector<16xf32>
            %swap3A_481 = arith.index_cast %add3A_415 : i32 to index
            %swap3A_482 = arith.constant 64 : index
            %swap3A_483 = tpu.vector_load %arg15[%swap3A_481, %swap3A_482] {strides = array<i32>} : memref<80x128xf32, #tpu.memory_space<vmem>>, vector<1x16xf32>,
            %swap3A_484 = vector.shape_cast %swap3A_483 : vector<1x16xf32> to vector<16xf32>
            %swap3A_485 = vector.shape_cast %mul3A_480 : vector<16xf32> to vector<1x16xf32>
            tpu.vector_store %arg15[%swap3A_481, %swap3A_482], %swap3A_485 {strides = array<i32>} : memref<80x128xf32, #tpu.memory_space<vmem>>, vector<1x16xf32>,
            %get3A_486 = arith.index_cast %add3A_415 : i32 to index
            %get3A_487 = arith.constant 80 : index
            %get3A_488 = tpu.vector_load %arg13[%get3A_486, %get3A_487] {strides = array<i32>} : memref<80x128xf32, #tpu.memory_space<vmem>>, vector<1x16xf32>,
            %get3A_489 = vector.shape_cast %get3A_488 : vector<1x16xf32> to vector<16xf32>
            %get3A_490 = arith.index_cast %add3A_415 : i32 to index
            %get3A_491 = arith.constant 80 : index
            %get3A_492 = tpu.vector_load %arg15[%get3A_490, %get3A_491] {strides = array<i32>} : memref<80x128xf32, #tpu.memory_space<vmem>>, vector<1x16xf32>,
            %get3A_493 = vector.shape_cast %get3A_492 : vector<1x16xf32> to vector<16xf32>
            %mul3A_494 = arith.mulf %get3A_489, %get3A_493 : vector<16xf32>
            %swap3A_495 = arith.index_cast %add3A_415 : i32 to index
            %swap3A_496 = arith.constant 80 : index
            %swap3A_497 = tpu.vector_load %arg15[%swap3A_495, %swap3A_496] {strides = array<i32>} : memref<80x128xf32, #tpu.memory_space<vmem>>, vector<1x16xf32>,
            %swap3A_498 = vector.shape_cast %swap3A_497 : vector<1x16xf32> to vector<16xf32>
            %swap3A_499 = vector.shape_cast %mul3A_494 : vector<16xf32> to vector<1x16xf32>
            tpu.vector_store %arg15[%swap3A_495, %swap3A_496], %swap3A_499 {strides = array<i32>} : memref<80x128xf32, #tpu.memory_space<vmem>>, vector<1x16xf32>,
            %get3A_500 = arith.index_cast %add3A_415 : i32 to index
            %get3A_501 = arith.constant 96 : index
            %get3A_502 = tpu.vector_load %arg13[%get3A_500, %get3A_501] {strides = array<i32>} : memref<80x128xf32, #tpu.memory_space<vmem>>, vector<1x16xf32>,
            %get3A_503 = vector.shape_cast %get3A_502 : vector<1x16xf32> to vector<16xf32>
            %get3A_504 = arith.index_cast %add3A_415 : i32 to index
            %get3A_505 = arith.constant 96 : index
            %get3A_506 = tpu.vector_load %arg15[%get3A_504, %get3A_505] {strides = array<i32>} : memref<80x128xf32, #tpu.memory_space<vmem>>, vector<1x16xf32>,
            %get3A_507 = vector.shape_cast %get3A_506 : vector<1x16xf32> to vector<16xf32>
            %mul3A_508 = arith.mulf %get3A_503, %get3A_507 : vector<16xf32>
            %swap3A_509 = arith.index_cast %add3A_415 : i32 to index
            %swap3A_510 = arith.constant 96 : index
            %swap3A_511 = tpu.vector_load %arg15[%swap3A_509, %swap3A_510] {strides = array<i32>} : memref<80x128xf32, #tpu.memory_space<vmem>>, vector<1x16xf32>,
            %swap3A_512 = vector.shape_cast %swap3A_511 : vector<1x16xf32> to vector<16xf32>
            %swap3A_513 = vector.shape_cast %mul3A_508 : vector<16xf32> to vector<1x16xf32>
            tpu.vector_store %arg15[%swap3A_509, %swap3A_510], %swap3A_513 {strides = array<i32>} : memref<80x128xf32, #tpu.memory_space<vmem>>, vector<1x16xf32>,
            %get3A_514 = arith.index_cast %add3A_415 : i32 to index
            %get3A_515 = arith.constant 112 : index
            %get3A_516 = tpu.vector_load %arg13[%get3A_514, %get3A_515] {strides = array<i32>} : memref<80x128xf32, #tpu.memory_space<vmem>>, vector<1x16xf32>,
            %get3A_517 = vector.shape_cast %get3A_516 : vector<1x16xf32> to vector<16xf32>
            %get3A_518 = arith.index_cast %add3A_415 : i32 to index
            %get3A_519 = arith.constant 112 : index
            %get3A_520 = tpu.vector_load %arg15[%get3A_518, %get3A_519] {strides = array<i32>} : memref<80x128xf32, #tpu.memory_space<vmem>>, vector<1x16xf32>,
            %get3A_521 = vector.shape_cast %get3A_520 : vector<1x16xf32> to vector<16xf32>
            %mul3A_522 = arith.mulf %get3A_517, %get3A_521 : vector<16xf32>
            %swap3A_523 = arith.index_cast %add3A_415 : i32 to index
            %swap3A_524 = arith.constant 112 : index
            %swap3A_525 = tpu.vector_load %arg15[%swap3A_523, %swap3A_524] {strides = array<i32>} : memref<80x128xf32, #tpu.memory_space<vmem>>, vector<1x16xf32>,
            %swap3A_526 = vector.shape_cast %swap3A_525 : vector<1x16xf32> to vector<16xf32>
            %swap3A_527 = vector.shape_cast %mul3A_522 : vector<16xf32> to vector<1x16xf32>
            tpu.vector_store %arg15[%swap3A_523, %swap3A_524], %swap3A_527 {strides = array<i32>} : memref<80x128xf32, #tpu.memory_space<vmem>>, vector<1x16xf32>,
          }
          %scan3A_407 = arith.constant 80 : i32
          %dma_start3A_408 = arith.constant 0 : i32
          %dma_start3A_409 = arith.constant 0 : i32
          %dma_start3A_410 = tpu.memref_slice %arg22[%dma_start3A_408, %dma_start3A_409] : memref<10000x128xf32, #tpu.memory_space<vmem_shared>> -> memref<10000x128xf32, #tpu.memory_space<vmem_shared>>
          tpu.enqueue_indirect_dma source(%arg15 : memref<80x128xf32, #tpu.memory_space<vmem>>) target(%dma_start3A_410 : memref<10000x128xf32, #tpu.memory_space<vmem_shared>>) offsets(%arg11 : memref<80xi32, #tpu.memory_space<vmem>>) semaphore(%arg21 : memref<!tpu.dma_semaphore, #tpu.memory_space<semaphore_mem>>) {add = true}
        }
        %scan3A_216 = arith.constant 25 : i32
        %dma_wait3A = arith.constant 0 : i32
        %dma_wait3A_217 = arith.constant 0 : i32
        %dma_wait3A_218 = tpu.memref_slice %arg22[%dma_wait3A, %dma_wait3A_217] : memref<10000x128xf32, #tpu.memory_space<vmem_shared>> -> memref<10000x128xf32, #tpu.memory_space<vmem_shared>>
        tpu.wait_indirect_dma semaphore(%arg21 : memref<!tpu.dma_semaphore, #tpu.memory_space<semaphore_mem>>) src(%arg15 : memref<80x128xf32, #tpu.memory_space<vmem>>) dst(%dma_wait3A_218 : memref<10000x128xf32, #tpu.memory_space<vmem_shared>>)
      }
      %scan3A_191 = arith.constant 5 : i32
    } else {
    }
    %eq3A_62 = arith.constant 1 : i32
    %eq3A_63 = arith.cmpi eq, %arg0, %eq3A_62 : i32
    %convert_element_type3A_64 = arith.extui %eq3A_63 : i1 to i32
    %cond3A_65 = arith.constant 0 : i32
    %cond3A_66 = arith.cmpi ne, %convert_element_type3A_64, %cond3A_65 : i32
    scf.if %cond3A_66 {
      %scan3A_187 = arith.constant 0 : i32
      %scan3A_188 = arith.constant 5 : i32
      %scan3A_189 = arith.addi %scan3A_187, %scan3A_188 : i32
      %scan3A_190 = arith.constant 1 : i32
      scf.for %scan3A_192 = %scan3A_187 to %scan3A_189 step %scan3A_190  : i32 {
        %mul3A_193 = arith.constant 1 : i32
        %mul3A_194 = arith.muli %scan3A_192, %mul3A_193 : i32
        %add3A_195 = arith.constant 0 : i32
        %add3A_196 = arith.addi %add3A_195, %mul3A_194 : i32
        %mul3A_197 = arith.constant 50 : i32
        %mul3A_198 = arith.muli %add3A_196, %mul3A_197 : i32
        %mul3A_199 = arith.constant 80 : i32
        %mul3A_200 = arith.muli %mul3A_198, %mul3A_199 : i32
        %add3A_201 = arith.addi %mul3A_57, %mul3A_200 : i32
        "tpu.region"() ({
          %run_scoped3A = tpu.sem_alloc : memref<!tpu.dma_semaphore, #tpu.memory_space<semaphore_mem>>
          %dma_start3A_214 = tpu.memref_slice %arg5[%add3A_201] : memref<320000xi32, #tpu.memory_space<hbm>> -> memref<4000xi32, #tpu.memory_space<hbm>>
          %dma_start3A_215 = tpu.memref_slice %arg5[%add3A_201] : memref<320000xi32, #tpu.memory_space<hbm>> -> memref<4000xi32, #tpu.memory_space<hbm>>
          tpu.enqueue_dma source(%dma_start3A_215 : memref<4000xi32, #tpu.memory_space<hbm>>) target(%arg9 : memref<4000xi32, #tpu.memory_space<vmem>>) target_semaphore(%run_scoped3A : memref<!tpu.dma_semaphore, #tpu.memory_space<semaphore_mem>>)
          %dma_wait3A_216 = tpu.memref_slice %arg5[%add3A_201] : memref<320000xi32, #tpu.memory_space<hbm>> -> memref<4000xi32, #tpu.memory_space<hbm>>
          %dma_wait3A_217 = tpu.memref_slice %arg5[%add3A_201] : memref<320000xi32, #tpu.memory_space<hbm>> -> memref<4000xi32, #tpu.memory_space<hbm>>
          tpu.wait_dma2 semaphore(%run_scoped3A : memref<!tpu.dma_semaphore, #tpu.memory_space<semaphore_mem>>) src(%dma_wait3A_217 : memref<4000xi32, #tpu.memory_space<hbm>>) dst(%arg9 : memref<4000xi32, #tpu.memory_space<vmem>>)
          tpu.yield
        }) : () -> ()
        %add3A_202 = arith.constant 0 : i32
        %add3A_203 = arith.addi %add3A_201, %add3A_202 : i32
        %dma_start3A = arith.constant 0 : i32
        %dma_start3A_204 = tpu.memref_slice %arg3[%add3A_203, %dma_start3A] : memref<320000x128xf32, #tpu.memory_space<hbm>> -> memref<80x128xf32, #tpu.memory_space<hbm>>
        %dma_start3A_205 = arith.constant 0 : i32
        %dma_start3A_206 = tpu.memref_slice %arg3[%add3A_203, %dma_start3A_205] : memref<320000x128xf32, #tpu.memory_space<hbm>> -> memref<80x128xf32, #tpu.memory_space<hbm>>
        tpu.enqueue_dma source(%dma_start3A_206 : memref<80x128xf32, #tpu.memory_space<hbm>>) target(%arg14 : memref<80x128xf32, #tpu.memory_space<vmem>>) target_semaphore(%arg18 : memref<!tpu.dma_semaphore, #tpu.memory_space<semaphore_mem>>)
        %scan3A_207 = arith.constant 0 : i32
        %scan3A_208 = arith.constant 25 : i32
        %scan3A_209 = arith.addi %scan3A_207, %scan3A_208 : i32
        %scan3A_210 = arith.constant 1 : i32
        scf.for %scan3A_214 = %scan3A_207 to %scan3A_209 step %scan3A_210  : i32 {
          %mul3A_215 = arith.constant 1 : i32
          %mul3A_216 = arith.muli %scan3A_214, %mul3A_215 : i32
          %add3A_217 = arith.constant 0 : i32
          %add3A_218 = arith.addi %add3A_217, %mul3A_216 : i32
          %mul3A_219 = arith.constant 2 : i32
          %mul3A_220 = arith.muli %mul3A_219, %add3A_218 : i32
          %add3A_221 = arith.constant 0 : i32
          %add3A_222 = arith.addi %mul3A_220, %add3A_221 : i32
          %mul3A_223 = arith.constant 80 : i32
          %mul3A_224 = arith.muli %add3A_222, %mul3A_223 : i32
          %add3A_225 = arith.addi %add3A_201, %mul3A_224 : i32
          %dma_wait3A_226 = arith.constant 0 : i32
          %dma_wait3A_227 = tpu.memref_slice %arg3[%add3A_225, %dma_wait3A_226] : memref<320000x128xf32, #tpu.memory_space<hbm>> -> memref<80x128xf32, #tpu.memory_space<hbm>>
          %dma_wait3A_228 = arith.constant 0 : i32
          %dma_wait3A_229 = tpu.memref_slice %arg3[%add3A_225, %dma_wait3A_228] : memref<320000x128xf32, #tpu.memory_space<hbm>> -> memref<80x128xf32, #tpu.memory_space<hbm>>
          tpu.wait_dma2 semaphore(%arg18 : memref<!tpu.dma_semaphore, #tpu.memory_space<semaphore_mem>>) src(%dma_wait3A_229 : memref<80x128xf32, #tpu.memory_space<hbm>>) dst(%arg14 : memref<80x128xf32, #tpu.memory_space<vmem>>)
          %ge3A = arith.constant 1 : i32
          %ge3A_230 = arith.cmpi sge, %add3A_222, %ge3A : i32
          %convert_element_type3A_231 = arith.extui %ge3A_230 : i1 to i32
          %cond3A_232 = arith.constant 0 : i32
          %cond3A_233 = arith.cmpi ne, %convert_element_type3A_231, %cond3A_232 : i32
          scf.if %cond3A_233 {
            %dma_wait3A_378 = arith.constant 0 : i32
            %dma_wait3A_379 = arith.constant 0 : i32
            %dma_wait3A_380 = tpu.memref_slice %arg22[%dma_wait3A_378, %dma_wait3A_379] : memref<10000x128xf32, #tpu.memory_space<vmem_shared>> -> memref<10000x128xf32, #tpu.memory_space<vmem_shared>>
            tpu.wait_indirect_dma semaphore(%arg21 : memref<!tpu.dma_semaphore, #tpu.memory_space<semaphore_mem>>) src(%arg15 : memref<80x128xf32, #tpu.memory_space<vmem>>) dst(%dma_wait3A_380 : memref<10000x128xf32, #tpu.memory_space<vmem_shared>>)
          } else {
          }
          %add3A_234 = arith.constant 1 : i32
          %add3A_235 = arith.addi %add3A_222, %add3A_234 : i32
          %mul3A_236 = arith.constant 80 : i32
          %mul3A_237 = arith.muli %add3A_235, %mul3A_236 : i32
          %add3A_238 = arith.addi %add3A_201, %mul3A_237 : i32
          %dma_start3A_239 = arith.constant 0 : i32
          %dma_start3A_240 = tpu.memref_slice %arg3[%add3A_238, %dma_start3A_239] : memref<320000x128xf32, #tpu.memory_space<hbm>> -> memref<80x128xf32, #tpu.memory_space<hbm>>
          %dma_start3A_241 = arith.constant 0 : i32
          %dma_start3A_242 = tpu.memref_slice %arg3[%add3A_238, %dma_start3A_241] : memref<320000x128xf32, #tpu.memory_space<hbm>> -> memref<80x128xf32, #tpu.memory_space<hbm>>
          tpu.enqueue_dma source(%dma_start3A_242 : memref<80x128xf32, #tpu.memory_space<hbm>>) target(%arg15 : memref<80x128xf32, #tpu.memory_space<vmem>>) target_semaphore(%arg19 : memref<!tpu.dma_semaphore, #tpu.memory_space<semaphore_mem>>)
          %mul3A_243 = arith.constant 80 : i32
          %mul3A_244 = arith.muli %add3A_222, %mul3A_243 : i32
          %add3A_245 = arith.constant 0 : i32
          %add3A_246 = arith.addi %mul3A_244, %add3A_245 : i32
          %get3A = arith.index_cast %add3A_246 : i32 to index
          %get3A_247 = tpu.vector_load %arg9[%get3A] {strides = array<i32>} : memref<4000xi32, #tpu.memory_space<vmem>>, vector<16xi32>,
          %get3A_248 = vector.shape_cast %get3A_247 : vector<16xi32> to vector<16xi32>
          %swap3A = arith.constant 0 : index
          %swap3A_249 = tpu.vector_load %arg10[%swap3A] {strides = array<i32>} : memref<80xi32, #tpu.memory_space<vmem>>, vector<16xi32>,
          %swap3A_250 = vector.shape_cast %swap3A_249 : vector<16xi32> to vector<16xi32>
          %swap3A_251 = vector.shape_cast %get3A_248 : vector<16xi32> to vector<16xi32>
          tpu.vector_store %arg10[%swap3A], %swap3A_251 {strides = array<i32>} : memref<80xi32, #tpu.memory_space<vmem>>, vector<16xi32>,
          %mul3A_252 = arith.constant 80 : i32
          %mul3A_253 = arith.muli %add3A_222, %mul3A_252 : i32
          %add3A_254 = arith.constant 16 : i32
          %add3A_255 = arith.addi %mul3A_253, %add3A_254 : i32
          %get3A_256 = arith.index_cast %add3A_255 : i32 to index
          %get3A_257 = tpu.vector_load %arg9[%get3A_256] {strides = array<i32>} : memref<4000xi32, #tpu.memory_space<vmem>>, vector<16xi32>,
          %get3A_258 = vector.shape_cast %get3A_257 : vector<16xi32> to vector<16xi32>
          %swap3A_259 = arith.constant 16 : index
          %swap3A_260 = tpu.vector_load %arg10[%swap3A_259] {strides = array<i32>} : memref<80xi32, #tpu.memory_space<vmem>>, vector<16xi32>,
          %swap3A_261 = vector.shape_cast %swap3A_260 : vector<16xi32> to vector<16xi32>
          %swap3A_262 = vector.shape_cast %get3A_258 : vector<16xi32> to vector<16xi32>
          tpu.vector_store %arg10[%swap3A_259], %swap3A_262 {strides = array<i32>} : memref<80xi32, #tpu.memory_space<vmem>>, vector<16xi32>,
          %mul3A_263 = arith.constant 80 : i32
          %mul3A_264 = arith.muli %add3A_222, %mul3A_263 : i32
          %add3A_265 = arith.constant 32 : i32
          %add3A_266 = arith.addi %mul3A_264, %add3A_265 : i32
          %get3A_267 = arith.index_cast %add3A_266 : i32 to index
          %get3A_268 = tpu.vector_load %arg9[%get3A_267] {strides = array<i32>} : memref<4000xi32, #tpu.memory_space<vmem>>, vector<16xi32>,
          %get3A_269 = vector.shape_cast %get3A_268 : vector<16xi32> to vector<16xi32>
          %swap3A_270 = arith.constant 32 : index
          %swap3A_271 = tpu.vector_load %arg10[%swap3A_270] {strides = array<i32>} : memref<80xi32, #tpu.memory_space<vmem>>, vector<16xi32>,
          %swap3A_272 = vector.shape_cast %swap3A_271 : vector<16xi32> to vector<16xi32>
          %swap3A_273 = vector.shape_cast %get3A_269 : vector<16xi32> to vector<16xi32>
          tpu.vector_store %arg10[%swap3A_270], %swap3A_273 {strides = array<i32>} : memref<80xi32, #tpu.memory_space<vmem>>, vector<16xi32>,
          %mul3A_274 = arith.constant 80 : i32
          %mul3A_275 = arith.muli %add3A_222, %mul3A_274 : i32
          %add3A_276 = arith.constant 48 : i32
          %add3A_277 = arith.addi %mul3A_275, %add3A_276 : i32
          %get3A_278 = arith.index_cast %add3A_277 : i32 to index
          %get3A_279 = tpu.vector_load %arg9[%get3A_278] {strides = array<i32>} : memref<4000xi32, #tpu.memory_space<vmem>>, vector<16xi32>,
          %get3A_280 = vector.shape_cast %get3A_279 : vector<16xi32> to vector<16xi32>
          %swap3A_281 = arith.constant 48 : index
          %swap3A_282 = tpu.vector_load %arg10[%swap3A_281] {strides = array<i32>} : memref<80xi32, #tpu.memory_space<vmem>>, vector<16xi32>,
          %swap3A_283 = vector.shape_cast %swap3A_282 : vector<16xi32> to vector<16xi32>
          %swap3A_284 = vector.shape_cast %get3A_280 : vector<16xi32> to vector<16xi32>
          tpu.vector_store %arg10[%swap3A_281], %swap3A_284 {strides = array<i32>} : memref<80xi32, #tpu.memory_space<vmem>>, vector<16xi32>,
          %mul3A_285 = arith.constant 80 : i32
          %mul3A_286 = arith.muli %add3A_222, %mul3A_285 : i32
          %add3A_287 = arith.constant 64 : i32
          %add3A_288 = arith.addi %mul3A_286, %add3A_287 : i32
          %get3A_289 = arith.index_cast %add3A_288 : i32 to index
          %get3A_290 = tpu.vector_load %arg9[%get3A_289] {strides = array<i32>} : memref<4000xi32, #tpu.memory_space<vmem>>, vector<16xi32>,
          %get3A_291 = vector.shape_cast %get3A_290 : vector<16xi32> to vector<16xi32>
          %swap3A_292 = arith.constant 64 : index
          %swap3A_293 = tpu.vector_load %arg10[%swap3A_292] {strides = array<i32>} : memref<80xi32, #tpu.memory_space<vmem>>, vector<16xi32>,
          %swap3A_294 = vector.shape_cast %swap3A_293 : vector<16xi32> to vector<16xi32>
          %swap3A_295 = vector.shape_cast %get3A_291 : vector<16xi32> to vector<16xi32>
          tpu.vector_store %arg10[%swap3A_292], %swap3A_295 {strides = array<i32>} : memref<80xi32, #tpu.memory_space<vmem>>, vector<16xi32>,
          %dma_start3A_296 = arith.constant 0 : i32
          %dma_start3A_297 = arith.constant 0 : i32
          %dma_start3A_298 = tpu.memref_slice %arg22[%dma_start3A_296, %dma_start3A_297] : memref<10000x128xf32, #tpu.memory_space<vmem_shared>> -> memref<10000x128xf32, #tpu.memory_space<vmem_shared>>
          tpu.enqueue_indirect_dma source(%arg14 : memref<80x128xf32, #tpu.memory_space<vmem>>) target(%dma_start3A_298 : memref<10000x128xf32, #tpu.memory_space<vmem_shared>>) offsets(%arg10 : memref<80xi32, #tpu.memory_space<vmem>>) semaphore(%arg20 : memref<!tpu.dma_semaphore, #tpu.memory_space<semaphore_mem>>) {add = true}
          %mul3A_299 = arith.constant 2 : i32
          %mul3A_300 = arith.muli %mul3A_299, %add3A_218 : i32
          %add3A_301 = arith.constant 1 : i32
          %add3A_302 = arith.addi %mul3A_300, %add3A_301 : i32
          %mul3A_303 = arith.constant 80 : i32
          %mul3A_304 = arith.muli %add3A_302, %mul3A_303 : i32
          %add3A_305 = arith.addi %add3A_201, %mul3A_304 : i32
          %dma_wait3A_306 = arith.constant 0 : i32
          %dma_wait3A_307 = tpu.memref_slice %arg3[%add3A_305, %dma_wait3A_306] : memref<320000x128xf32, #tpu.memory_space<hbm>> -> memref<80x128xf32, #tpu.memory_space<hbm>>
          %dma_wait3A_308 = arith.constant 0 : i32
          %dma_wait3A_309 = tpu.memref_slice %arg3[%add3A_305, %dma_wait3A_308] : memref<320000x128xf32, #tpu.memory_space<hbm>> -> memref<80x128xf32, #tpu.memory_space<hbm>>
          tpu.wait_dma2 semaphore(%arg19 : memref<!tpu.dma_semaphore, #tpu.memory_space<semaphore_mem>>) src(%dma_wait3A_309 : memref<80x128xf32, #tpu.memory_space<hbm>>) dst(%arg15 : memref<80x128xf32, #tpu.memory_space<vmem>>)
          %ge3A_310 = arith.constant 1 : i32
          %ge3A_311 = arith.cmpi sge, %add3A_302, %ge3A_310 : i32
          %convert_element_type3A_312 = arith.extui %ge3A_311 : i1 to i32
          %cond3A_313 = arith.constant 0 : i32
          %cond3A_314 = arith.cmpi ne, %convert_element_type3A_312, %cond3A_313 : i32
          scf.if %cond3A_314 {
            %dma_wait3A_378 = arith.constant 0 : i32
            %dma_wait3A_379 = arith.constant 0 : i32
            %dma_wait3A_380 = tpu.memref_slice %arg22[%dma_wait3A_378, %dma_wait3A_379] : memref<10000x128xf32, #tpu.memory_space<vmem_shared>> -> memref<10000x128xf32, #tpu.memory_space<vmem_shared>>
            tpu.wait_indirect_dma semaphore(%arg20 : memref<!tpu.dma_semaphore, #tpu.memory_space<semaphore_mem>>) src(%arg14 : memref<80x128xf32, #tpu.memory_space<vmem>>) dst(%dma_wait3A_380 : memref<10000x128xf32, #tpu.memory_space<vmem_shared>>)
          } else {
          }
          %lt3A_315 = arith.constant 24 : i32
          %lt3A_316 = arith.cmpi slt, %add3A_218, %lt3A_315 : i32
          %convert_element_type3A_317 = arith.extui %lt3A_316 : i1 to i32
          %cond3A_318 = arith.constant 0 : i32
          %cond3A_319 = arith.cmpi ne, %convert_element_type3A_317, %cond3A_318 : i32
          scf.if %cond3A_319 {
            %add3A_378 = arith.constant 1 : i32
            %add3A_379 = arith.addi %add3A_302, %add3A_378 : i32
            %mul3A_380 = arith.constant 80 : i32
            %mul3A_381 = arith.muli %add3A_379, %mul3A_380 : i32
            %add3A_382 = arith.addi %add3A_201, %mul3A_381 : i32
            %dma_start3A_383 = arith.constant 0 : i32
            %dma_start3A_384 = tpu.memref_slice %arg3[%add3A_382, %dma_start3A_383] : memref<320000x128xf32, #tpu.memory_space<hbm>> -> memref<80x128xf32, #tpu.memory_space<hbm>>
            %dma_start3A_385 = arith.constant 0 : i32
            %dma_start3A_386 = tpu.memref_slice %arg3[%add3A_382, %dma_start3A_385] : memref<320000x128xf32, #tpu.memory_space<hbm>> -> memref<80x128xf32, #tpu.memory_space<hbm>>
            tpu.enqueue_dma source(%dma_start3A_386 : memref<80x128xf32, #tpu.memory_space<hbm>>) target(%arg14 : memref<80x128xf32, #tpu.memory_space<vmem>>) target_semaphore(%arg18 : memref<!tpu.dma_semaphore, #tpu.memory_space<semaphore_mem>>)
          } else {
          }
          %mul3A_320 = arith.constant 80 : i32
          %mul3A_321 = arith.muli %add3A_302, %mul3A_320 : i32
          %add3A_322 = arith.constant 0 : i32
          %add3A_323 = arith.addi %mul3A_321, %add3A_322 : i32
          %get3A_324 = arith.index_cast %add3A_323 : i32 to index
          %get3A_325 = tpu.vector_load %arg9[%get3A_324] {strides = array<i32>} : memref<4000xi32, #tpu.memory_space<vmem>>, vector<16xi32>,
          %get3A_326 = vector.shape_cast %get3A_325 : vector<16xi32> to vector<16xi32>
          %swap3A_327 = arith.constant 0 : index
          %swap3A_328 = tpu.vector_load %arg11[%swap3A_327] {strides = array<i32>} : memref<80xi32, #tpu.memory_space<vmem>>, vector<16xi32>,
          %swap3A_329 = vector.shape_cast %swap3A_328 : vector<16xi32> to vector<16xi32>
          %swap3A_330 = vector.shape_cast %get3A_326 : vector<16xi32> to vector<16xi32>
          tpu.vector_store %arg11[%swap3A_327], %swap3A_330 {strides = array<i32>} : memref<80xi32, #tpu.memory_space<vmem>>, vector<16xi32>,
          %mul3A_331 = arith.constant 80 : i32
          %mul3A_332 = arith.muli %add3A_302, %mul3A_331 : i32
          %add3A_333 = arith.constant 16 : i32
          %add3A_334 = arith.addi %mul3A_332, %add3A_333 : i32
          %get3A_335 = arith.index_cast %add3A_334 : i32 to index
          %get3A_336 = tpu.vector_load %arg9[%get3A_335] {strides = array<i32>} : memref<4000xi32, #tpu.memory_space<vmem>>, vector<16xi32>,
          %get3A_337 = vector.shape_cast %get3A_336 : vector<16xi32> to vector<16xi32>
          %swap3A_338 = arith.constant 16 : index
          %swap3A_339 = tpu.vector_load %arg11[%swap3A_338] {strides = array<i32>} : memref<80xi32, #tpu.memory_space<vmem>>, vector<16xi32>,
          %swap3A_340 = vector.shape_cast %swap3A_339 : vector<16xi32> to vector<16xi32>
          %swap3A_341 = vector.shape_cast %get3A_337 : vector<16xi32> to vector<16xi32>
          tpu.vector_store %arg11[%swap3A_338], %swap3A_341 {strides = array<i32>} : memref<80xi32, #tpu.memory_space<vmem>>, vector<16xi32>,
          %mul3A_342 = arith.constant 80 : i32
          %mul3A_343 = arith.muli %add3A_302, %mul3A_342 : i32
          %add3A_344 = arith.constant 32 : i32
          %add3A_345 = arith.addi %mul3A_343, %add3A_344 : i32
          %get3A_346 = arith.index_cast %add3A_345 : i32 to index
          %get3A_347 = tpu.vector_load %arg9[%get3A_346] {strides = array<i32>} : memref<4000xi32, #tpu.memory_space<vmem>>, vector<16xi32>,
          %get3A_348 = vector.shape_cast %get3A_347 : vector<16xi32> to vector<16xi32>
          %swap3A_349 = arith.constant 32 : index
          %swap3A_350 = tpu.vector_load %arg11[%swap3A_349] {strides = array<i32>} : memref<80xi32, #tpu.memory_space<vmem>>, vector<16xi32>,
          %swap3A_351 = vector.shape_cast %swap3A_350 : vector<16xi32> to vector<16xi32>
          %swap3A_352 = vector.shape_cast %get3A_348 : vector<16xi32> to vector<16xi32>
          tpu.vector_store %arg11[%swap3A_349], %swap3A_352 {strides = array<i32>} : memref<80xi32, #tpu.memory_space<vmem>>, vector<16xi32>,
          %mul3A_353 = arith.constant 80 : i32
          %mul3A_354 = arith.muli %add3A_302, %mul3A_353 : i32
          %add3A_355 = arith.constant 48 : i32
          %add3A_356 = arith.addi %mul3A_354, %add3A_355 : i32
          %get3A_357 = arith.index_cast %add3A_356 : i32 to index
          %get3A_358 = tpu.vector_load %arg9[%get3A_357] {strides = array<i32>} : memref<4000xi32, #tpu.memory_space<vmem>>, vector<16xi32>,
          %get3A_359 = vector.shape_cast %get3A_358 : vector<16xi32> to vector<16xi32>
          %swap3A_360 = arith.constant 48 : index
          %swap3A_361 = tpu.vector_load %arg11[%swap3A_360] {strides = array<i32>} : memref<80xi32, #tpu.memory_space<vmem>>, vector<16xi32>,
          %swap3A_362 = vector.shape_cast %swap3A_361 : vector<16xi32> to vector<16xi32>
          %swap3A_363 = vector.shape_cast %get3A_359 : vector<16xi32> to vector<16xi32>
          tpu.vector_store %arg11[%swap3A_360], %swap3A_363 {strides = array<i32>} : memref<80xi32, #tpu.memory_space<vmem>>, vector<16xi32>,
          %mul3A_364 = arith.constant 80 : i32
          %mul3A_365 = arith.muli %add3A_302, %mul3A_364 : i32
          %add3A_366 = arith.constant 64 : i32
          %add3A_367 = arith.addi %mul3A_365, %add3A_366 : i32
          %get3A_368 = arith.index_cast %add3A_367 : i32 to index
          %get3A_369 = tpu.vector_load %arg9[%get3A_368] {strides = array<i32>} : memref<4000xi32, #tpu.memory_space<vmem>>, vector<16xi32>,
          %get3A_370 = vector.shape_cast %get3A_369 : vector<16xi32> to vector<16xi32>
          %swap3A_371 = arith.constant 64 : index
          %swap3A_372 = tpu.vector_load %arg11[%swap3A_371] {strides = array<i32>} : memref<80xi32, #tpu.memory_space<vmem>>, vector<16xi32>,
          %swap3A_373 = vector.shape_cast %swap3A_372 : vector<16xi32> to vector<16xi32>
          %swap3A_374 = vector.shape_cast %get3A_370 : vector<16xi32> to vector<16xi32>
          tpu.vector_store %arg11[%swap3A_371], %swap3A_374 {strides = array<i32>} : memref<80xi32, #tpu.memory_space<vmem>>, vector<16xi32>,
          %dma_start3A_375 = arith.constant 0 : i32
          %dma_start3A_376 = arith.constant 0 : i32
          %dma_start3A_377 = tpu.memref_slice %arg22[%dma_start3A_375, %dma_start3A_376] : memref<10000x128xf32, #tpu.memory_space<vmem_shared>> -> memref<10000x128xf32, #tpu.memory_space<vmem_shared>>
          tpu.enqueue_indirect_dma source(%arg15 : memref<80x128xf32, #tpu.memory_space<vmem>>) target(%dma_start3A_377 : memref<10000x128xf32, #tpu.memory_space<vmem_shared>>) offsets(%arg11 : memref<80xi32, #tpu.memory_space<vmem>>) semaphore(%arg21 : memref<!tpu.dma_semaphore, #tpu.memory_space<semaphore_mem>>) {add = true}
        }
        %scan3A_211 = arith.constant 25 : i32
        %dma_wait3A = arith.constant 0 : i32
        %dma_wait3A_212 = arith.constant 0 : i32
        %dma_wait3A_213 = tpu.memref_slice %arg22[%dma_wait3A, %dma_wait3A_212] : memref<10000x128xf32, #tpu.memory_space<vmem_shared>> -> memref<10000x128xf32, #tpu.memory_space<vmem_shared>>
        tpu.wait_indirect_dma semaphore(%arg21 : memref<!tpu.dma_semaphore, #tpu.memory_space<semaphore_mem>>) src(%arg15 : memref<80x128xf32, #tpu.memory_space<vmem>>) dst(%dma_wait3A_213 : memref<10000x128xf32, #tpu.memory_space<vmem_shared>>)
      }
      %scan3A_191 = arith.constant 5 : i32
    } else {
    }
    %barrier3A_67 = arith.constant 0 : index
    tpu.barrier barrier_id(%barrier3A_67)
    %add3A_68 = arith.constant 0 : i32
    %add3A_69 = arith.addi %arg1, %add3A_68 : i32
    %sub3A = arith.constant 32 : i32
    %sub3A_70 = arith.subi %add3A_69, %sub3A : i32
    %lt3A_71 = arith.constant 125 : i32
    %lt3A_72 = arith.cmpi slt, %add3A_69, %lt3A_71 : i32
    %convert_element_type3A_73 = arith.extui %lt3A_72 : i1 to i32
    %cond3A_74 = arith.constant 0 : i32
    %cond3A_75 = arith.cmpi ne, %convert_element_type3A_73, %cond3A_74 : i32
    scf.if %cond3A_75 {
      %mul3A_187 = arith.constant 80 : i32
      %mul3A_188 = arith.muli %add3A_69, %mul3A_187 : i32
      "tpu.region"() ({
        %run_scoped3A = tpu.sem_alloc : memref<!tpu.dma_semaphore, #tpu.memory_space<semaphore_mem>>
        %dma_start3A = arith.constant 0 : i32
        %dma_start3A_199 = tpu.memref_slice %arg22[%mul3A_188, %dma_start3A] : memref<10000x128xf32, #tpu.memory_space<vmem_shared>> -> memref<80x128xf32, #tpu.memory_space<vmem_shared>>
        %dma_start3A_200 = arith.constant 0 : i32
        %dma_start3A_201 = tpu.memref_slice %arg22[%mul3A_188, %dma_start3A_200] : memref<10000x128xf32, #tpu.memory_space<vmem_shared>> -> memref<80x128xf32, #tpu.memory_space<vmem_shared>>
        tpu.enqueue_dma source(%dma_start3A_201 : memref<80x128xf32, #tpu.memory_space<vmem_shared>>) target(%arg12 : memref<80x128xf32, #tpu.memory_space<vmem>>) target_semaphore(%run_scoped3A : memref<!tpu.dma_semaphore, #tpu.memory_space<semaphore_mem>>)
        %dma_wait3A = arith.constant 0 : i32
        %dma_wait3A_202 = tpu.memref_slice %arg22[%mul3A_188, %dma_wait3A] : memref<10000x128xf32, #tpu.memory_space<vmem_shared>> -> memref<80x128xf32, #tpu.memory_space<vmem_shared>>
        %dma_wait3A_203 = arith.constant 0 : i32
        %dma_wait3A_204 = tpu.memref_slice %arg22[%mul3A_188, %dma_wait3A_203] : memref<10000x128xf32, #tpu.memory_space<vmem_shared>> -> memref<80x128xf32, #tpu.memory_space<vmem_shared>>
        tpu.wait_dma2 semaphore(%run_scoped3A : memref<!tpu.dma_semaphore, #tpu.memory_space<semaphore_mem>>) src(%dma_wait3A_204 : memref<80x128xf32, #tpu.memory_space<vmem_shared>>) dst(%arg12 : memref<80x128xf32, #tpu.memory_space<vmem>>)
        tpu.yield
      }) : () -> ()
      %eq3A_189 = arith.constant 0 : i32
      %eq3A_190 = arith.cmpi eq, %arg0, %eq3A_189 : i32
      %convert_element_type3A_191 = arith.extui %eq3A_190 : i1 to i32
      %cond3A_192 = arith.constant 0 : i32
      %cond3A_193 = arith.cmpi ne, %convert_element_type3A_191, %cond3A_192 : i32
      scf.if %cond3A_193 {
        %dma_start3A = arith.constant 0 : i32
        %dma_start3A_199 = tpu.memref_slice %arg6[%mul3A_188, %dma_start3A] : memref<10000x128xf32, #tpu.memory_space<hbm>> -> memref<80x128xf32, #tpu.memory_space<hbm>>
        %dma_start3A_200 = arith.constant 0 : i32
        %dma_start3A_201 = tpu.memref_slice %arg6[%mul3A_188, %dma_start3A_200] : memref<10000x128xf32, #tpu.memory_space<hbm>> -> memref<80x128xf32, #tpu.memory_space<hbm>>
        tpu.enqueue_dma source(%arg12 : memref<80x128xf32, #tpu.memory_space<vmem>>) target(%dma_start3A_201 : memref<80x128xf32, #tpu.memory_space<hbm>>) target_semaphore(%arg16 : memref<!tpu.dma_semaphore, #tpu.memory_space<semaphore_mem>>)
      } else {
      }
      %eq3A_194 = arith.constant 1 : i32
      %eq3A_195 = arith.cmpi eq, %arg0, %eq3A_194 : i32
      %convert_element_type3A_196 = arith.extui %eq3A_195 : i1 to i32
      %cond3A_197 = arith.constant 0 : i32
      %cond3A_198 = arith.cmpi ne, %convert_element_type3A_196, %cond3A_197 : i32
      scf.if %cond3A_198 {
        %dma_start3A = arith.constant 0 : i32
        %dma_start3A_199 = tpu.memref_slice %arg7[%mul3A_188, %dma_start3A] : memref<10000x128xf32, #tpu.memory_space<hbm>> -> memref<80x128xf32, #tpu.memory_space<hbm>>
        %dma_start3A_200 = arith.constant 0 : i32
        %dma_start3A_201 = tpu.memref_slice %arg7[%mul3A_188, %dma_start3A_200] : memref<10000x128xf32, #tpu.memory_space<hbm>> -> memref<80x128xf32, #tpu.memory_space<hbm>>
        tpu.enqueue_dma source(%arg12 : memref<80x128xf32, #tpu.memory_space<vmem>>) target(%dma_start3A_201 : memref<80x128xf32, #tpu.memory_space<hbm>>) target_semaphore(%arg16 : memref<!tpu.dma_semaphore, #tpu.memory_space<semaphore_mem>>)
      } else {
      }
    } else {
    }
    %add3A_76 = arith.constant 16 : i32
    %add3A_77 = arith.addi %arg1, %add3A_76 : i32
    %sub3A_78 = arith.constant 32 : i32
    %sub3A_79 = arith.subi %add3A_77, %sub3A_78 : i32
    %lt3A_80 = arith.constant 125 : i32
    %lt3A_81 = arith.cmpi slt, %add3A_77, %lt3A_80 : i32
    %convert_element_type3A_82 = arith.extui %lt3A_81 : i1 to i32
    %cond3A_83 = arith.constant 0 : i32
    %cond3A_84 = arith.cmpi ne, %convert_element_type3A_82, %cond3A_83 : i32
    scf.if %cond3A_84 {
      %mul3A_187 = arith.constant 80 : i32
      %mul3A_188 = arith.muli %add3A_77, %mul3A_187 : i32
      "tpu.region"() ({
        %run_scoped3A = tpu.sem_alloc : memref<!tpu.dma_semaphore, #tpu.memory_space<semaphore_mem>>
        %dma_start3A = arith.constant 0 : i32
        %dma_start3A_199 = tpu.memref_slice %arg22[%mul3A_188, %dma_start3A] : memref<10000x128xf32, #tpu.memory_space<vmem_shared>> -> memref<80x128xf32, #tpu.memory_space<vmem_shared>>
        %dma_start3A_200 = arith.constant 0 : i32
        %dma_start3A_201 = tpu.memref_slice %arg22[%mul3A_188, %dma_start3A_200] : memref<10000x128xf32, #tpu.memory_space<vmem_shared>> -> memref<80x128xf32, #tpu.memory_space<vmem_shared>>
        tpu.enqueue_dma source(%dma_start3A_201 : memref<80x128xf32, #tpu.memory_space<vmem_shared>>) target(%arg13 : memref<80x128xf32, #tpu.memory_space<vmem>>) target_semaphore(%run_scoped3A : memref<!tpu.dma_semaphore, #tpu.memory_space<semaphore_mem>>)
        %dma_wait3A = arith.constant 0 : i32
        %dma_wait3A_202 = tpu.memref_slice %arg22[%mul3A_188, %dma_wait3A] : memref<10000x128xf32, #tpu.memory_space<vmem_shared>> -> memref<80x128xf32, #tpu.memory_space<vmem_shared>>
        %dma_wait3A_203 = arith.constant 0 : i32
        %dma_wait3A_204 = tpu.memref_slice %arg22[%mul3A_188, %dma_wait3A_203] : memref<10000x128xf32, #tpu.memory_space<vmem_shared>> -> memref<80x128xf32, #tpu.memory_space<vmem_shared>>
        tpu.wait_dma2 semaphore(%run_scoped3A : memref<!tpu.dma_semaphore, #tpu.memory_space<semaphore_mem>>) src(%dma_wait3A_204 : memref<80x128xf32, #tpu.memory_space<vmem_shared>>) dst(%arg13 : memref<80x128xf32, #tpu.memory_space<vmem>>)
        tpu.yield
      }) : () -> ()
      %eq3A_189 = arith.constant 0 : i32
      %eq3A_190 = arith.cmpi eq, %arg0, %eq3A_189 : i32
      %convert_element_type3A_191 = arith.extui %eq3A_190 : i1 to i32
      %cond3A_192 = arith.constant 0 : i32
      %cond3A_193 = arith.cmpi ne, %convert_element_type3A_191, %cond3A_192 : i32
      scf.if %cond3A_193 {
        %dma_start3A = arith.constant 0 : i32
        %dma_start3A_199 = tpu.memref_slice %arg6[%mul3A_188, %dma_start3A] : memref<10000x128xf32, #tpu.memory_space<hbm>> -> memref<80x128xf32, #tpu.memory_space<hbm>>
        %dma_start3A_200 = arith.constant 0 : i32
        %dma_start3A_201 = tpu.memref_slice %arg6[%mul3A_188, %dma_start3A_200] : memref<10000x128xf32, #tpu.memory_space<hbm>> -> memref<80x128xf32, #tpu.memory_space<hbm>>
        tpu.enqueue_dma source(%arg13 : memref<80x128xf32, #tpu.memory_space<vmem>>) target(%dma_start3A_201 : memref<80x128xf32, #tpu.memory_space<hbm>>) target_semaphore(%arg17 : memref<!tpu.dma_semaphore, #tpu.memory_space<semaphore_mem>>)
      } else {
      }
      %eq3A_194 = arith.constant 1 : i32
      %eq3A_195 = arith.cmpi eq, %arg0, %eq3A_194 : i32
      %convert_element_type3A_196 = arith.extui %eq3A_195 : i1 to i32
      %cond3A_197 = arith.constant 0 : i32
      %cond3A_198 = arith.cmpi ne, %convert_element_type3A_196, %cond3A_197 : i32
      scf.if %cond3A_198 {
        %dma_start3A = arith.constant 0 : i32
        %dma_start3A_199 = tpu.memref_slice %arg7[%mul3A_188, %dma_start3A] : memref<10000x128xf32, #tpu.memory_space<hbm>> -> memref<80x128xf32, #tpu.memory_space<hbm>>
        %dma_start3A_200 = arith.constant 0 : i32
        %dma_start3A_201 = tpu.memref_slice %arg7[%mul3A_188, %dma_start3A_200] : memref<10000x128xf32, #tpu.memory_space<hbm>> -> memref<80x128xf32, #tpu.memory_space<hbm>>
        tpu.enqueue_dma source(%arg13 : memref<80x128xf32, #tpu.memory_space<vmem>>) target(%dma_start3A_201 : memref<80x128xf32, #tpu.memory_space<hbm>>) target_semaphore(%arg17 : memref<!tpu.dma_semaphore, #tpu.memory_space<semaphore_mem>>)
      } else {
      }
    } else {
    }
    %add3A_85 = arith.constant 32 : i32
    %add3A_86 = arith.addi %arg1, %add3A_85 : i32
    %sub3A_87 = arith.constant 32 : i32
    %sub3A_88 = arith.subi %add3A_86, %sub3A_87 : i32
    %lt3A_89 = arith.constant 125 : i32
    %lt3A_90 = arith.cmpi slt, %sub3A_88, %lt3A_89 : i32
    %convert_element_type3A_91 = arith.extui %lt3A_90 : i1 to i32
    %cond3A_92 = arith.constant 0 : i32
    %cond3A_93 = arith.cmpi ne, %convert_element_type3A_91, %cond3A_92 : i32
    scf.if %cond3A_93 {
      %mul3A_187 = arith.constant 80 : i32
      %mul3A_188 = arith.muli %sub3A_88, %mul3A_187 : i32
      %eq3A_189 = arith.constant 0 : i32
      %eq3A_190 = arith.cmpi eq, %arg0, %eq3A_189 : i32
      %convert_element_type3A_191 = arith.extui %eq3A_190 : i1 to i32
      %cond3A_192 = arith.constant 0 : i32
      %cond3A_193 = arith.cmpi ne, %convert_element_type3A_191, %cond3A_192 : i32
      scf.if %cond3A_193 {
        %dma_wait3A = arith.constant 0 : i32
        %dma_wait3A_199 = tpu.memref_slice %arg6[%mul3A_188, %dma_wait3A] : memref<10000x128xf32, #tpu.memory_space<hbm>> -> memref<80x128xf32, #tpu.memory_space<hbm>>
        %dma_wait3A_200 = arith.constant 0 : i32
        %dma_wait3A_201 = tpu.memref_slice %arg6[%mul3A_188, %dma_wait3A_200] : memref<10000x128xf32, #tpu.memory_space<hbm>> -> memref<80x128xf32, #tpu.memory_space<hbm>>
        tpu.wait_dma2 semaphore(%arg16 : memref<!tpu.dma_semaphore, #tpu.memory_space<semaphore_mem>>) src(%arg12 : memref<80x128xf32, #tpu.memory_space<vmem>>) dst(%dma_wait3A_201 : memref<80x128xf32, #tpu.memory_space<hbm>>)
      } else {
      }
      %eq3A_194 = arith.constant 1 : i32
      %eq3A_195 = arith.cmpi eq, %arg0, %eq3A_194 : i32
      %convert_element_type3A_196 = arith.extui %eq3A_195 : i1 to i32
      %cond3A_197 = arith.constant 0 : i32
      %cond3A_198 = arith.cmpi ne, %convert_element_type3A_196, %cond3A_197 : i32
      scf.if %cond3A_198 {
        %dma_wait3A = arith.constant 0 : i32
        %dma_wait3A_199 = tpu.memref_slice %arg7[%mul3A_188, %dma_wait3A] : memref<10000x128xf32, #tpu.memory_space<hbm>> -> memref<80x128xf32, #tpu.memory_space<hbm>>
        %dma_wait3A_200 = arith.constant 0 : i32
        %dma_wait3A_201 = tpu.memref_slice %arg7[%mul3A_188, %dma_wait3A_200] : memref<10000x128xf32, #tpu.memory_space<hbm>> -> memref<80x128xf32, #tpu.memory_space<hbm>>
        tpu.wait_dma2 semaphore(%arg16 : memref<!tpu.dma_semaphore, #tpu.memory_space<semaphore_mem>>) src(%arg12 : memref<80x128xf32, #tpu.memory_space<vmem>>) dst(%dma_wait3A_201 : memref<80x128xf32, #tpu.memory_space<hbm>>)
      } else {
      }
    } else {
    }
    %lt3A_94 = arith.constant 125 : i32
    %lt3A_95 = arith.cmpi slt, %add3A_86, %lt3A_94 : i32
    %convert_element_type3A_96 = arith.extui %lt3A_95 : i1 to i32
    %cond3A_97 = arith.constant 0 : i32
    %cond3A_98 = arith.cmpi ne, %convert_element_type3A_96, %cond3A_97 : i32
    scf.if %cond3A_98 {
      %mul3A_187 = arith.constant 80 : i32
      %mul3A_188 = arith.muli %add3A_86, %mul3A_187 : i32
      "tpu.region"() ({
        %run_scoped3A = tpu.sem_alloc : memref<!tpu.dma_semaphore, #tpu.memory_space<semaphore_mem>>
        %dma_start3A = arith.constant 0 : i32
        %dma_start3A_199 = tpu.memref_slice %arg22[%mul3A_188, %dma_start3A] : memref<10000x128xf32, #tpu.memory_space<vmem_shared>> -> memref<80x128xf32, #tpu.memory_space<vmem_shared>>
        %dma_start3A_200 = arith.constant 0 : i32
        %dma_start3A_201 = tpu.memref_slice %arg22[%mul3A_188, %dma_start3A_200] : memref<10000x128xf32, #tpu.memory_space<vmem_shared>> -> memref<80x128xf32, #tpu.memory_space<vmem_shared>>
        tpu.enqueue_dma source(%dma_start3A_201 : memref<80x128xf32, #tpu.memory_space<vmem_shared>>) target(%arg12 : memref<80x128xf32, #tpu.memory_space<vmem>>) target_semaphore(%run_scoped3A : memref<!tpu.dma_semaphore, #tpu.memory_space<semaphore_mem>>)
        %dma_wait3A = arith.constant 0 : i32
        %dma_wait3A_202 = tpu.memref_slice %arg22[%mul3A_188, %dma_wait3A] : memref<10000x128xf32, #tpu.memory_space<vmem_shared>> -> memref<80x128xf32, #tpu.memory_space<vmem_shared>>
        %dma_wait3A_203 = arith.constant 0 : i32
        %dma_wait3A_204 = tpu.memref_slice %arg22[%mul3A_188, %dma_wait3A_203] : memref<10000x128xf32, #tpu.memory_space<vmem_shared>> -> memref<80x128xf32, #tpu.memory_space<vmem_shared>>
        tpu.wait_dma2 semaphore(%run_scoped3A : memref<!tpu.dma_semaphore, #tpu.memory_space<semaphore_mem>>) src(%dma_wait3A_204 : memref<80x128xf32, #tpu.memory_space<vmem_shared>>) dst(%arg12 : memref<80x128xf32, #tpu.memory_space<vmem>>)
        tpu.yield
      }) : () -> ()
      %eq3A_189 = arith.constant 0 : i32
      %eq3A_190 = arith.cmpi eq, %arg0, %eq3A_189 : i32
      %convert_element_type3A_191 = arith.extui %eq3A_190 : i1 to i32
      %cond3A_192 = arith.constant 0 : i32
      %cond3A_193 = arith.cmpi ne, %convert_element_type3A_191, %cond3A_192 : i32
      scf.if %cond3A_193 {
        %dma_start3A = arith.constant 0 : i32
        %dma_start3A_199 = tpu.memref_slice %arg6[%mul3A_188, %dma_start3A] : memref<10000x128xf32, #tpu.memory_space<hbm>> -> memref<80x128xf32, #tpu.memory_space<hbm>>
        %dma_start3A_200 = arith.constant 0 : i32
        %dma_start3A_201 = tpu.memref_slice %arg6[%mul3A_188, %dma_start3A_200] : memref<10000x128xf32, #tpu.memory_space<hbm>> -> memref<80x128xf32, #tpu.memory_space<hbm>>
        tpu.enqueue_dma source(%arg12 : memref<80x128xf32, #tpu.memory_space<vmem>>) target(%dma_start3A_201 : memref<80x128xf32, #tpu.memory_space<hbm>>) target_semaphore(%arg16 : memref<!tpu.dma_semaphore, #tpu.memory_space<semaphore_mem>>)
      } else {
      }
      %eq3A_194 = arith.constant 1 : i32
      %eq3A_195 = arith.cmpi eq, %arg0, %eq3A_194 : i32
      %convert_element_type3A_196 = arith.extui %eq3A_195 : i1 to i32
      %cond3A_197 = arith.constant 0 : i32
      %cond3A_198 = arith.cmpi ne, %convert_element_type3A_196, %cond3A_197 : i32
      scf.if %cond3A_198 {
        %dma_start3A = arith.constant 0 : i32
        %dma_start3A_199 = tpu.memref_slice %arg7[%mul3A_188, %dma_start3A] : memref<10000x128xf32, #tpu.memory_space<hbm>> -> memref<80x128xf32, #tpu.memory_space<hbm>>
        %dma_start3A_200 = arith.constant 0 : i32
        %dma_start3A_201 = tpu.memref_slice %arg7[%mul3A_188, %dma_start3A_200] : memref<10000x128xf32, #tpu.memory_space<hbm>> -> memref<80x128xf32, #tpu.memory_space<hbm>>
        tpu.enqueue_dma source(%arg12 : memref<80x128xf32, #tpu.memory_space<vmem>>) target(%dma_start3A_201 : memref<80x128xf32, #tpu.memory_space<hbm>>) target_semaphore(%arg16 : memref<!tpu.dma_semaphore, #tpu.memory_space<semaphore_mem>>)
      } else {
      }
    } else {
    }
    %add3A_99 = arith.constant 48 : i32
    %add3A_100 = arith.addi %arg1, %add3A_99 : i32
    %sub3A_101 = arith.constant 32 : i32
    %sub3A_102 = arith.subi %add3A_100, %sub3A_101 : i32
    %lt3A_103 = arith.constant 125 : i32
    %lt3A_104 = arith.cmpi slt, %sub3A_102, %lt3A_103 : i32
    %convert_element_type3A_105 = arith.extui %lt3A_104 : i1 to i32
    %cond3A_106 = arith.constant 0 : i32
    %cond3A_107 = arith.cmpi ne, %convert_element_type3A_105, %cond3A_106 : i32
    scf.if %cond3A_107 {
      %mul3A_187 = arith.constant 80 : i32
      %mul3A_188 = arith.muli %sub3A_102, %mul3A_187 : i32
      %eq3A_189 = arith.constant 0 : i32
      %eq3A_190 = arith.cmpi eq, %arg0, %eq3A_189 : i32
      %convert_element_type3A_191 = arith.extui %eq3A_190 : i1 to i32
      %cond3A_192 = arith.constant 0 : i32
      %cond3A_193 = arith.cmpi ne, %convert_element_type3A_191, %cond3A_192 : i32
      scf.if %cond3A_193 {
        %dma_wait3A = arith.constant 0 : i32
        %dma_wait3A_199 = tpu.memref_slice %arg6[%mul3A_188, %dma_wait3A] : memref<10000x128xf32, #tpu.memory_space<hbm>> -> memref<80x128xf32, #tpu.memory_space<hbm>>
        %dma_wait3A_200 = arith.constant 0 : i32
        %dma_wait3A_201 = tpu.memref_slice %arg6[%mul3A_188, %dma_wait3A_200] : memref<10000x128xf32, #tpu.memory_space<hbm>> -> memref<80x128xf32, #tpu.memory_space<hbm>>
        tpu.wait_dma2 semaphore(%arg17 : memref<!tpu.dma_semaphore, #tpu.memory_space<semaphore_mem>>) src(%arg13 : memref<80x128xf32, #tpu.memory_space<vmem>>) dst(%dma_wait3A_201 : memref<80x128xf32, #tpu.memory_space<hbm>>)
      } else {
      }
      %eq3A_194 = arith.constant 1 : i32
      %eq3A_195 = arith.cmpi eq, %arg0, %eq3A_194 : i32
      %convert_element_type3A_196 = arith.extui %eq3A_195 : i1 to i32
      %cond3A_197 = arith.constant 0 : i32
      %cond3A_198 = arith.cmpi ne, %convert_element_type3A_196, %cond3A_197 : i32
      scf.if %cond3A_198 {
        %dma_wait3A = arith.constant 0 : i32
        %dma_wait3A_199 = tpu.memref_slice %arg7[%mul3A_188, %dma_wait3A] : memref<10000x128xf32, #tpu.memory_space<hbm>> -> memref<80x128xf32, #tpu.memory_space<hbm>>
        %dma_wait3A_200 = arith.constant 0 : i32
        %dma_wait3A_201 = tpu.memref_slice %arg7[%mul3A_188, %dma_wait3A_200] : memref<10000x128xf32, #tpu.memory_space<hbm>> -> memref<80x128xf32, #tpu.memory_space<hbm>>
        tpu.wait_dma2 semaphore(%arg17 : memref<!tpu.dma_semaphore, #tpu.memory_space<semaphore_mem>>) src(%arg13 : memref<80x128xf32, #tpu.memory_space<vmem>>) dst(%dma_wait3A_201 : memref<80x128xf32, #tpu.memory_space<hbm>>)
      } else {
      }
    } else {
    }
    %lt3A_108 = arith.constant 125 : i32
    %lt3A_109 = arith.cmpi slt, %add3A_100, %lt3A_108 : i32
    %convert_element_type3A_110 = arith.extui %lt3A_109 : i1 to i32
    %cond3A_111 = arith.constant 0 : i32
    %cond3A_112 = arith.cmpi ne, %convert_element_type3A_110, %cond3A_111 : i32
    scf.if %cond3A_112 {
      %mul3A_187 = arith.constant 80 : i32
      %mul3A_188 = arith.muli %add3A_100, %mul3A_187 : i32
      "tpu.region"() ({
        %run_scoped3A = tpu.sem_alloc : memref<!tpu.dma_semaphore, #tpu.memory_space<semaphore_mem>>
        %dma_start3A = arith.constant 0 : i32
        %dma_start3A_199 = tpu.memref_slice %arg22[%mul3A_188, %dma_start3A] : memref<10000x128xf32, #tpu.memory_space<vmem_shared>> -> memref<80x128xf32, #tpu.memory_space<vmem_shared>>
        %dma_start3A_200 = arith.constant 0 : i32
        %dma_start3A_201 = tpu.memref_slice %arg22[%mul3A_188, %dma_start3A_200] : memref<10000x128xf32, #tpu.memory_space<vmem_shared>> -> memref<80x128xf32, #tpu.memory_space<vmem_shared>>
        tpu.enqueue_dma source(%dma_start3A_201 : memref<80x128xf32, #tpu.memory_space<vmem_shared>>) target(%arg13 : memref<80x128xf32, #tpu.memory_space<vmem>>) target_semaphore(%run_scoped3A : memref<!tpu.dma_semaphore, #tpu.memory_space<semaphore_mem>>)
        %dma_wait3A = arith.constant 0 : i32
        %dma_wait3A_202 = tpu.memref_slice %arg22[%mul3A_188, %dma_wait3A] : memref<10000x128xf32, #tpu.memory_space<vmem_shared>> -> memref<80x128xf32, #tpu.memory_space<vmem_shared>>
        %dma_wait3A_203 = arith.constant 0 : i32
        %dma_wait3A_204 = tpu.memref_slice %arg22[%mul3A_188, %dma_wait3A_203] : memref<10000x128xf32, #tpu.memory_space<vmem_shared>> -> memref<80x128xf32, #tpu.memory_space<vmem_shared>>
        tpu.wait_dma2 semaphore(%run_scoped3A : memref<!tpu.dma_semaphore, #tpu.memory_space<semaphore_mem>>) src(%dma_wait3A_204 : memref<80x128xf32, #tpu.memory_space<vmem_shared>>) dst(%arg13 : memref<80x128xf32, #tpu.memory_space<vmem>>)
        tpu.yield
      }) : () -> ()
      %eq3A_189 = arith.constant 0 : i32
      %eq3A_190 = arith.cmpi eq, %arg0, %eq3A_189 : i32
      %convert_element_type3A_191 = arith.extui %eq3A_190 : i1 to i32
      %cond3A_192 = arith.constant 0 : i32
      %cond3A_193 = arith.cmpi ne, %convert_element_type3A_191, %cond3A_192 : i32
      scf.if %cond3A_193 {
        %dma_start3A = arith.constant 0 : i32
        %dma_start3A_199 = tpu.memref_slice %arg6[%mul3A_188, %dma_start3A] : memref<10000x128xf32, #tpu.memory_space<hbm>> -> memref<80x128xf32, #tpu.memory_space<hbm>>
        %dma_start3A_200 = arith.constant 0 : i32
        %dma_start3A_201 = tpu.memref_slice %arg6[%mul3A_188, %dma_start3A_200] : memref<10000x128xf32, #tpu.memory_space<hbm>> -> memref<80x128xf32, #tpu.memory_space<hbm>>
        tpu.enqueue_dma source(%arg13 : memref<80x128xf32, #tpu.memory_space<vmem>>) target(%dma_start3A_201 : memref<80x128xf32, #tpu.memory_space<hbm>>) target_semaphore(%arg17 : memref<!tpu.dma_semaphore, #tpu.memory_space<semaphore_mem>>)
      } else {
      }
      %eq3A_194 = arith.constant 1 : i32
      %eq3A_195 = arith.cmpi eq, %arg0, %eq3A_194 : i32
      %convert_element_type3A_196 = arith.extui %eq3A_195 : i1 to i32
      %cond3A_197 = arith.constant 0 : i32
      %cond3A_198 = arith.cmpi ne, %convert_element_type3A_196, %cond3A_197 : i32
      scf.if %cond3A_198 {
        %dma_start3A = arith.constant 0 : i32
        %dma_start3A_199 = tpu.memref_slice %arg7[%mul3A_188, %dma_start3A] : memref<10000x128xf32, #tpu.memory_space<hbm>> -> memref<80x128xf32, #tpu.memory_space<hbm>>
        %dma_start3A_200 = arith.constant 0 : i32
        %dma_start3A_201 = tpu.memref_slice %arg7[%mul3A_188, %dma_start3A_200] : memref<10000x128xf32, #tpu.memory_space<hbm>> -> memref<80x128xf32, #tpu.memory_space<hbm>>
        tpu.enqueue_dma source(%arg13 : memref<80x128xf32, #tpu.memory_space<vmem>>) target(%dma_start3A_201 : memref<80x128xf32, #tpu.memory_space<hbm>>) target_semaphore(%arg17 : memref<!tpu.dma_semaphore, #tpu.memory_space<semaphore_mem>>)
      } else {
      }
    } else {
    }
    %add3A_113 = arith.constant 64 : i32
    %add3A_114 = arith.addi %arg1, %add3A_113 : i32
    %sub3A_115 = arith.constant 32 : i32
    %sub3A_116 = arith.subi %add3A_114, %sub3A_115 : i32
    %lt3A_117 = arith.constant 125 : i32
    %lt3A_118 = arith.cmpi slt, %sub3A_116, %lt3A_117 : i32
    %convert_element_type3A_119 = arith.extui %lt3A_118 : i1 to i32
    %cond3A_120 = arith.constant 0 : i32
    %cond3A_121 = arith.cmpi ne, %convert_element_type3A_119, %cond3A_120 : i32
    scf.if %cond3A_121 {
      %mul3A_187 = arith.constant 80 : i32
      %mul3A_188 = arith.muli %sub3A_116, %mul3A_187 : i32
      %eq3A_189 = arith.constant 0 : i32
      %eq3A_190 = arith.cmpi eq, %arg0, %eq3A_189 : i32
      %convert_element_type3A_191 = arith.extui %eq3A_190 : i1 to i32
      %cond3A_192 = arith.constant 0 : i32
      %cond3A_193 = arith.cmpi ne, %convert_element_type3A_191, %cond3A_192 : i32
      scf.if %cond3A_193 {
        %dma_wait3A = arith.constant 0 : i32
        %dma_wait3A_199 = tpu.memref_slice %arg6[%mul3A_188, %dma_wait3A] : memref<10000x128xf32, #tpu.memory_space<hbm>> -> memref<80x128xf32, #tpu.memory_space<hbm>>
        %dma_wait3A_200 = arith.constant 0 : i32
        %dma_wait3A_201 = tpu.memref_slice %arg6[%mul3A_188, %dma_wait3A_200] : memref<10000x128xf32, #tpu.memory_space<hbm>> -> memref<80x128xf32, #tpu.memory_space<hbm>>
        tpu.wait_dma2 semaphore(%arg16 : memref<!tpu.dma_semaphore, #tpu.memory_space<semaphore_mem>>) src(%arg12 : memref<80x128xf32, #tpu.memory_space<vmem>>) dst(%dma_wait3A_201 : memref<80x128xf32, #tpu.memory_space<hbm>>)
      } else {
      }
      %eq3A_194 = arith.constant 1 : i32
      %eq3A_195 = arith.cmpi eq, %arg0, %eq3A_194 : i32
      %convert_element_type3A_196 = arith.extui %eq3A_195 : i1 to i32
      %cond3A_197 = arith.constant 0 : i32
      %cond3A_198 = arith.cmpi ne, %convert_element_type3A_196, %cond3A_197 : i32
      scf.if %cond3A_198 {
        %dma_wait3A = arith.constant 0 : i32
        %dma_wait3A_199 = tpu.memref_slice %arg7[%mul3A_188, %dma_wait3A] : memref<10000x128xf32, #tpu.memory_space<hbm>> -> memref<80x128xf32, #tpu.memory_space<hbm>>
        %dma_wait3A_200 = arith.constant 0 : i32
        %dma_wait3A_201 = tpu.memref_slice %arg7[%mul3A_188, %dma_wait3A_200] : memref<10000x128xf32, #tpu.memory_space<hbm>> -> memref<80x128xf32, #tpu.memory_space<hbm>>
        tpu.wait_dma2 semaphore(%arg16 : memref<!tpu.dma_semaphore, #tpu.memory_space<semaphore_mem>>) src(%arg12 : memref<80x128xf32, #tpu.memory_space<vmem>>) dst(%dma_wait3A_201 : memref<80x128xf32, #tpu.memory_space<hbm>>)
      } else {
      }
    } else {
    }
    %lt3A_122 = arith.constant 125 : i32
    %lt3A_123 = arith.cmpi slt, %add3A_114, %lt3A_122 : i32
    %convert_element_type3A_124 = arith.extui %lt3A_123 : i1 to i32
    %cond3A_125 = arith.constant 0 : i32
    %cond3A_126 = arith.cmpi ne, %convert_element_type3A_124, %cond3A_125 : i32
    scf.if %cond3A_126 {
      %mul3A_187 = arith.constant 80 : i32
      %mul3A_188 = arith.muli %add3A_114, %mul3A_187 : i32
      "tpu.region"() ({
        %run_scoped3A = tpu.sem_alloc : memref<!tpu.dma_semaphore, #tpu.memory_space<semaphore_mem>>
        %dma_start3A = arith.constant 0 : i32
        %dma_start3A_199 = tpu.memref_slice %arg22[%mul3A_188, %dma_start3A] : memref<10000x128xf32, #tpu.memory_space<vmem_shared>> -> memref<80x128xf32, #tpu.memory_space<vmem_shared>>
        %dma_start3A_200 = arith.constant 0 : i32
        %dma_start3A_201 = tpu.memref_slice %arg22[%mul3A_188, %dma_start3A_200] : memref<10000x128xf32, #tpu.memory_space<vmem_shared>> -> memref<80x128xf32, #tpu.memory_space<vmem_shared>>
        tpu.enqueue_dma source(%dma_start3A_201 : memref<80x128xf32, #tpu.memory_space<vmem_shared>>) target(%arg12 : memref<80x128xf32, #tpu.memory_space<vmem>>) target_semaphore(%run_scoped3A : memref<!tpu.dma_semaphore, #tpu.memory_space<semaphore_mem>>)
        %dma_wait3A = arith.constant 0 : i32
        %dma_wait3A_202 = tpu.memref_slice %arg22[%mul3A_188, %dma_wait3A] : memref<10000x128xf32, #tpu.memory_space<vmem_shared>> -> memref<80x128xf32, #tpu.memory_space<vmem_shared>>
        %dma_wait3A_203 = arith.constant 0 : i32
        %dma_wait3A_204 = tpu.memref_slice %arg22[%mul3A_188, %dma_wait3A_203] : memref<10000x128xf32, #tpu.memory_space<vmem_shared>> -> memref<80x128xf32, #tpu.memory_space<vmem_shared>>
        tpu.wait_dma2 semaphore(%run_scoped3A : memref<!tpu.dma_semaphore, #tpu.memory_space<semaphore_mem>>) src(%dma_wait3A_204 : memref<80x128xf32, #tpu.memory_space<vmem_shared>>) dst(%arg12 : memref<80x128xf32, #tpu.memory_space<vmem>>)
        tpu.yield
      }) : () -> ()
      %eq3A_189 = arith.constant 0 : i32
      %eq3A_190 = arith.cmpi eq, %arg0, %eq3A_189 : i32
      %convert_element_type3A_191 = arith.extui %eq3A_190 : i1 to i32
      %cond3A_192 = arith.constant 0 : i32
      %cond3A_193 = arith.cmpi ne, %convert_element_type3A_191, %cond3A_192 : i32
      scf.if %cond3A_193 {
        %dma_start3A = arith.constant 0 : i32
        %dma_start3A_199 = tpu.memref_slice %arg6[%mul3A_188, %dma_start3A] : memref<10000x128xf32, #tpu.memory_space<hbm>> -> memref<80x128xf32, #tpu.memory_space<hbm>>
        %dma_start3A_200 = arith.constant 0 : i32
        %dma_start3A_201 = tpu.memref_slice %arg6[%mul3A_188, %dma_start3A_200] : memref<10000x128xf32, #tpu.memory_space<hbm>> -> memref<80x128xf32, #tpu.memory_space<hbm>>
        tpu.enqueue_dma source(%arg12 : memref<80x128xf32, #tpu.memory_space<vmem>>) target(%dma_start3A_201 : memref<80x128xf32, #tpu.memory_space<hbm>>) target_semaphore(%arg16 : memref<!tpu.dma_semaphore, #tpu.memory_space<semaphore_mem>>)
      } else {
      }
      %eq3A_194 = arith.constant 1 : i32
      %eq3A_195 = arith.cmpi eq, %arg0, %eq3A_194 : i32
      %convert_element_type3A_196 = arith.extui %eq3A_195 : i1 to i32
      %cond3A_197 = arith.constant 0 : i32
      %cond3A_198 = arith.cmpi ne, %convert_element_type3A_196, %cond3A_197 : i32
      scf.if %cond3A_198 {
        %dma_start3A = arith.constant 0 : i32
        %dma_start3A_199 = tpu.memref_slice %arg7[%mul3A_188, %dma_start3A] : memref<10000x128xf32, #tpu.memory_space<hbm>> -> memref<80x128xf32, #tpu.memory_space<hbm>>
        %dma_start3A_200 = arith.constant 0 : i32
        %dma_start3A_201 = tpu.memref_slice %arg7[%mul3A_188, %dma_start3A_200] : memref<10000x128xf32, #tpu.memory_space<hbm>> -> memref<80x128xf32, #tpu.memory_space<hbm>>
        tpu.enqueue_dma source(%arg12 : memref<80x128xf32, #tpu.memory_space<vmem>>) target(%dma_start3A_201 : memref<80x128xf32, #tpu.memory_space<hbm>>) target_semaphore(%arg16 : memref<!tpu.dma_semaphore, #tpu.memory_space<semaphore_mem>>)
      } else {
      }
    } else {
    }
    %add3A_127 = arith.constant 80 : i32
    %add3A_128 = arith.addi %arg1, %add3A_127 : i32
    %sub3A_129 = arith.constant 32 : i32
    %sub3A_130 = arith.subi %add3A_128, %sub3A_129 : i32
    %lt3A_131 = arith.constant 125 : i32
    %lt3A_132 = arith.cmpi slt, %sub3A_130, %lt3A_131 : i32
    %convert_element_type3A_133 = arith.extui %lt3A_132 : i1 to i32
    %cond3A_134 = arith.constant 0 : i32
    %cond3A_135 = arith.cmpi ne, %convert_element_type3A_133, %cond3A_134 : i32
    scf.if %cond3A_135 {
      %mul3A_187 = arith.constant 80 : i32
      %mul3A_188 = arith.muli %sub3A_130, %mul3A_187 : i32
      %eq3A_189 = arith.constant 0 : i32
      %eq3A_190 = arith.cmpi eq, %arg0, %eq3A_189 : i32
      %convert_element_type3A_191 = arith.extui %eq3A_190 : i1 to i32
      %cond3A_192 = arith.constant 0 : i32
      %cond3A_193 = arith.cmpi ne, %convert_element_type3A_191, %cond3A_192 : i32
      scf.if %cond3A_193 {
        %dma_wait3A = arith.constant 0 : i32
        %dma_wait3A_199 = tpu.memref_slice %arg6[%mul3A_188, %dma_wait3A] : memref<10000x128xf32, #tpu.memory_space<hbm>> -> memref<80x128xf32, #tpu.memory_space<hbm>>
        %dma_wait3A_200 = arith.constant 0 : i32
        %dma_wait3A_201 = tpu.memref_slice %arg6[%mul3A_188, %dma_wait3A_200] : memref<10000x128xf32, #tpu.memory_space<hbm>> -> memref<80x128xf32, #tpu.memory_space<hbm>>
        tpu.wait_dma2 semaphore(%arg17 : memref<!tpu.dma_semaphore, #tpu.memory_space<semaphore_mem>>) src(%arg13 : memref<80x128xf32, #tpu.memory_space<vmem>>) dst(%dma_wait3A_201 : memref<80x128xf32, #tpu.memory_space<hbm>>)
      } else {
      }
      %eq3A_194 = arith.constant 1 : i32
      %eq3A_195 = arith.cmpi eq, %arg0, %eq3A_194 : i32
      %convert_element_type3A_196 = arith.extui %eq3A_195 : i1 to i32
      %cond3A_197 = arith.constant 0 : i32
      %cond3A_198 = arith.cmpi ne, %convert_element_type3A_196, %cond3A_197 : i32
      scf.if %cond3A_198 {
        %dma_wait3A = arith.constant 0 : i32
        %dma_wait3A_199 = tpu.memref_slice %arg7[%mul3A_188, %dma_wait3A] : memref<10000x128xf32, #tpu.memory_space<hbm>> -> memref<80x128xf32, #tpu.memory_space<hbm>>
        %dma_wait3A_200 = arith.constant 0 : i32
        %dma_wait3A_201 = tpu.memref_slice %arg7[%mul3A_188, %dma_wait3A_200] : memref<10000x128xf32, #tpu.memory_space<hbm>> -> memref<80x128xf32, #tpu.memory_space<hbm>>
        tpu.wait_dma2 semaphore(%arg17 : memref<!tpu.dma_semaphore, #tpu.memory_space<semaphore_mem>>) src(%arg13 : memref<80x128xf32, #tpu.memory_space<vmem>>) dst(%dma_wait3A_201 : memref<80x128xf32, #tpu.memory_space<hbm>>)
      } else {
      }
    } else {
    }
    %lt3A_136 = arith.constant 125 : i32
    %lt3A_137 = arith.cmpi slt, %add3A_128, %lt3A_136 : i32
    %convert_element_type3A_138 = arith.extui %lt3A_137 : i1 to i32
    %cond3A_139 = arith.constant 0 : i32
    %cond3A_140 = arith.cmpi ne, %convert_element_type3A_138, %cond3A_139 : i32
    scf.if %cond3A_140 {
      %mul3A_187 = arith.constant 80 : i32
      %mul3A_188 = arith.muli %add3A_128, %mul3A_187 : i32
      "tpu.region"() ({
        %run_scoped3A = tpu.sem_alloc : memref<!tpu.dma_semaphore, #tpu.memory_space<semaphore_mem>>
        %dma_start3A = arith.constant 0 : i32
        %dma_start3A_199 = tpu.memref_slice %arg22[%mul3A_188, %dma_start3A] : memref<10000x128xf32, #tpu.memory_space<vmem_shared>> -> memref<80x128xf32, #tpu.memory_space<vmem_shared>>
        %dma_start3A_200 = arith.constant 0 : i32
        %dma_start3A_201 = tpu.memref_slice %arg22[%mul3A_188, %dma_start3A_200] : memref<10000x128xf32, #tpu.memory_space<vmem_shared>> -> memref<80x128xf32, #tpu.memory_space<vmem_shared>>
        tpu.enqueue_dma source(%dma_start3A_201 : memref<80x128xf32, #tpu.memory_space<vmem_shared>>) target(%arg13 : memref<80x128xf32, #tpu.memory_space<vmem>>) target_semaphore(%run_scoped3A : memref<!tpu.dma_semaphore, #tpu.memory_space<semaphore_mem>>)
        %dma_wait3A = arith.constant 0 : i32
        %dma_wait3A_202 = tpu.memref_slice %arg22[%mul3A_188, %dma_wait3A] : memref<10000x128xf32, #tpu.memory_space<vmem_shared>> -> memref<80x128xf32, #tpu.memory_space<vmem_shared>>
        %dma_wait3A_203 = arith.constant 0 : i32
        %dma_wait3A_204 = tpu.memref_slice %arg22[%mul3A_188, %dma_wait3A_203] : memref<10000x128xf32, #tpu.memory_space<vmem_shared>> -> memref<80x128xf32, #tpu.memory_space<vmem_shared>>
        tpu.wait_dma2 semaphore(%run_scoped3A : memref<!tpu.dma_semaphore, #tpu.memory_space<semaphore_mem>>) src(%dma_wait3A_204 : memref<80x128xf32, #tpu.memory_space<vmem_shared>>) dst(%arg13 : memref<80x128xf32, #tpu.memory_space<vmem>>)
        tpu.yield
      }) : () -> ()
      %eq3A_189 = arith.constant 0 : i32
      %eq3A_190 = arith.cmpi eq, %arg0, %eq3A_189 : i32
      %convert_element_type3A_191 = arith.extui %eq3A_190 : i1 to i32
      %cond3A_192 = arith.constant 0 : i32
      %cond3A_193 = arith.cmpi ne, %convert_element_type3A_191, %cond3A_192 : i32
      scf.if %cond3A_193 {
        %dma_start3A = arith.constant 0 : i32
        %dma_start3A_199 = tpu.memref_slice %arg6[%mul3A_188, %dma_start3A] : memref<10000x128xf32, #tpu.memory_space<hbm>> -> memref<80x128xf32, #tpu.memory_space<hbm>>
        %dma_start3A_200 = arith.constant 0 : i32
        %dma_start3A_201 = tpu.memref_slice %arg6[%mul3A_188, %dma_start3A_200] : memref<10000x128xf32, #tpu.memory_space<hbm>> -> memref<80x128xf32, #tpu.memory_space<hbm>>
        tpu.enqueue_dma source(%arg13 : memref<80x128xf32, #tpu.memory_space<vmem>>) target(%dma_start3A_201 : memref<80x128xf32, #tpu.memory_space<hbm>>) target_semaphore(%arg17 : memref<!tpu.dma_semaphore, #tpu.memory_space<semaphore_mem>>)
      } else {
      }
      %eq3A_194 = arith.constant 1 : i32
      %eq3A_195 = arith.cmpi eq, %arg0, %eq3A_194 : i32
      %convert_element_type3A_196 = arith.extui %eq3A_195 : i1 to i32
      %cond3A_197 = arith.constant 0 : i32
      %cond3A_198 = arith.cmpi ne, %convert_element_type3A_196, %cond3A_197 : i32
      scf.if %cond3A_198 {
        %dma_start3A = arith.constant 0 : i32
        %dma_start3A_199 = tpu.memref_slice %arg7[%mul3A_188, %dma_start3A] : memref<10000x128xf32, #tpu.memory_space<hbm>> -> memref<80x128xf32, #tpu.memory_space<hbm>>
        %dma_start3A_200 = arith.constant 0 : i32
        %dma_start3A_201 = tpu.memref_slice %arg7[%mul3A_188, %dma_start3A_200] : memref<10000x128xf32, #tpu.memory_space<hbm>> -> memref<80x128xf32, #tpu.memory_space<hbm>>
        tpu.enqueue_dma source(%arg13 : memref<80x128xf32, #tpu.memory_space<vmem>>) target(%dma_start3A_201 : memref<80x128xf32, #tpu.memory_space<hbm>>) target_semaphore(%arg17 : memref<!tpu.dma_semaphore, #tpu.memory_space<semaphore_mem>>)
      } else {
      }
    } else {
    }
    %add3A_141 = arith.constant 96 : i32
    %add3A_142 = arith.addi %arg1, %add3A_141 : i32
    %sub3A_143 = arith.constant 32 : i32
    %sub3A_144 = arith.subi %add3A_142, %sub3A_143 : i32
    %lt3A_145 = arith.constant 125 : i32
    %lt3A_146 = arith.cmpi slt, %sub3A_144, %lt3A_145 : i32
    %convert_element_type3A_147 = arith.extui %lt3A_146 : i1 to i32
    %cond3A_148 = arith.constant 0 : i32
    %cond3A_149 = arith.cmpi ne, %convert_element_type3A_147, %cond3A_148 : i32
    scf.if %cond3A_149 {
      %mul3A_187 = arith.constant 80 : i32
      %mul3A_188 = arith.muli %sub3A_144, %mul3A_187 : i32
      %eq3A_189 = arith.constant 0 : i32
      %eq3A_190 = arith.cmpi eq, %arg0, %eq3A_189 : i32
      %convert_element_type3A_191 = arith.extui %eq3A_190 : i1 to i32
      %cond3A_192 = arith.constant 0 : i32
      %cond3A_193 = arith.cmpi ne, %convert_element_type3A_191, %cond3A_192 : i32
      scf.if %cond3A_193 {
        %dma_wait3A = arith.constant 0 : i32
        %dma_wait3A_199 = tpu.memref_slice %arg6[%mul3A_188, %dma_wait3A] : memref<10000x128xf32, #tpu.memory_space<hbm>> -> memref<80x128xf32, #tpu.memory_space<hbm>>
        %dma_wait3A_200 = arith.constant 0 : i32
        %dma_wait3A_201 = tpu.memref_slice %arg6[%mul3A_188, %dma_wait3A_200] : memref<10000x128xf32, #tpu.memory_space<hbm>> -> memref<80x128xf32, #tpu.memory_space<hbm>>
        tpu.wait_dma2 semaphore(%arg16 : memref<!tpu.dma_semaphore, #tpu.memory_space<semaphore_mem>>) src(%arg12 : memref<80x128xf32, #tpu.memory_space<vmem>>) dst(%dma_wait3A_201 : memref<80x128xf32, #tpu.memory_space<hbm>>)
      } else {
      }
      %eq3A_194 = arith.constant 1 : i32
      %eq3A_195 = arith.cmpi eq, %arg0, %eq3A_194 : i32
      %convert_element_type3A_196 = arith.extui %eq3A_195 : i1 to i32
      %cond3A_197 = arith.constant 0 : i32
      %cond3A_198 = arith.cmpi ne, %convert_element_type3A_196, %cond3A_197 : i32
      scf.if %cond3A_198 {
        %dma_wait3A = arith.constant 0 : i32
        %dma_wait3A_199 = tpu.memref_slice %arg7[%mul3A_188, %dma_wait3A] : memref<10000x128xf32, #tpu.memory_space<hbm>> -> memref<80x128xf32, #tpu.memory_space<hbm>>
        %dma_wait3A_200 = arith.constant 0 : i32
        %dma_wait3A_201 = tpu.memref_slice %arg7[%mul3A_188, %dma_wait3A_200] : memref<10000x128xf32, #tpu.memory_space<hbm>> -> memref<80x128xf32, #tpu.memory_space<hbm>>
        tpu.wait_dma2 semaphore(%arg16 : memref<!tpu.dma_semaphore, #tpu.memory_space<semaphore_mem>>) src(%arg12 : memref<80x128xf32, #tpu.memory_space<vmem>>) dst(%dma_wait3A_201 : memref<80x128xf32, #tpu.memory_space<hbm>>)
      } else {
      }
    } else {
    }
    %lt3A_150 = arith.constant 125 : i32
    %lt3A_151 = arith.cmpi slt, %add3A_142, %lt3A_150 : i32
    %convert_element_type3A_152 = arith.extui %lt3A_151 : i1 to i32
    %cond3A_153 = arith.constant 0 : i32
    %cond3A_154 = arith.cmpi ne, %convert_element_type3A_152, %cond3A_153 : i32
    scf.if %cond3A_154 {
      %mul3A_187 = arith.constant 80 : i32
      %mul3A_188 = arith.muli %add3A_142, %mul3A_187 : i32
      "tpu.region"() ({
        %run_scoped3A = tpu.sem_alloc : memref<!tpu.dma_semaphore, #tpu.memory_space<semaphore_mem>>
        %dma_start3A = arith.constant 0 : i32
        %dma_start3A_199 = tpu.memref_slice %arg22[%mul3A_188, %dma_start3A] : memref<10000x128xf32, #tpu.memory_space<vmem_shared>> -> memref<80x128xf32, #tpu.memory_space<vmem_shared>>
        %dma_start3A_200 = arith.constant 0 : i32
        %dma_start3A_201 = tpu.memref_slice %arg22[%mul3A_188, %dma_start3A_200] : memref<10000x128xf32, #tpu.memory_space<vmem_shared>> -> memref<80x128xf32, #tpu.memory_space<vmem_shared>>
        tpu.enqueue_dma source(%dma_start3A_201 : memref<80x128xf32, #tpu.memory_space<vmem_shared>>) target(%arg12 : memref<80x128xf32, #tpu.memory_space<vmem>>) target_semaphore(%run_scoped3A : memref<!tpu.dma_semaphore, #tpu.memory_space<semaphore_mem>>)
        %dma_wait3A = arith.constant 0 : i32
        %dma_wait3A_202 = tpu.memref_slice %arg22[%mul3A_188, %dma_wait3A] : memref<10000x128xf32, #tpu.memory_space<vmem_shared>> -> memref<80x128xf32, #tpu.memory_space<vmem_shared>>
        %dma_wait3A_203 = arith.constant 0 : i32
        %dma_wait3A_204 = tpu.memref_slice %arg22[%mul3A_188, %dma_wait3A_203] : memref<10000x128xf32, #tpu.memory_space<vmem_shared>> -> memref<80x128xf32, #tpu.memory_space<vmem_shared>>
        tpu.wait_dma2 semaphore(%run_scoped3A : memref<!tpu.dma_semaphore, #tpu.memory_space<semaphore_mem>>) src(%dma_wait3A_204 : memref<80x128xf32, #tpu.memory_space<vmem_shared>>) dst(%arg12 : memref<80x128xf32, #tpu.memory_space<vmem>>)
        tpu.yield
      }) : () -> ()
      %eq3A_189 = arith.constant 0 : i32
      %eq3A_190 = arith.cmpi eq, %arg0, %eq3A_189 : i32
      %convert_element_type3A_191 = arith.extui %eq3A_190 : i1 to i32
      %cond3A_192 = arith.constant 0 : i32
      %cond3A_193 = arith.cmpi ne, %convert_element_type3A_191, %cond3A_192 : i32
      scf.if %cond3A_193 {
        %dma_start3A = arith.constant 0 : i32
        %dma_start3A_199 = tpu.memref_slice %arg6[%mul3A_188, %dma_start3A] : memref<10000x128xf32, #tpu.memory_space<hbm>> -> memref<80x128xf32, #tpu.memory_space<hbm>>
        %dma_start3A_200 = arith.constant 0 : i32
        %dma_start3A_201 = tpu.memref_slice %arg6[%mul3A_188, %dma_start3A_200] : memref<10000x128xf32, #tpu.memory_space<hbm>> -> memref<80x128xf32, #tpu.memory_space<hbm>>
        tpu.enqueue_dma source(%arg12 : memref<80x128xf32, #tpu.memory_space<vmem>>) target(%dma_start3A_201 : memref<80x128xf32, #tpu.memory_space<hbm>>) target_semaphore(%arg16 : memref<!tpu.dma_semaphore, #tpu.memory_space<semaphore_mem>>)
      } else {
      }
      %eq3A_194 = arith.constant 1 : i32
      %eq3A_195 = arith.cmpi eq, %arg0, %eq3A_194 : i32
      %convert_element_type3A_196 = arith.extui %eq3A_195 : i1 to i32
      %cond3A_197 = arith.constant 0 : i32
      %cond3A_198 = arith.cmpi ne, %convert_element_type3A_196, %cond3A_197 : i32
      scf.if %cond3A_198 {
        %dma_start3A = arith.constant 0 : i32
        %dma_start3A_199 = tpu.memref_slice %arg7[%mul3A_188, %dma_start3A] : memref<10000x128xf32, #tpu.memory_space<hbm>> -> memref<80x128xf32, #tpu.memory_space<hbm>>
        %dma_start3A_200 = arith.constant 0 : i32
        %dma_start3A_201 = tpu.memref_slice %arg7[%mul3A_188, %dma_start3A_200] : memref<10000x128xf32, #tpu.memory_space<hbm>> -> memref<80x128xf32, #tpu.memory_space<hbm>>
        tpu.enqueue_dma source(%arg12 : memref<80x128xf32, #tpu.memory_space<vmem>>) target(%dma_start3A_201 : memref<80x128xf32, #tpu.memory_space<hbm>>) target_semaphore(%arg16 : memref<!tpu.dma_semaphore, #tpu.memory_space<semaphore_mem>>)
      } else {
      }
    } else {
    }
    %add3A_155 = arith.constant 112 : i32
    %add3A_156 = arith.addi %arg1, %add3A_155 : i32
    %sub3A_157 = arith.constant 32 : i32
    %sub3A_158 = arith.subi %add3A_156, %sub3A_157 : i32
    %lt3A_159 = arith.constant 125 : i32
    %lt3A_160 = arith.cmpi slt, %sub3A_158, %lt3A_159 : i32
    %convert_element_type3A_161 = arith.extui %lt3A_160 : i1 to i32
    %cond3A_162 = arith.constant 0 : i32
    %cond3A_163 = arith.cmpi ne, %convert_element_type3A_161, %cond3A_162 : i32
    scf.if %cond3A_163 {
      %mul3A_187 = arith.constant 80 : i32
      %mul3A_188 = arith.muli %sub3A_158, %mul3A_187 : i32
      %eq3A_189 = arith.constant 0 : i32
      %eq3A_190 = arith.cmpi eq, %arg0, %eq3A_189 : i32
      %convert_element_type3A_191 = arith.extui %eq3A_190 : i1 to i32
      %cond3A_192 = arith.constant 0 : i32
      %cond3A_193 = arith.cmpi ne, %convert_element_type3A_191, %cond3A_192 : i32
      scf.if %cond3A_193 {
        %dma_wait3A = arith.constant 0 : i32
        %dma_wait3A_199 = tpu.memref_slice %arg6[%mul3A_188, %dma_wait3A] : memref<10000x128xf32, #tpu.memory_space<hbm>> -> memref<80x128xf32, #tpu.memory_space<hbm>>
        %dma_wait3A_200 = arith.constant 0 : i32
        %dma_wait3A_201 = tpu.memref_slice %arg6[%mul3A_188, %dma_wait3A_200] : memref<10000x128xf32, #tpu.memory_space<hbm>> -> memref<80x128xf32, #tpu.memory_space<hbm>>
        tpu.wait_dma2 semaphore(%arg17 : memref<!tpu.dma_semaphore, #tpu.memory_space<semaphore_mem>>) src(%arg13 : memref<80x128xf32, #tpu.memory_space<vmem>>) dst(%dma_wait3A_201 : memref<80x128xf32, #tpu.memory_space<hbm>>)
      } else {
      }
      %eq3A_194 = arith.constant 1 : i32
      %eq3A_195 = arith.cmpi eq, %arg0, %eq3A_194 : i32
      %convert_element_type3A_196 = arith.extui %eq3A_195 : i1 to i32
      %cond3A_197 = arith.constant 0 : i32
      %cond3A_198 = arith.cmpi ne, %convert_element_type3A_196, %cond3A_197 : i32
      scf.if %cond3A_198 {
        %dma_wait3A = arith.constant 0 : i32
        %dma_wait3A_199 = tpu.memref_slice %arg7[%mul3A_188, %dma_wait3A] : memref<10000x128xf32, #tpu.memory_space<hbm>> -> memref<80x128xf32, #tpu.memory_space<hbm>>
        %dma_wait3A_200 = arith.constant 0 : i32
        %dma_wait3A_201 = tpu.memref_slice %arg7[%mul3A_188, %dma_wait3A_200] : memref<10000x128xf32, #tpu.memory_space<hbm>> -> memref<80x128xf32, #tpu.memory_space<hbm>>
        tpu.wait_dma2 semaphore(%arg17 : memref<!tpu.dma_semaphore, #tpu.memory_space<semaphore_mem>>) src(%arg13 : memref<80x128xf32, #tpu.memory_space<vmem>>) dst(%dma_wait3A_201 : memref<80x128xf32, #tpu.memory_space<hbm>>)
      } else {
      }
    } else {
    }
    %lt3A_164 = arith.constant 125 : i32
    %lt3A_165 = arith.cmpi slt, %add3A_156, %lt3A_164 : i32
    %convert_element_type3A_166 = arith.extui %lt3A_165 : i1 to i32
    %cond3A_167 = arith.constant 0 : i32
    %cond3A_168 = arith.cmpi ne, %convert_element_type3A_166, %cond3A_167 : i32
    scf.if %cond3A_168 {
      %mul3A_187 = arith.constant 80 : i32
      %mul3A_188 = arith.muli %add3A_156, %mul3A_187 : i32
      "tpu.region"() ({
        %run_scoped3A = tpu.sem_alloc : memref<!tpu.dma_semaphore, #tpu.memory_space<semaphore_mem>>
        %dma_start3A = arith.constant 0 : i32
        %dma_start3A_199 = tpu.memref_slice %arg22[%mul3A_188, %dma_start3A] : memref<10000x128xf32, #tpu.memory_space<vmem_shared>> -> memref<80x128xf32, #tpu.memory_space<vmem_shared>>
        %dma_start3A_200 = arith.constant 0 : i32
        %dma_start3A_201 = tpu.memref_slice %arg22[%mul3A_188, %dma_start3A_200] : memref<10000x128xf32, #tpu.memory_space<vmem_shared>> -> memref<80x128xf32, #tpu.memory_space<vmem_shared>>
        tpu.enqueue_dma source(%dma_start3A_201 : memref<80x128xf32, #tpu.memory_space<vmem_shared>>) target(%arg13 : memref<80x128xf32, #tpu.memory_space<vmem>>) target_semaphore(%run_scoped3A : memref<!tpu.dma_semaphore, #tpu.memory_space<semaphore_mem>>)
        %dma_wait3A = arith.constant 0 : i32
        %dma_wait3A_202 = tpu.memref_slice %arg22[%mul3A_188, %dma_wait3A] : memref<10000x128xf32, #tpu.memory_space<vmem_shared>> -> memref<80x128xf32, #tpu.memory_space<vmem_shared>>
        %dma_wait3A_203 = arith.constant 0 : i32
        %dma_wait3A_204 = tpu.memref_slice %arg22[%mul3A_188, %dma_wait3A_203] : memref<10000x128xf32, #tpu.memory_space<vmem_shared>> -> memref<80x128xf32, #tpu.memory_space<vmem_shared>>
        tpu.wait_dma2 semaphore(%run_scoped3A : memref<!tpu.dma_semaphore, #tpu.memory_space<semaphore_mem>>) src(%dma_wait3A_204 : memref<80x128xf32, #tpu.memory_space<vmem_shared>>) dst(%arg13 : memref<80x128xf32, #tpu.memory_space<vmem>>)
        tpu.yield
      }) : () -> ()
      %eq3A_189 = arith.constant 0 : i32
      %eq3A_190 = arith.cmpi eq, %arg0, %eq3A_189 : i32
      %convert_element_type3A_191 = arith.extui %eq3A_190 : i1 to i32
      %cond3A_192 = arith.constant 0 : i32
      %cond3A_193 = arith.cmpi ne, %convert_element_type3A_191, %cond3A_192 : i32
      scf.if %cond3A_193 {
        %dma_start3A = arith.constant 0 : i32
        %dma_start3A_199 = tpu.memref_slice %arg6[%mul3A_188, %dma_start3A] : memref<10000x128xf32, #tpu.memory_space<hbm>> -> memref<80x128xf32, #tpu.memory_space<hbm>>
        %dma_start3A_200 = arith.constant 0 : i32
        %dma_start3A_201 = tpu.memref_slice %arg6[%mul3A_188, %dma_start3A_200] : memref<10000x128xf32, #tpu.memory_space<hbm>> -> memref<80x128xf32, #tpu.memory_space<hbm>>
        tpu.enqueue_dma source(%arg13 : memref<80x128xf32, #tpu.memory_space<vmem>>) target(%dma_start3A_201 : memref<80x128xf32, #tpu.memory_space<hbm>>) target_semaphore(%arg17 : memref<!tpu.dma_semaphore, #tpu.memory_space<semaphore_mem>>)
      } else {
      }
      %eq3A_194 = arith.constant 1 : i32
      %eq3A_195 = arith.cmpi eq, %arg0, %eq3A_194 : i32
      %convert_element_type3A_196 = arith.extui %eq3A_195 : i1 to i32
      %cond3A_197 = arith.constant 0 : i32
      %cond3A_198 = arith.cmpi ne, %convert_element_type3A_196, %cond3A_197 : i32
      scf.if %cond3A_198 {
        %dma_start3A = arith.constant 0 : i32
        %dma_start3A_199 = tpu.memref_slice %arg7[%mul3A_188, %dma_start3A] : memref<10000x128xf32, #tpu.memory_space<hbm>> -> memref<80x128xf32, #tpu.memory_space<hbm>>
        %dma_start3A_200 = arith.constant 0 : i32
        %dma_start3A_201 = tpu.memref_slice %arg7[%mul3A_188, %dma_start3A_200] : memref<10000x128xf32, #tpu.memory_space<hbm>> -> memref<80x128xf32, #tpu.memory_space<hbm>>
        tpu.enqueue_dma source(%arg13 : memref<80x128xf32, #tpu.memory_space<vmem>>) target(%dma_start3A_201 : memref<80x128xf32, #tpu.memory_space<hbm>>) target_semaphore(%arg17 : memref<!tpu.dma_semaphore, #tpu.memory_space<semaphore_mem>>)
      } else {
      }
    } else {
    }
    %add3A_169 = arith.constant 128 : i32
    %add3A_170 = arith.addi %arg1, %add3A_169 : i32
    %sub3A_171 = arith.constant 32 : i32
    %sub3A_172 = arith.subi %add3A_170, %sub3A_171 : i32
    %lt3A_173 = arith.constant 125 : i32
    %lt3A_174 = arith.cmpi slt, %sub3A_172, %lt3A_173 : i32
    %convert_element_type3A_175 = arith.extui %lt3A_174 : i1 to i32
    %cond3A_176 = arith.constant 0 : i32
    %cond3A_177 = arith.cmpi ne, %convert_element_type3A_175, %cond3A_176 : i32
    scf.if %cond3A_177 {
      %mul3A_187 = arith.constant 80 : i32
      %mul3A_188 = arith.muli %sub3A_172, %mul3A_187 : i32
      %eq3A_189 = arith.constant 0 : i32
      %eq3A_190 = arith.cmpi eq, %arg0, %eq3A_189 : i32
      %convert_element_type3A_191 = arith.extui %eq3A_190 : i1 to i32
      %cond3A_192 = arith.constant 0 : i32
      %cond3A_193 = arith.cmpi ne, %convert_element_type3A_191, %cond3A_192 : i32
      scf.if %cond3A_193 {
        %dma_wait3A = arith.constant 0 : i32
        %dma_wait3A_199 = tpu.memref_slice %arg6[%mul3A_188, %dma_wait3A] : memref<10000x128xf32, #tpu.memory_space<hbm>> -> memref<80x128xf32, #tpu.memory_space<hbm>>
        %dma_wait3A_200 = arith.constant 0 : i32
        %dma_wait3A_201 = tpu.memref_slice %arg6[%mul3A_188, %dma_wait3A_200] : memref<10000x128xf32, #tpu.memory_space<hbm>> -> memref<80x128xf32, #tpu.memory_space<hbm>>
        tpu.wait_dma2 semaphore(%arg16 : memref<!tpu.dma_semaphore, #tpu.memory_space<semaphore_mem>>) src(%arg12 : memref<80x128xf32, #tpu.memory_space<vmem>>) dst(%dma_wait3A_201 : memref<80x128xf32, #tpu.memory_space<hbm>>)
      } else {
      }
      %eq3A_194 = arith.constant 1 : i32
      %eq3A_195 = arith.cmpi eq, %arg0, %eq3A_194 : i32
      %convert_element_type3A_196 = arith.extui %eq3A_195 : i1 to i32
      %cond3A_197 = arith.constant 0 : i32
      %cond3A_198 = arith.cmpi ne, %convert_element_type3A_196, %cond3A_197 : i32
      scf.if %cond3A_198 {
        %dma_wait3A = arith.constant 0 : i32
        %dma_wait3A_199 = tpu.memref_slice %arg7[%mul3A_188, %dma_wait3A] : memref<10000x128xf32, #tpu.memory_space<hbm>> -> memref<80x128xf32, #tpu.memory_space<hbm>>
        %dma_wait3A_200 = arith.constant 0 : i32
        %dma_wait3A_201 = tpu.memref_slice %arg7[%mul3A_188, %dma_wait3A_200] : memref<10000x128xf32, #tpu.memory_space<hbm>> -> memref<80x128xf32, #tpu.memory_space<hbm>>
        tpu.wait_dma2 semaphore(%arg16 : memref<!tpu.dma_semaphore, #tpu.memory_space<semaphore_mem>>) src(%arg12 : memref<80x128xf32, #tpu.memory_space<vmem>>) dst(%dma_wait3A_201 : memref<80x128xf32, #tpu.memory_space<hbm>>)
      } else {
      }
    } else {
    }
    %add3A_178 = arith.constant 144 : i32
    %add3A_179 = arith.addi %arg1, %add3A_178 : i32
    %sub3A_180 = arith.constant 32 : i32
    %sub3A_181 = arith.subi %add3A_179, %sub3A_180 : i32
    %lt3A_182 = arith.constant 125 : i32
    %lt3A_183 = arith.cmpi slt, %sub3A_181, %lt3A_182 : i32
    %convert_element_type3A_184 = arith.extui %lt3A_183 : i1 to i32
    %cond3A_185 = arith.constant 0 : i32
    %cond3A_186 = arith.cmpi ne, %convert_element_type3A_184, %cond3A_185 : i32
    scf.if %cond3A_186 {
      %mul3A_187 = arith.constant 80 : i32
      %mul3A_188 = arith.muli %sub3A_181, %mul3A_187 : i32
      %eq3A_189 = arith.constant 0 : i32
      %eq3A_190 = arith.cmpi eq, %arg0, %eq3A_189 : i32
      %convert_element_type3A_191 = arith.extui %eq3A_190 : i1 to i32
      %cond3A_192 = arith.constant 0 : i32
      %cond3A_193 = arith.cmpi ne, %convert_element_type3A_191, %cond3A_192 : i32
      scf.if %cond3A_193 {
        %dma_wait3A = arith.constant 0 : i32
        %dma_wait3A_199 = tpu.memref_slice %arg6[%mul3A_188, %dma_wait3A] : memref<10000x128xf32, #tpu.memory_space<hbm>> -> memref<80x128xf32, #tpu.memory_space<hbm>>
        %dma_wait3A_200 = arith.constant 0 : i32
        %dma_wait3A_201 = tpu.memref_slice %arg6[%mul3A_188, %dma_wait3A_200] : memref<10000x128xf32, #tpu.memory_space<hbm>> -> memref<80x128xf32, #tpu.memory_space<hbm>>
        tpu.wait_dma2 semaphore(%arg17 : memref<!tpu.dma_semaphore, #tpu.memory_space<semaphore_mem>>) src(%arg13 : memref<80x128xf32, #tpu.memory_space<vmem>>) dst(%dma_wait3A_201 : memref<80x128xf32, #tpu.memory_space<hbm>>)
      } else {
      }
      %eq3A_194 = arith.constant 1 : i32
      %eq3A_195 = arith.cmpi eq, %arg0, %eq3A_194 : i32
      %convert_element_type3A_196 = arith.extui %eq3A_195 : i1 to i32
      %cond3A_197 = arith.constant 0 : i32
      %cond3A_198 = arith.cmpi ne, %convert_element_type3A_196, %cond3A_197 : i32
      scf.if %cond3A_198 {
        %dma_wait3A = arith.constant 0 : i32
        %dma_wait3A_199 = tpu.memref_slice %arg7[%mul3A_188, %dma_wait3A] : memref<10000x128xf32, #tpu.memory_space<hbm>> -> memref<80x128xf32, #tpu.memory_space<hbm>>
        %dma_wait3A_200 = arith.constant 0 : i32
        %dma_wait3A_201 = tpu.memref_slice %arg7[%mul3A_188, %dma_wait3A_200] : memref<10000x128xf32, #tpu.memory_space<hbm>> -> memref<80x128xf32, #tpu.memory_space<hbm>>
        tpu.wait_dma2 semaphore(%arg17 : memref<!tpu.dma_semaphore, #tpu.memory_space<semaphore_mem>>) src(%arg13 : memref<80x128xf32, #tpu.memory_space<vmem>>) dst(%dma_wait3A_201 : memref<80x128xf32, #tpu.memory_space<hbm>>)
      } else {
      }
    } else {
    }
    return
  }
}

module attributes {stable_mosaic.version = 14 : i64} {
  func.func @_combine_body(%arg0: i32, %arg1: memref<1000x128xf32, #tpu.memory_space<vmem>>, %arg2: memref<1000x128xf32, #tpu.memory_space<vmem>>, %arg3: memref<1000x128xf32, #tpu.memory_space<vmem>>, %arg4: memref<1000x128xf32, #tpu.memory_space<vmem>>) attributes {dimension_semantics = [#tpu.dimension_semantics<arbitrary>], iteration_bounds = array<i64: 10>, scalar_prefetch = 0 : i64, scratch_operands = 0 : i64, tpu.core_type = #tpu.core_type<tc>, window_params = [{transform_indices = @transform_0, window_bounds = array<i64: 1000, 128>}, {transform_indices = @transform_1, window_bounds = array<i64: 1000, 128>}, {transform_indices = @transform_2, window_bounds = array<i64: 1000, 128>}, {transform_indices = @transform_3, window_bounds = array<i64: 1000, 128>}]} {
    %get3A = arith.constant 0 : index
    %get3A_0 = arith.constant 0 : index
    %get3A_1 = vector.load %arg1[%get3A, %get3A_0] : memref<1000x128xf32, #tpu.memory_space<vmem>>, vector<1000x128xf32>
    %get3A_2 = arith.constant 0 : index
    %get3A_3 = arith.constant 0 : index
    %get3A_4 = vector.load %arg2[%get3A_2, %get3A_3] : memref<1000x128xf32, #tpu.memory_space<vmem>>, vector<1000x128xf32>
    %get3A_5 = arith.constant 0 : index
    %get3A_6 = arith.constant 0 : index
    %get3A_7 = vector.load %arg3[%get3A_5, %get3A_6] : memref<1000x128xf32, #tpu.memory_space<vmem>>, vector<1000x128xf32>
    %add3A = arith.constant 9.99999968E-21 : f32
    %add3A_8 = vector.broadcast %add3A : f32 to vector<1000x128xf32>
    %add3A_9 = arith.addf %get3A_7, %add3A_8 : vector<1000x128xf32>
    %div3A = arith.divf %get3A_4, %add3A_9 : vector<1000x128xf32>
    %add3A_10 = arith.addf %get3A_1, %div3A : vector<1000x128xf32>
    %swap3A = arith.constant 0 : index
    %swap3A_11 = arith.constant 0 : index
    %swap3A_12 = vector.load %arg4[%swap3A, %swap3A_11] : memref<1000x128xf32, #tpu.memory_space<vmem>>, vector<1000x128xf32>
    tpu.vector_store %arg4[%swap3A, %swap3A_11], %add3A_10 {strides = array<i32>} : memref<1000x128xf32, #tpu.memory_space<vmem>>, vector<1000x128xf32>,
    return
  }
  func.func @transform_0(%arg0: i32) -> (i32, i32) {
    %c0_i32 = arith.constant 0 : i32
    %c0_i32_0 = arith.constant 0 : i32
    return %arg0, %c0_i32 : i32, i32
  }
  func.func @transform_1(%arg0: i32) -> (i32, i32) {
    %c0_i32 = arith.constant 0 : i32
    %c0_i32_0 = arith.constant 0 : i32
    return %arg0, %c0_i32 : i32, i32
  }
  func.func @transform_2(%arg0: i32) -> (i32, i32) {
    %c0_i32 = arith.constant 0 : i32
    %c0_i32_0 = arith.constant 0 : i32
    return %arg0, %c0_i32 : i32, i32
  }
  func.func @transform_3(%arg0: i32) -> (i32, i32) {
    %c0_i32 = arith.constant 0 : i32
    %c0_i32_0 = arith.constant 0 : i32
    return %arg0, %c0_i32 : i32, i32
  }
}

module attributes {stable_mosaic.version = 14 : i64} {
  func.func @_matmul_body(%arg0: i32, %arg1: memref<1000x128xf32, #tpu.memory_space<vmem>>, %arg2: memref<128x128xf32, #tpu.memory_space<vmem>>, %arg3: memref<128xf32, #tpu.memory_space<vmem>>, %arg4: memref<128x128xf32, #tpu.memory_space<vmem>>, %arg5: memref<128xf32, #tpu.memory_space<vmem>>, %arg6: memref<1000x128xf32, #tpu.memory_space<vmem>>, %arg7: memref<1000x128xf32, #tpu.memory_space<vmem>>) attributes {dimension_semantics = [#tpu.dimension_semantics<arbitrary>], iteration_bounds = array<i64: 10>, scalar_prefetch = 0 : i64, scratch_operands = 0 : i64, tpu.core_type = #tpu.core_type<tc>, window_params = [{transform_indices = @transform_0, window_bounds = array<i64: 1000, 128>}, {pipeline_mode = #tpu.pipeline_mode<synchronous>, transform_indices = @transform_1, window_bounds = array<i64: 128, 128>}, {pipeline_mode = #tpu.pipeline_mode<synchronous>, transform_indices = @transform_2, window_bounds = array<i64: 128>}, {pipeline_mode = #tpu.pipeline_mode<synchronous>, transform_indices = @transform_3, window_bounds = array<i64: 128, 128>}, {pipeline_mode = #tpu.pipeline_mode<synchronous>, transform_indices = @transform_4, window_bounds = array<i64: 128>}, {transform_indices = @transform_5, window_bounds = array<i64: 1000, 128>}, {transform_indices = @transform_6, window_bounds = array<i64: 1000, 128>}]} {
    %get3A = arith.constant 0 : index
    %get3A_0 = arith.constant 0 : index
    %get3A_1 = vector.load %arg1[%get3A, %get3A_0] : memref<1000x128xf32, #tpu.memory_space<vmem>>, vector<1000x128xf32>
    %get3A_2 = arith.constant 0 : index
    %get3A_3 = arith.constant 0 : index
    %get3A_4 = vector.load %arg2[%get3A_2, %get3A_3] : memref<128x128xf32, #tpu.memory_space<vmem>>, vector<128x128xf32>
    %dot_general3A = arith.constant dense<0.000000e+00> : vector<1000x128xf32>
    %dot_general3A_5 = tpu.matmul %get3A_1, %get3A_4, %dot_general3A {dimension_numbers = #tpu.dot_dimension_numbers<[1], [1], [0], [0], [0, 0, 1, 0], [], []>, precision = #tpu.contract_precision<fp32>, transpose_lhs_hint = false} : vector<1000x128xf32>, vector<128x128xf32>, vector<1000x128xf32> -> vector<1000x128xf32>
    %get3A_6 = arith.constant 0 : index
    %get3A_7 = vector.load %arg3[%get3A_6] : memref<128xf32, #tpu.memory_space<vmem>>, vector<128xf32>
    %broadcast_in_dim3A = vector.shape_cast %get3A_7 : vector<128xf32> to vector<1x128xf32>
    %add3A = vector.broadcast %broadcast_in_dim3A : vector<1x128xf32> to vector<1000x128xf32>
    %add3A_8 = arith.addf %dot_general3A_5, %add3A : vector<1000x128xf32>
    %swap3A = arith.constant 0 : index
    %swap3A_9 = arith.constant 0 : index
    %swap3A_10 = vector.load %arg6[%swap3A, %swap3A_9] : memref<1000x128xf32, #tpu.memory_space<vmem>>, vector<1000x128xf32>
    tpu.vector_store %arg6[%swap3A, %swap3A_9], %add3A_8 {strides = array<i32>} : memref<1000x128xf32, #tpu.memory_space<vmem>>, vector<1000x128xf32>,
    %get3A_11 = arith.constant 0 : index
    %get3A_12 = arith.constant 0 : index
    %get3A_13 = vector.load %arg4[%get3A_11, %get3A_12] : memref<128x128xf32, #tpu.memory_space<vmem>>, vector<128x128xf32>
    %dot_general3A_14 = arith.constant dense<0.000000e+00> : vector<1000x128xf32>
    %dot_general3A_15 = tpu.matmul %get3A_1, %get3A_13, %dot_general3A_14 {dimension_numbers = #tpu.dot_dimension_numbers<[1], [1], [0], [0], [0, 0, 1, 0], [], []>, precision = #tpu.contract_precision<fp32>, transpose_lhs_hint = false} : vector<1000x128xf32>, vector<128x128xf32>, vector<1000x128xf32> -> vector<1000x128xf32>
    %get3A_16 = arith.constant 0 : index
    %get3A_17 = vector.load %arg5[%get3A_16] : memref<128xf32, #tpu.memory_space<vmem>>, vector<128xf32>
    %broadcast_in_dim3A_18 = vector.shape_cast %get3A_17 : vector<128xf32> to vector<1x128xf32>
    %add3A_19 = vector.broadcast %broadcast_in_dim3A_18 : vector<1x128xf32> to vector<1000x128xf32>
    %add3A_20 = arith.addf %dot_general3A_15, %add3A_19 : vector<1000x128xf32>
    %swap3A_21 = arith.constant 0 : index
    %swap3A_22 = arith.constant 0 : index
    %swap3A_23 = vector.load %arg7[%swap3A_21, %swap3A_22] : memref<1000x128xf32, #tpu.memory_space<vmem>>, vector<1000x128xf32>
    tpu.vector_store %arg7[%swap3A_21, %swap3A_22], %add3A_20 {strides = array<i32>} : memref<1000x128xf32, #tpu.memory_space<vmem>>, vector<1000x128xf32>,
    return
  }
  func.func @transform_0(%arg0: i32) -> (i32, i32) {
    %c0_i32 = arith.constant 0 : i32
    %c0_i32_0 = arith.constant 0 : i32
    return %arg0, %c0_i32 : i32, i32
  }
  func.func @transform_1(%arg0: i32) -> (i32, i32) {
    %c0_i32 = arith.constant 0 : i32
    %c0_i32_0 = arith.constant 0 : i32
    %c0_i32_1 = arith.constant 0 : i32
    return %c0_i32, %c0_i32_0 : i32, i32
  }
  func.func @transform_2(%arg0: i32) -> i32 {
    %c0_i32 = arith.constant 0 : i32
    %c0_i32_0 = arith.constant 0 : i32
    return %c0_i32 : i32
  }
  func.func @transform_3(%arg0: i32) -> (i32, i32) {
    %c0_i32 = arith.constant 0 : i32
    %c0_i32_0 = arith.constant 0 : i32
    %c0_i32_1 = arith.constant 0 : i32
    return %c0_i32, %c0_i32_0 : i32, i32
  }
  func.func @transform_4(%arg0: i32) -> i32 {
    %c0_i32 = arith.constant 0 : i32
    %c0_i32_0 = arith.constant 0 : i32
    return %c0_i32 : i32
  }
  func.func @transform_5(%arg0: i32) -> (i32, i32) {
    %c0_i32 = arith.constant 0 : i32
    %c0_i32_0 = arith.constant 0 : i32
    return %arg0, %c0_i32 : i32, i32
  }
  func.func @transform_6(%arg0: i32) -> (i32, i32) {
    %c0_i32 = arith.constant 0 : i32
    %c0_i32_0 = arith.constant 0 : i32
    return %arg0, %c0_i32 : i32, i32
  }
}

</mosaic_0001>

<sc_bundles>
// kernel: kernel.5.cloned.1.call-start
scs
__scs_entry_jumppad:
0x0: {  	(pc) =	sbr.rel $0x88, $3  }
0x1: {  	(tag) =	ssettag $0x0;
	lr =	simm.s32 $0x1  }
0x2: {  	[smem:$0x3F9A] =	sst lr;
	_ =	strace $0xD0000000  }
0x3: {  	_ = 	snop  }
0x4: {  	_ = 	snop  }
0x5: {  	_ = 	snop  }
0x6: {  	_ = 	snop  }
0x7: {  	_ = 	snop  }
__scs_overlays_trampoline_lowered:
0x8: {  	[smem:$0x3FA9] =	sst s0  }
0x9: {  	[smem:$0x3FAA] =	sst s1  }
0xa: {  	[smem:$0x3FAB] =	sst s2  }
0xb: {  	[smem:$0x3FAC] =	sst s3  }
0xc: {  	[smem:$0x3FAD] =	sst s4  }
0xd: {  	[smem:$0x3FAE] =	sst s5  }
0xe: {  	[smem:$0x3FAF] =	sst s6  }
0xf: {  	[smem:$0x3FB0] =	sst s7  }
0x10: {  	[smem:$0x3FB1] =	sst s8  }
0x11: {  	[smem:$0x3FB2] =	sst s9;
	s0 =	simm.s32 @!p0 $0x0  }
0x12: {  	s1 =	sld [smem:$0x3F98];
	s0 =	simm.s32 @p0 $0x1  }
0x13: {  	[smem:$0x3FB3] =	sst s0;
	s0 =	simm.s32 @!p1 $0x0  }
0x14: {  	s2 =	sld [smem:$0x3F97];
	s0 =	simm.s32 @p1 $0x1  }
0x15: {  	[smem:$0x3FB4] =	sst s0;
	s0 =	simm.s32 @!p2 $0x0  }
0x16: {  	s3 =	sld [smem:$0x3FDB];
	s0 =	simm.s32 @p2 $0x1  }
0x17: {  	s4 =	simm.s32 $0x1BF5;
	[smem:$0x3FB6] =	sst s0  }
0x18: {  	s0 =	sld [smem:$0x3F99];
	_ =	swait.ge [sflag:s4], $0x0  }
0x19: {  	s7 =	sld [smem:$0x3F9A]  }
0x1a: {  	s8 =	sadd.s32 $0xFFFFE003, lr  }
0x1b: {  	s9 =	sadd.s32 $0xFFFFFEF7, lr;
	s5 =	simm.s32 $0xFFFFFFFF;
	p2 =	slt.u32 s8, $0xFFFFF086  }
0x1c: {  	p1 =	slt.u32 s9, $0xF7A;
	s5 =	simm.s32 @!p2 $0x0  }
0x1d: {  	s5 =	simm.s32 @p1 $0x1;
	p0 =	seq.s32 s7, s2  }
0x1e: {  	s7 =	smul.u32 @!p0 $0xF7A, s2;
	p2 =	seq.s32 @!p0 s5, $0x0  }
0x1f: {  	s9 =	smul.u32 $0xF7A, s1;
	s8 =	simm.s32 @!p0 $0x1BF5;
	p2 =	por !p2, p0  }
0x20: {  	[sflag:s8] =	ssyncset.s32 @!p0 $0xFFFFF086;
	s6 =	sadd.s32 @!p0 s3, s7;
	s7 =	simm.s32 @!p0 $0x108  }
0x21: {  	s3 =	sadd.s32 s3, s9;
	s6 =	sadd.s32 @!p0 $0x88, s6;
	s7 =	simm.s32 @p2 $0x1082  }
0x22: {  	[simem:s7], [sflag:s8] =	dma.local @!p0 [hbm:s6], $0xF7A  }
0x23: {  	s9 =	sor.u32 $0xD0000000, s2;
	s6 =	simm.s32 $0x108;
	_ =	swait.ge @!p0 [sflag:s8], $0x0  }
0x24: {  	s3 =	sadd.s32 $0x88, s3;
	s6 =	simm.s32 @!p1 $0x1082;
	[sflag:s4] =	ssyncset.s32 $0xFFFFF086  }
0x25: {  	[simem:s6], [sflag:s4] =	dma.local [hbm:s3], $0xF7A  }
0x26: {  	[smem:$0x3F9A] =	sst s1;
	(tag) =	ssettag s2;
	_ =	strace s9  }
0x27: {  	s1 =	sld [smem:$0x3FAA]  }
0x28: {  	s2 =	sld [smem:$0x3FAB]  }
0x29: {  	s4 =	sld [smem:$0x3FAD]  }
0x2a: {  	p0 =	seq.s32 s5, $0x0;
	s5 =	sld [smem:$0x3FAE]  }
0x2b: {  	s6 =	sld [smem:$0x3FAF]  }
0x2c: {  	s7 =	sld [smem:$0x3FB0]  }
0x2d: {  	s3 =	simm.s32 $0x108;
	s8 =	sld [smem:$0x3FB1]  }
0x2e: {  	s3 =	simm.s32 @!p0 $0x1082;
	s9 =	sld [smem:$0x3FB2]  }
0x2f: {  	lr =	sadd.s32 s0, s3;
	s0 =	sld [smem:$0x3FA9]  }
0x30: {  	s3 =	sld [smem:$0x3FAC]  }
0x31: {  	[smem:$0x3FB5] =	sst s10  }
0x32: {  	s10 =	sld [smem:$0x3FB3];
	_ =	sdelay $0x3  }
0x33: {  	p0 =	seq.s32 s10, $0x1;
	s10 =	sld [smem:$0x3FB5];
	_ =	sdelay $0x3  }
0x34: {  	[smem:$0x3FB5] =	sst s10  }
0x35: {  	s10 =	sld [smem:$0x3FB4];
	_ =	sdelay $0x3  }
0x36: {  	p1 =	seq.s32 s10, $0x1;
	s10 =	sld [smem:$0x3FB5];
	_ =	sdelay $0x3  }
0x37: {  	[smem:$0x3FB5] =	sst s10  }
0x38: {  	s10 =	sld [smem:$0x3FB6]  }
0x39: {  	_ = 	snop;
	(pc) =	sbr.ind lr, $3  }
0x3a: {  	_ = 	snop  }
0x3b: {  	_ = 	snop  }
0x3c: {  	p2 =	seq.s32 s10, $0x1;
	s10 =	sld [smem:$0x3FB5]  }
0x3d: {  	_ =	shalt  }
0x3e: {  	_ =	shalt  }
0x3f: {  	_ =	shalt  }
0x40: {  	_ =	shalt  }
0x41: {  	_ =	shalt  }
0x42: {  	_ =	shalt  }
0x43: {  	_ =	shalt  }
0x44: {  	_ =	shalt  }
0x45: {  	_ =	shalt  }
0x46: {  	_ =	shalt  }
0x47: {  	_ =	shalt  }
0x48: {  	_ =	shalt  }
0x49: {  	_ =	shalt  }
0x4a: {  	_ =	shalt  }
0x4b: {  	_ =	shalt  }
0x4c: {  	_ =	shalt  }
0x4d: {  	_ =	shalt  }
0x4e: {  	_ =	shalt  }
0x4f: {  	_ =	shalt  }
0x50: {  	_ =	shalt  }
0x51: {  	_ =	shalt  }
0x52: {  	_ =	shalt  }
0x53: {  	_ =	shalt  }
0x54: {  	_ =	shalt  }
0x55: {  	_ =	shalt  }
0x56: {  	_ =	shalt  }
0x57: {  	_ =	shalt  }
0x58: {  	_ =	shalt  }
0x59: {  	_ =	shalt  }
0x5a: {  	_ =	shalt  }
0x5b: {  	_ =	shalt  }
0x5c: {  	_ =	shalt  }
0x5d: {  	_ =	shalt  }
0x5e: {  	_ =	shalt  }
0x5f: {  	_ =	shalt  }
0x60: {  	_ =	shalt  }
0x61: {  	_ =	shalt  }
0x62: {  	_ =	shalt  }
0x63: {  	_ =	shalt  }
0x64: {  	_ =	shalt  }
0x65: {  	_ =	shalt  }
0x66: {  	_ =	shalt  }
0x67: {  	_ =	shalt  }
0x68: {  	_ =	shalt  }
0x69: {  	_ =	shalt  }
0x6a: {  	_ =	shalt  }
0x6b: {  	_ =	shalt  }
0x6c: {  	_ =	shalt  }
0x6d: {  	_ =	shalt  }
0x6e: {  	_ =	shalt  }
0x6f: {  	_ =	shalt  }
0x70: {  	_ =	shalt  }
0x71: {  	_ =	shalt  }
0x72: {  	_ =	shalt  }
0x73: {  	_ =	shalt  }
0x74: {  	_ =	shalt  }
0x75: {  	_ =	shalt  }
0x76: {  	_ =	shalt  }
0x77: {  	_ =	shalt  }
0x78: {  	_ =	shalt  }
0x79: {  	_ =	shalt  }
0x7a: {  	_ =	shalt  }
0x7b: {  	_ =	shalt  }
0x7c: {  	_ =	shalt  }
0x7d: {  	_ =	shalt  }
0x7e: {  	_ =	shalt  }
0x7f: {  	_ =	shalt  }
0x80: {  	_ =	shalt  }
0x81: {  	_ =	shalt  }
0x82: {  	_ =	shalt  }
0x83: {  	_ =	shalt  }
0x84: {  	_ =	shalt  }
0x85: {  	_ =	shalt  }
0x86: {  	_ =	shalt  }
0x87: {  	_ =	shalt  }
.Lfunc_end0:
.L_simem_size_0:
called_computation_lowered:
.L_overlay_start_0:
0x88: {  	s2 =	sld [smem:$0x3FD9]  }
0x89: {  	s3 =	sld [smem:$0x3FFE];
	_ =	sdelay $0x1  }
0x8a: {  	s1 =	srdreg.scid  }
0x8b: {  	s0 =	sand.u32 $0x1, s1  }
0x8c: {  	s17 =	sshll.u32 s0, $0xA;
	s2 =	sadd.s32 s3, s2  }
0x8d: {  	s2 =	sadd.s32 s2, s17  }
0x8e: {  	[smem:$0x3FC1] =	sst s2  }
0x8f: {  	_ = 	snop  }
0x90: {  	s2 =	sld [smem:$0x3FC8]  }
0x91: {  	s18 =	sld [smem:$0x3FD0];
	(tm) =	ssettm $0x1  }
0x92: {  	s4 =	sld [smem:$0x3FFB];
	_ =	sdelay $0x3  }
0x93: {  	_ =	strace s4  }
0x94: {  	s4 =	sld [smem:$0x3FFC];
	_ =	sdelay $0x3  }
0x95: {  	_ =	strace s4  }
0x96: {  	s4 =	sld [smem:$0x3FFD];
	_ =	sdelay $0x3  }
0x97: {  	_ =	strace s4  }
0x98: {  	_ =	strace $0x8FFFFFFF  }
0x99: {  	s19 =	sld [smem:$0x3FDB];
	_ =	sdelay $0x1  }
0x9a: {  	s5 =	simm.s32 $_scs_section_size  }
0x9b: {  	s6 =	simm.s32 $_size__tile_overlayer_lowered;
	s7 =	simm.s32 $_tile_overlayer_lowered  }
0x9c: {  	s22 =	simm.s32 $0x1BFF;
	s21 =	sshll.u32 s7, $0x1;
	s4 =	sadd.s32 s5, s19  }
0x9d: {  	s8 =	simm.s32 $0x0;
	s20 =	sshll.u32 s6, $0x1;
	s6 =	sadd.s32 s21, s4  }
0x9e: {  	[timem:s8], [sflag:s22] =	dma.local [hbm:s6], s20  }
0x9f: {  	_ =	swait.ge [sflag:s22], s20  }
0xa0: {  	s5 =	ssub.s32 $0x0, s20;
	[sflag:s22] =	ssyncset.done $0x0  }
0xa1: {  	[sflag:s22] =	ssyncadd.s32 s5;
	_ =	sdelay $0x1  }
0xa2: {  	s23 =	simm.s32 $0x1B8B  }
0xa3: {  	_ =	swait.ge [sflag:s23], $0x1  }
0xa4: {  	[sflag:s23] =	ssyncset.done $0x0  }
0xa5: {  	s25 =	simm.s32 $0x1B8E;
	s24 =	sld [smem:$0x3FFE];
	[sflag:s23] =	ssyncadd.s32 $0xFFFFFFFF  }
0xa6: {  	s26 =	simm.s32 $execute0_lowered;
	[smem:$0x3FD2] =	sst s25  }
0xa7: {  	s6 =	sshll.u32 s26, $0x1;
	_ =	strace $0x80000046;
	[dreg:$0x1] =	wrdreg $0xFFFFFFFF  }
0xa8: {  	s28 =	simm.s32 $_size_execute0_lowered;
	s4 =	sadd.s32 s4, s6;
	[dreg:$0x0] =	wrdreg $0x0  }
0xa9: {  	s6 =	sshll.u32 s28, $0x1;
	[dreg:$0x2] =	wrdreg s4  }
0xaa: {  	[dreg:$0x3] =	wrdreg s6  }
0xab: {  	[dreg:$0x4] =	wrdreg $0xC0  }
0xac: {  	_ =	task [dreg:s8], $0x5FFFF  }
0xad: {  	[dreg:$0x1] =	wrdreg $0xFFFFFFFF  }
0xae: {  	[dreg:$0x0] =	wrdreg $0x60  }
0xaf: {  	[dreg:$0x2] =	wrdreg s18  }
0xb0: {  	[dreg:$0x3] =	wrdreg s2  }
0xb1: {  	[dreg:$0x4] =	wrdreg s24  }
0xb2: {  	[dreg:$0x5] =	wrdreg $0xC1000  }
0xb3: {  	[dreg:$0x6] =	wrdreg $0x9  }
0xb4: {  	_ =	task.clear_ibuf [dreg:s8], $0x7FFFF;
	_ =	strace $0x90000046  }
0xb5: {  	s29 =	simm.s32 $0x9;
	_ =	strace $0x80000048  }
0xb6: {  	_ =	swait.ge [sflag:s29], $0x1  }
0xb7: {  	[sflag:s29] =	ssyncadd.s32 $0xFFFFFFFF  }
0xb8: {  	_ =	strace $0x90000048  }
0xb9: {  	_ =	sfence  }
0xba: {  	s30 =	sld [smem:$0x0];
	_ =	sdelay $0x2  }
0xbb: {  	s31 =	sshll.u32 s1, $0xD;
	s1 =	sshrl.u32 s1, $0x2  }
0xbc: {  	s3 =	sand.u32 $0x4000, s31;
	s1 =	sadd.s32 s1, s30  }
0xbd: {  	s0 =	sor.u32 s3, s0;
	s1 =	sshll.u32 s1, $0x11  }
0xbe: {  	s0 =	sor.u32 s1, s0  }
0xbf: {  	s0 =	sadd.s32 $0x8F2B, s0  }
0xc0: {  	[sflag:s0] =	ssyncadd.remote.s32 $0x1  }
0xc1: {  	_ =	sfence.sel $0xFFFF  }
0xc2: {  	[dreg:$0x0] =	wrdreg $0xFFFFFFFF;
	(pc) =	sbr.abs _section_cstart, $3  }
0xc3: {  	[dreg:$0x1] =	wrdreg $0xFFFFFFFF  }
0xc4: {  	_ =	task.clear_ibuf [dreg:s8], $0x2FFFF;
	_ =	strace $0x9FFFFFFF  }
0xc5: {  	(tm) =	ssettm $0x7FFFFFFF  }
tec
execute0_lowered:
.L_overlay_start_1:
0x0: {  	(tag) =	ssettag $0x1  }
0x1: {  	s1 =	rddreg [dreg:$0x0]  }
0x2: {  	s2 =	rddreg [dreg:$0x1]  }
0x3: {  	s0 =	rddreg [dreg:$0x2]  }
0x4: {  	s3 =	rddreg [dreg:$0x3];
	s4 =	simm.s32 $0x0;
	s20 =	stileid.u32  }
0x5: {  	s25 =	srdreg.scid;
	s28 =	simm.s32 $0x50;
	s26 =	smul.u32 $0xA000, s20  }
0x6: {  	s30 =	simm.s32 $0x2080;
	s6 =	sor.u32 $0x10, s20;
	s29 =	smul.u32 $0x4E20, s20  }
0x7: {  	s5 =	sadd.s32 $0xB000, s0;
	s9 =	sor.u32 $0x20, s20;
	s8 =	smul.u32 $0xA000, s6  }
0x8: {  	s7 =	sadd.s32 $0x1200, s0;
	s12 =	sor.u32 $0x30, s20;
	s11 =	smul.u32 $0xA000, s9  }
0x9: {  	s21 =	sadd.s32 $0x14E00, s0;
	s15 =	sor.u32 $0x40, s20;
	s14 =	smul.u32 $0xA000, s12  }
0xa: {  	s22 =	sadd.s32 $0x3C000, s0;
	s16 =	sor.u32 $0x50, s20;
	s31 =	smul.u32 $0xA000, s15  }
0xb: {  	s0 =	sand.u32 $0x1, s25;
	s19 =	sor.u32 $0x70, s20;
	s17 =	smul.u32 $0xA000, s16  }
0xc: {  	s10 =	ssub.s32 $0x2, s0;
	p0 =	sne.s32 s0, $0x0;
	s0 =	smul.u32 $0xA000, s19  }
0xd: {  	[smem:$0x7FF] =	sst s4;
	s18 =	sor.u32 $0x60, s20;
	s6 =	smul.u32 $0x500, s6  }
0xe: {  	_ =	strace $0x80000047;
	[dreg:$0x5] =	wrdreg s5;
	s24 =	smul.u32 $0x500, s9  }
0xf: {  	p1 =	sgt.u32 s20, $0xC;
	s9 =	smul.u32 $0x500, s15;
	[dreg:$0x7] =	wrdreg s22  }
0x10: {  	p2 =	slt.u32 s20, $0xD;
	s16 =	smul.u32 $0x500, s16;
	[dreg:$0x6] =	wrdreg s21  }
0x11: {  	s13 =	sshrl.u32 s10, $0x1;
	s5 =	sshrl.u32 s26, $0x2;
	s26 =	smul.u32 $0x500, s12  }
0x12: {  	s12 =	smul.u32 $0x500, s18;
	s10 =	ssub.s32 s10, s13;
	s5 =	sadd.s32 s5, s3  }
0x13: {  	s8 =	sshrl.u32 s8, $0x2;
	s11 =	sshrl.u32 s11, $0x2;
	[dreg:$0xa] =	wrdreg s6  }
0x14: {  	s23 =	sshrl.u32 s14, $0x2;
	[dreg:$0xc] =	wrdreg s24;
	s25 =	sshrl.u32 s31, $0x2  }
0x15: {  	s31 =	sshrl.u32 s17, $0x2;
	[dreg:$0x10] =	wrdreg s9;
	s0 =	sshrl.u32 s0, $0x2  }
0x16: {  	s14 =	smul.u32 $0x4E200, s20;
	[dreg:$0x14] =	wrdreg s16;
	s9 =	simm.s32 $0x3  }
0x17: {  	s16 =	simm.s32 $0x2000;
	[dreg:$0x8] =	wrdreg s5;
	s5 =	smul.u32 $0xA000, s18  }
0x18: {  	s8 =	sadd.s32 s8, s3;
	s11 =	sadd.s32 s11, s3;
	[dreg:$0xe] =	wrdreg s26  }
0x19: {  	s6 =	sadd.s32 s23, s3;
	s13 =	sadd.s32 s25, s3;
	[dreg:$0x9] =	wrdreg s8  }
0x1a: {  	s15 =	sadd.s32 s31, s3;
	s0 =	sadd.s32 s0, s3;
	[dreg:$0xd] =	wrdreg s6  }
0x1b: {  	s18 =	sadd.s32 s22, s12;
	s22 =	sadd.s32 s21, s12;
	[dreg:$0x13] =	wrdreg s0  }
0x1c: {  	s23 =	smul.u32 $0x500, s19;
	s25 =	smax.u32 s10, $0x1;
	[dreg:$0x15] =	wrdreg s18  }
0x1d: {  	s26 =	smul.u32 $0x500, s20;
	s31 =	sadd.s32 $0x500, s2;
	[dreg:$0x16] =	wrdreg s22  }
0x1e: {  	s19 =	simm.s32 $0x2100;
	s12 =	simm.s32 $0x1;
	[dreg:$0x18] =	wrdreg s25  }
0x1f: {  	s21 =	simm.s32 $0x6;
	s20 =	simm.s32 $0x0;
	[dreg:$0x1b] =	wrdreg s31  }
0x20: {  	s24 =	sadd.s32 s14, s2;
	s25 =	simm.s32 $0x7100;
	[dreg:$0xb] =	wrdreg s11  }
0x21: {  	s8 =	simm.s32 $0x9900;
	s14 =	simm.s32 $0x4900;
	[dreg:$0xf] =	wrdreg s13  }
.Ltmp0:
0x22: {  	s18 =	simm.s32 $0x2;
	[dreg:$0x11] =	wrdreg s15;
	(pc) =	sbr.rel .LBB2_1-.Ltmp0, $4  }
0x23: {  	s22 =	simm.s32 $0x5;
	s5 =	sshrl.u32 s5, $0x2;
	[dreg:$0x17] =	wrdreg s23  }
0x24: {  	s0 =	sadd.s32 $0xF00, s24;
	[dreg:$0x1a] =	wrdreg s26;
	s23 =	simm.s32 $0x7  }
0x25: {  	s24 =	simm.s32 $0x1000;
	s17 =	sadd.s32 s5, s3;
	[dreg:$0x19] =	wrdreg s0  }
0x26: {  	v0 =	vimm.f32 $0.0e+00;
	s26 =	simm.s32 $0x4;
	s0 =	sadd.s32 $0xF500, s2;
	[dreg:$0x12] =	wrdreg s17  }
.LBB2_20:
0x27: {  	s5 =	rddreg [dreg:$0x13]  }
0x28: {  	[tilespmem:s14], [sflag:$0x7] =	stream.linear.gather [spmem:s5], $0x2800, $0x38;
	[tilespmem:$0x1F980] =	vst v63  }
0x29: {  	_ =	swait.ge [sflag:s23], $0x2800  }
0x2a: {  	[sflag:s23] =	ssyncset.done $0x0;
	s31 =	rddreg [dreg:$0x17]  }
0x2b: {  	[sflag:s23] =	ssyncadd.s32 $0xFFFFD800;
	s5 =	sadd.s32 s10, s31  }
0x2c: {  	[hbm4b:s5+s4] =	stream.linear.scatter [tilespmem:s14], [sflag:$0x2], $0x2800, $0x38;
	[tilespmem:$0x1F980] =	vst v63  }
0x2d: {  	_ =	swait.ge [sflag:s12], $0x2800  }
0x2e: {  	[sflag:s12] =	ssyncset.done $0x0  }
0x2f: {  	s6 =	simm.s32 $0x2;
	[sflag:s12] =	ssyncadd.s32 $0xFFFFD800  }
.LBB2_21:
0x30: {  	_ =	swait.ge [sflag:s6], $0x2800  }
0x31: {  	s20 =	sadd.s32 $0x1, s20;
	s5 =	rddreg [dreg:$0x18]  }
0x32: {  	p3 =	sne.s32 s20, s5  }
.Ltmp1:
0x33: {  	_ = 	snop;
	(pc) =	sbr.rel @!p3 .LBB2_22-.Ltmp1, $3  }
0x34: {  	_ =	sdelay $0x1  }
0x35: {  	[sflag:s6] =	ssyncset.done $0x0  }
0x36: {  	[sflag:s6] =	ssyncadd.s32 $0xFFFFD800  }
.LBB2_1:
0x37: {  	[dreg:$0x1c] =	wrdreg s20;
	s6 =	simm.s32 $0x0;
	s10 =	simm.s32 $0x200  }
.LBB2_2:
0x38: {  	p3 =	sne.s32 s10, $0x9E00;
	[tilespmem:s6+$0x2170] =	vst v0  }
0x39: {  	[tilespmem:s6+$0x2100] =	vst v0  }
0x3a: {  	[tilespmem:s6+$0x2110] =	vst v0  }
.Ltmp2:
0x3b: {  	[tilespmem:s6+$0x2120] =	vst v0;
	(pc) =	sbr.rel @p3 .LBB2_2-.Ltmp2, $4  }
0x3c: {  	[tilespmem:s6+$0x2130] =	vst v0  }
0x3d: {  	[tilespmem:s6+$0x2140] =	vst v0  }
0x3e: {  	[tilespmem:s6+$0x2150] =	vst v0  }
0x3f: {  	[tilespmem:s6+$0x2160] =	vst v0;
	s6 =	sshra.s32 s10, $0x2;
	s10 =	sadd.s32 $0x200, s10  }
0x40: {  	[tilespmem:s6+$0x2170] =	vst v0  }
0x41: {  	[tilespmem:s6+$0x2100] =	vst v0  }
0x42: {  	[tilespmem:s6+$0x2110] =	vst v0  }
0x43: {  	[tilespmem:s6+$0x2120] =	vst v0  }
0x44: {  	[tilespmem:s6+$0x2130] =	vst v0  }
0x45: {  	[tilespmem:s6+$0x2140] =	vst v0  }
0x46: {  	[tilespmem:s6+$0x2150] =	vst v0  }
0x47: {  	[tilespmem:s6+$0x2160] =	vst v0;
	s5 =	rddreg [dreg:$0x8]  }
0x48: {  	[spmem:s5] =	stream.linear.scatter [tilespmem:s19], [sflag:$0x7], $0x2800, $0x38;
	[tilespmem:$0x1F980] =	vst v63  }
0x49: {  	_ =	swait.ge [sflag:s23], $0x2800  }
0x4a: {  	[sflag:s23] =	ssyncset.done $0x0  }
0x4b: {  	s20 =	rddreg [dreg:$0x9];
	[sflag:s23] =	ssyncadd.s32 $0xFFFFD800  }
0x4c: {  	[spmem:s20] =	stream.linear.scatter [tilespmem:s19], [sflag:$0x7], $0x2800, $0x38;
	[tilespmem:$0x1F980] =	vst v63  }
0x4d: {  	_ =	swait.ge [sflag:s23], $0x2800  }
0x4e: {  	[sflag:s23] =	ssyncset.done $0x0  }
0x4f: {  	[sflag:s23] =	ssyncadd.s32 $0xFFFFD800  }
0x50: {  	[spmem:s11] =	stream.linear.scatter [tilespmem:s19], [sflag:$0x7], $0x2800, $0x38;
	[tilespmem:$0x1F980] =	vst v63  }
0x51: {  	_ =	swait.ge [sflag:s23], $0x2800  }
0x52: {  	[sflag:s23] =	ssyncset.done $0x0  }
0x53: {  	s31 =	rddreg [dreg:$0xd];
	[sflag:s23] =	ssyncadd.s32 $0xFFFFD800  }
0x54: {  	[spmem:s31] =	stream.linear.scatter [tilespmem:s19], [sflag:$0x7], $0x2800, $0x38;
	[tilespmem:$0x1F980] =	vst v63  }
0x55: {  	_ =	swait.ge [sflag:s23], $0x2800  }
0x56: {  	[sflag:s23] =	ssyncset.done $0x0  }
0x57: {  	[sflag:s23] =	ssyncadd.s32 $0xFFFFD800  }
0x58: {  	[spmem:s13] =	stream.linear.scatter [tilespmem:s19], [sflag:$0x7], $0x2800, $0x38;
	[tilespmem:$0x1F980] =	vst v63  }
0x59: {  	_ =	swait.ge [sflag:s23], $0x2800  }
0x5a: {  	[sflag:s23] =	ssyncset.done $0x0  }
0x5b: {  	[sflag:s23] =	ssyncadd.s32 $0xFFFFD800  }
0x5c: {  	[spmem:s15] =	stream.linear.scatter [tilespmem:s19], [sflag:$0x7], $0x2800, $0x38;
	[tilespmem:$0x1F980] =	vst v63  }
0x5d: {  	_ =	swait.ge [sflag:s23], $0x2800  }
0x5e: {  	[sflag:s23] =	ssyncset.done $0x0  }
0x5f: {  	[sflag:s23] =	ssyncadd.s32 $0xFFFFD800  }
0x60: {  	[spmem:s17] =	stream.linear.scatter [tilespmem:s19], [sflag:$0x7], $0x2800, $0x38;
	[tilespmem:$0x1F980] =	vst v63  }
0x61: {  	_ =	swait.ge [sflag:s23], $0x2800  }
0x62: {  	[sflag:s23] =	ssyncset.done $0x0  }
0x63: {  	s6 =	simm.s32 @!p1 $0x2100;
	s5 =	rddreg [dreg:$0x13];
	[sflag:s23] =	ssyncadd.s32 $0xFFFFD800  }
0x64: {  	[spmem:s5] =	stream.linear.scatter @!p1 [tilespmem:s6], [sflag:$0x7], $0x2800, $0x38;
	[tilespmem:$0x1F980] =	vst v63  }
0x65: {  	s6 =	simm.s32 @!p1 $0x7  }
.Ltmp3:
0x66: {  	_ =	swait.ge @!p1 [sflag:s6], $0x2800;
	(pc) =	sbr.rel @p0 .LBB2_4-.Ltmp3, $4  }
0x67: {  	[sflag:s6] =	ssyncset.done @!p1 $0x0  }
0x68: {  	[sflag:s6] =	ssyncadd.s32 @!p1 $0xFFFFD800  }
0x69: {  	[bflag:$0x0] =	sbarrier.arrive $0xFFFF  }
0x6a: {  	s11 =	simm.s32 $0x0;
	s13 =	simm.s32 $0x0  }
.LBB2_9:
0x6b: {  	s6 =	smul.u32 $0xFA0, s13;
	_ =	sdelay $0x1  }
0x6c: {  	s15 =	sadd.s32 s29, s6  }
0x6d: {  	s6 =	sshrl.u32 s15, $0x3  }
0x6e: {  	s10 =	sadd.s32 s7, s6  }
0x6f: {  	[tilespmem:s24], [sflag:$0x7] =	stream.linear.gather [hbm4b:s10+s11], $0xFA0, $0x38;
	[tilespmem:$0x1F980] =	vst v63  }
0x70: {  	_ =	swait.ge [sflag:s23], $0xFA0  }
0x71: {  	[sflag:s23] =	ssyncset.done $0x0;
	s5 =	rddreg [dreg:$0x5]  }
0x72: {  	[sflag:s23] =	ssyncadd.s32 $0xFFFFF060;
	s6 =	sadd.s32 s5, s6  }
0x73: {  	[tilespmem:s11], [sflag:$0x7] =	stream.linear.gather [hbm4b:s6+s11], $0xFA0, $0x38;
	[tilespmem:$0x1F980] =	vst v63  }
0x74: {  	_ =	swait.ge [sflag:s23], $0xFA0  }
0x75: {  	s31 =	sshll.u32 s15, $0x4;
	[sflag:s23] =	ssyncset.done $0x0  }
0x76: {  	s6 =	sadd.s32 s2, s31;
	[sflag:s23] =	ssyncadd.s32 $0xFFFFF060  }
0x77: {  	[tilespmem:s25], [sflag:$0x3] =	stream.linear.gather [hbm4b:s6+s11], $0x2800, $0x38;
	[tilespmem:$0x1F980] =	vst v63  }
0x78: {  	s17 =	simm.s32 $0x0  }
0x79: {  	[tilespmem:s19], [sflag:$0x1] =	stream.indirect.gather [hbm4b:s1+s28], $0x80, s11, s28, $0xb8;
	[tilespmem:$0x1F980] =	vst v63  }
.LBB2_10:
0x7a: {  	_ =	swait.ge [sflag:s12], $0x2800;
	s19 =	smul.u32 $0xA0, s17  }
0x7b: {  	p3 =	seq.s32 s17, $0x0;
	[sflag:s12] =	ssyncset.done $0x0  }
0x7c: {  	s6 =	simm.s32 @!p3 $0x6;
	[sflag:s12] =	ssyncadd.s32 $0xFFFFD800;
	s20 =	sadd.s32 $0x50, s19  }
0x7d: {  	_ =	swait.ge @!p3 [sflag:s6], $0x2800;
	s10 =	sadd.s32 s15, s20  }
0x7e: {  	[sflag:s6] =	ssyncset.done @!p3 $0x0;
	s10 =	sshll.u32 s10, $0x4  }
0x7f: {  	s31 =	simm.s32 $0x0;
	[sflag:s6] =	ssyncadd.s32 @!p3 $0xFFFFD800;
	s10 =	sadd.s32 s2, s10  }
0x80: {  	[tilespmem:s8], [sflag:$0x4] =	stream.linear.gather [hbm4b:s10+s31], $0x2800, $0x38;
	[tilespmem:$0x1F980] =	vst v63  }
0x81: {  	_ = 	snop  }
0x82: {  	[tilespmem:s14], [sflag:$0x2] =	stream.indirect.gather [hbm4b:s1+s28], $0x80, s20, s28, $0xb8;
	[tilespmem:$0x1F980] =	vst v63  }
0x83: {  	v1 =	vld [tilespmem:s19+$0x1000];
	_ =	sdelay $0x4  }
0x84: {  	[tilespmem:$0x2000] =	vst v1  }
0x85: {  	v1 =	vld [tilespmem:s19+$0x1010];
	_ =	sdelay $0x4  }
0x86: {  	[tilespmem:$0x2010] =	vst v1  }
0x87: {  	v1 =	vld [tilespmem:s19+$0x1020];
	_ =	sdelay $0x4  }
0x88: {  	[tilespmem:$0x2020] =	vst v1  }
0x89: {  	v1 =	vld [tilespmem:s19+$0x1030];
	_ =	sdelay $0x4  }
0x8a: {  	[tilespmem:$0x2030] =	vst v1  }
0x8b: {  	v1 =	vld [tilespmem:s19+$0x1040];
	_ =	sdelay $0x4  }
0x8c: {  	[tilespmem:$0x2040] =	vst v1  }
0x8d: {  	_ =	swait.ge [sflag:s9], $0x2800  }
0x8e: {  	[sflag:s9] =	ssyncset.done $0x0  }
0x8f: {  	s6 =	simm.s32 $0x0;
	[sflag:s9] =	ssyncadd.s32 $0xFFFFD800  }
0x90: {  	v8 =	vld [tilespmem:s6+$0x2100]  }
0x91: {  	v12 =	vld [tilespmem:s6+$0x2110]  }
0x92: {  	v6 =	vld [tilespmem:s6+$0x2120]  }
0x93: {  	v5 =	vld [tilespmem:s6+$0x2130]  }
0x94: {  	v4 =	vld [tilespmem:s6+$0x2140]  }
0x95: {  	v3 =	vld [tilespmem:s6+$0x2150]  }
0x96: {  	v2 =	vld [tilespmem:s6+$0x2160]  }
0x97: {  	v1 =	vld [tilespmem:s6+$0x2170]  }
0x98: {  	v13 =	vld [tilespmem:s6+$0x7100]  }
0x99: {  	v14 =	vld [tilespmem:s6+$0x7110]  }
0x9a: {  	v11 =	vld [tilespmem:s6+$0x7120]  }
0x9b: {  	v10 =	vld [tilespmem:s6+$0x7130]  }
0x9c: {  	v9 =	vld [tilespmem:s6+$0x7140]  }
0x9d: {  	v7 =	vld [tilespmem:s6+$0x7150];
	v13 =	vmul.f32 v13, v8  }
0x9e: {  	s10 =	simm.s32 $0x200;
	v12 =	vmul.f32 v14, v12;
	v8 =	vld [tilespmem:s6+$0x7160]  }
.LBB2_11:
0x9f: {  	s5 =	sshra.s32 s10, $0x2;
	p3 =	sne.s32 s10, $0x9E00;
	[tilespmem:s6+$0x7100] =	vst v13;
	v6 =	vmul.f32 v11, v6;
	v11 =	vld [tilespmem:s6+$0x7170]  }
0xa0: {  	v13 =	vld [tilespmem:s5+$0x2100];
	[tilespmem:s6+$0x7110] =	vst v12;
	v5 =	vmul.f32 v10, v5  }
0xa1: {  	v12 =	vld [tilespmem:s5+$0x2110];
	[tilespmem:s6+$0x7120] =	vst v6;
	v4 =	vmul.f32 v9, v4  }
0xa2: {  	v6 =	vld [tilespmem:s5+$0x2120];
	[tilespmem:s6+$0x7130] =	vst v5;
	v3 =	vmul.f32 v7, v3  }
0xa3: {  	v5 =	vld [tilespmem:s5+$0x2130];
	[tilespmem:s6+$0x7140] =	vst v4;
	v2 =	vmul.f32 v8, v2  }
0xa4: {  	v4 =	vld [tilespmem:s5+$0x2140];
	[tilespmem:s6+$0x7150] =	vst v3;
	v1 =	vmul.f32 v11, v1  }
0xa5: {  	v3 =	vld [tilespmem:s5+$0x2150];
	[tilespmem:s6+$0x7160] =	vst v2  }
0xa6: {  	v2 =	vld [tilespmem:s5+$0x2160];
	[tilespmem:s6+$0x7170] =	vst v1;
	s6 =	smov.u32 s5  }
0xa7: {  	v1 =	vld [tilespmem:s6+$0x2170]  }
0xa8: {  	v7 =	vld [tilespmem:s6+$0x7100]  }
0xa9: {  	v8 =	vld [tilespmem:s6+$0x7110]  }
.Ltmp4:
0xaa: {  	v11 =	vld [tilespmem:s6+$0x7120];
	(pc) =	sbr.rel @p3 .LBB2_11-.Ltmp4, $4  }
0xab: {  	v10 =	vld [tilespmem:s6+$0x7130]  }
0xac: {  	v9 =	vld [tilespmem:s6+$0x7140]  }
0xad: {  	v13 =	vmul.f32 v7, v13;
	v7 =	vld [tilespmem:s6+$0x7150]  }
0xae: {  	s10 =	sadd.s32 $0x200, s10;
	v12 =	vmul.f32 v8, v12;
	v8 =	vld [tilespmem:s6+$0x7160]  }
0xaf: {  	[tilespmem:s6+$0x7100] =	vst v13;
	v6 =	vmul.f32 v11, v6;
	v11 =	vld [tilespmem:s6+$0x7170]  }
0xb0: {  	[tilespmem:s6+$0x7110] =	vst v12;
	v5 =	vmul.f32 v10, v5  }
0xb1: {  	[tilespmem:s6+$0x7120] =	vst v6;
	v4 =	vmul.f32 v9, v4  }
0xb2: {  	[tilespmem:s6+$0x7130] =	vst v5;
	v3 =	vmul.f32 v7, v3  }
0xb3: {  	[tilespmem:s6+$0x7140] =	vst v4;
	v2 =	vmul.f32 v8, v2  }
0xb4: {  	[tilespmem:s6+$0x7150] =	vst v3;
	v1 =	vmul.f32 v11, v1  }
0xb5: {  	[tilespmem:s6+$0x7160] =	vst v2  }
0xb6: {  	[tilespmem:s6+$0x7170] =	vst v1  }
0xb7: {  	[spmem:s3] =	stream.indirect.scatter.add.f32 [tilespmem:s25], [sflag:$0x5], $0x80, s16, s28, $0xb8;
	[tilespmem:$0x1F980] =	vst v63  }
0xb8: {  	_ =	swait.ge [sflag:s18], $0x2800  }
0xb9: {  	p3 =	seq.s32 s17, $0x18;
	[sflag:s18] =	ssyncset.done $0x0  }
0xba: {  	s5 =	sadd.s32 @!p3 $0xA0, s19;
	[sflag:s18] =	ssyncadd.s32 $0xFFFFD800  }
0xbb: {  	s6 =	sadd.s32 @!p3 s15, s5;
	_ =	swait.ge [sflag:s22], $0x2800  }
0xbc: {  	s10 =	simm.s32 @!p3 $0x0;
	s6 =	sshll.u32 @!p3 s6, $0x4;
	[sflag:s22] =	ssyncset.done $0x0  }
0xbd: {  	s31 =	simm.s32 @!p3 $0x7100;
	s6 =	sadd.s32 @!p3 s2, s6;
	[sflag:s22] =	ssyncadd.s32 $0xFFFFD800  }
0xbe: {  	[tilespmem:s31], [sflag:$0x3] =	stream.linear.gather @!p3 [hbm4b:s6+s10], $0x2800, $0x38;
	[tilespmem:$0x1F980] =	vst v63  }
0xbf: {  	s6 =	simm.s32 @!p3 $0x50;
	s10 =	simm.s32 @!p3 $0x2100  }
0xc0: {  	[tilespmem:s10], [sflag:$0x1] =	stream.indirect.gather @!p3 [hbm4b:s1+s6], $0x80, s5, s6, $0xb8;
	[tilespmem:$0x1F980] =	vst v63  }
0xc1: {  	v1 =	vld [tilespmem:s20+$0x1000];
	_ =	sdelay $0x4  }
0xc2: {  	[tilespmem:$0x2080] =	vst v1  }
0xc3: {  	v1 =	vld [tilespmem:s19+$0x1060];
	_ =	sdelay $0x4  }
0xc4: {  	[tilespmem:$0x2090] =	vst v1  }
0xc5: {  	v1 =	vld [tilespmem:s19+$0x1070];
	_ =	sdelay $0x4  }
0xc6: {  	s31 =	sand.u32 $0x1FE0, s19;
	[tilespmem:$0x20A0] =	vst v1  }
0xc7: {  	v1 =	vld [tilespmem:s31+$0x1080];
	_ =	sdelay $0x4  }
0xc8: {  	[tilespmem:$0x20B0] =	vst v1  }
0xc9: {  	v1 =	vld [tilespmem:s19+$0x1090];
	_ =	sdelay $0x4  }
0xca: {  	[tilespmem:$0x20C0] =	vst v1  }
0xcb: {  	_ =	swait.ge [sflag:s26], $0x2800  }
0xcc: {  	[sflag:s26] =	ssyncset.done $0x0  }
0xcd: {  	s6 =	simm.s32 $0x0;
	[sflag:s26] =	ssyncadd.s32 $0xFFFFD800  }
0xce: {  	v8 =	vld [tilespmem:s6+$0x4900]  }
0xcf: {  	v12 =	vld [tilespmem:s6+$0x4910]  }
0xd0: {  	v6 =	vld [tilespmem:s6+$0x4920]  }
0xd1: {  	v5 =	vld [tilespmem:s6+$0x4930]  }
0xd2: {  	v4 =	vld [tilespmem:s6+$0x4940]  }
0xd3: {  	v3 =	vld [tilespmem:s6+$0x4950]  }
0xd4: {  	v2 =	vld [tilespmem:s6+$0x4960]  }
0xd5: {  	v1 =	vld [tilespmem:s6+$0x4970]  }
0xd6: {  	v13 =	vld [tilespmem:s6+$0x9900]  }
0xd7: {  	v14 =	vld [tilespmem:s6+$0x9910]  }
0xd8: {  	v11 =	vld [tilespmem:s6+$0x9920]  }
0xd9: {  	v10 =	vld [tilespmem:s6+$0x9930]  }
0xda: {  	v9 =	vld [tilespmem:s6+$0x9940]  }
0xdb: {  	v7 =	vld [tilespmem:s6+$0x9950];
	v13 =	vmul.f32 v13, v8  }
0xdc: {  	s10 =	simm.s32 $0x200;
	v12 =	vmul.f32 v14, v12;
	v8 =	vld [tilespmem:s6+$0x9960]  }
.LBB2_13:
0xdd: {  	s5 =	sshra.s32 s10, $0x2;
	p3 =	sne.s32 s10, $0x9E00;
	[tilespmem:s6+$0x9900] =	vst v13;
	v6 =	vmul.f32 v11, v6;
	v11 =	vld [tilespmem:s6+$0x9970]  }
0xde: {  	v13 =	vld [tilespmem:s5+$0x4900];
	[tilespmem:s6+$0x9910] =	vst v12;
	v5 =	vmul.f32 v10, v5  }
0xdf: {  	v12 =	vld [tilespmem:s5+$0x4910];
	[tilespmem:s6+$0x9920] =	vst v6;
	v4 =	vmul.f32 v9, v4  }
0xe0: {  	v6 =	vld [tilespmem:s5+$0x4920];
	[tilespmem:s6+$0x9930] =	vst v5;
	v3 =	vmul.f32 v7, v3  }
0xe1: {  	v5 =	vld [tilespmem:s5+$0x4930];
	[tilespmem:s6+$0x9940] =	vst v4;
	v2 =	vmul.f32 v8, v2  }
0xe2: {  	v4 =	vld [tilespmem:s5+$0x4940];
	[tilespmem:s6+$0x9950] =	vst v3;
	v1 =	vmul.f32 v11, v1  }
0xe3: {  	v3 =	vld [tilespmem:s5+$0x4950];
	[tilespmem:s6+$0x9960] =	vst v2  }
0xe4: {  	v2 =	vld [tilespmem:s5+$0x4960];
	[tilespmem:s6+$0x9970] =	vst v1;
	s6 =	smov.u32 s5  }
0xe5: {  	v1 =	vld [tilespmem:s6+$0x4970]  }
0xe6: {  	v7 =	vld [tilespmem:s6+$0x9900]  }
0xe7: {  	v8 =	vld [tilespmem:s6+$0x9910]  }
.Ltmp5:
0xe8: {  	v11 =	vld [tilespmem:s6+$0x9920];
	(pc) =	sbr.rel @p3 .LBB2_13-.Ltmp5, $4  }
0xe9: {  	v10 =	vld [tilespmem:s6+$0x9930]  }
0xea: {  	v9 =	vld [tilespmem:s6+$0x9940]  }
0xeb: {  	v13 =	vmul.f32 v7, v13;
	v7 =	vld [tilespmem:s6+$0x9950]  }
0xec: {  	s10 =	sadd.s32 $0x200, s10;
	v12 =	vmul.f32 v8, v12;
	v8 =	vld [tilespmem:s6+$0x9960]  }
0xed: {  	[tilespmem:s6+$0x9900] =	vst v13;
	v6 =	vmul.f32 v11, v6;
	v63 =	vld [tilespmem:s6+$0x9970]  }
0xee: {  	[tilespmem:s6+$0x9910] =	vst v12;
	v5 =	vmul.f32 v10, v5  }
0xef: {  	s17 =	sadd.s32 $0x1, s17;
	[tilespmem:s6+$0x9920] =	vst v6;
	v4 =	vmul.f32 v9, v4  }
0xf0: {  	p3 =	sne.s32 s17, $0x19;
	[tilespmem:s6+$0x9930] =	vst v5;
	v3 =	vmul.f32 v7, v3  }
.Ltmp6:
0xf1: {  	[tilespmem:s6+$0x9940] =	vst v4;
	v2 =	vmul.f32 v8, v2;
	(pc) =	sbr.rel @p3 .LBB2_10-.Ltmp6, $4  }
0xf2: {  	[tilespmem:s6+$0x9950] =	vst v3;
	v1 =	vmul.f32 v63, v1  }
0xf3: {  	[tilespmem:s6+$0x9960] =	vst v2  }
0xf4: {  	[tilespmem:s6+$0x9970] =	vst v1  }
0xf5: {  	[spmem:s3] =	stream.indirect.scatter.add.f32 [tilespmem:s8], [sflag:$0x6], $0x80, s30, s28, $0xb8;
	[tilespmem:$0x1F980] =	vst v63  }
0xf6: {  	s13 =	sadd.s32 $0x1, s13  }
0xf7: {  	p3 =	seq.s32 s13, $0x5  }
.Ltmp7:
0xf8: {  	_ = 	snop;
	(pc) =	sbr.rel @!p3 .LBB2_9-.Ltmp7, $4  }
0xf9: {  	_ = 	snop  }
0xfa: {  	_ =	swait.ge [sflag:s21], $0x2800  }
0xfb: {  	[sflag:s21] =	ssyncset.done $0x0  }
0xfc: {  	s19 =	simm.s32 $0x2100;
	[sflag:s21] =	ssyncadd.s32 $0xFFFFD800  }
.Ltmp8:
0xfd: {  	(pc) =	sbr.rel .LBB2_17-.Ltmp8, $4  }
0xfe: {  	_ = 	snop  }
0xff: {  	s6 =	rddreg [dreg:$0x6]  }
0x100: {  	s15 =	rddreg [dreg:$0x11]  }
0x101: {  	s17 =	rddreg [dreg:$0x12]  }
.LBB2_4:
0x102: {  	s13 =	rddreg [dreg:$0x19]  }
.LBB2_5:
0x103: {  	s5 =	smul.u32 $0xFA0, s11;
	_ =	sdelay $0x1  }
0x104: {  	s5 =	sadd.s32 s29, s5  }
0x105: {  	s6 =	sshrl.u32 s5, $0x3  }
0x106: {  	s6 =	sadd.s32 s7, s6  }
0x107: {  	[tilespmem:s24], [sflag:$0x7] =	stream.linear.gather [hbm4b:s6+s4], $0xFA0, $0x38;
	[tilespmem:$0x1F980] =	vst v63  }
0x108: {  	_ =	swait.ge [sflag:s23], $0xFA0  }
0x109: {  	s15 =	sshll.u32 s5, $0x4;
	[sflag:s23] =	ssyncset.done $0x0  }
0x10a: {  	s5 =	sadd.s32 s2, s15;
	[sflag:s23] =	ssyncadd.s32 $0xFFFFF060  }
0x10b: {  	[tilespmem:s25], [sflag:$0x3] =	stream.linear.gather [hbm4b:s5+s4], $0x2800, $0x38;
	[tilespmem:$0x1F980] =	vst v63  }
0x10c: {  	_ =	swait.ge [sflag:s9], $0x2800  }
0x10d: {  	[sflag:s9] =	ssyncset.done $0x0;
	s17 =	rddreg [dreg:$0x1b]  }
0x10e: {  	[sflag:s9] =	ssyncadd.s32 $0xFFFFD800;
	s6 =	sadd.s32 s17, s15  }
0x10f: {  	[tilespmem:s8], [sflag:$0x4] =	stream.linear.gather [hbm4b:s6+s4], $0x2800, $0x38;
	[tilespmem:$0x1F980] =	vst v63  }
0x110: {  	v1 =	vld [tilespmem:$0x1000]  }
0x111: {  	v2 =	vld [tilespmem:$0x1010]  }
0x112: {  	v3 =	vld [tilespmem:$0x1020]  }
0x113: {  	v4 =	vld [tilespmem:$0x1030]  }
0x114: {  	v5 =	vld [tilespmem:$0x1040]  }
0x115: {  	[tilespmem:$0x2000] =	vst v1  }
0x116: {  	[tilespmem:$0x2010] =	vst v2  }
0x117: {  	[tilespmem:$0x2020] =	vst v3  }
0x118: {  	[tilespmem:$0x2030] =	vst v4  }
0x119: {  	[tilespmem:$0x2040] =	vst v5  }
0x11a: {  	[spmem:s3] =	stream.indirect.scatter.add.f32 [tilespmem:s25], [sflag:$0x5], $0x80, s16, s28, $0xb8;
	[tilespmem:$0x1F980] =	vst v63  }
0x11b: {  	_ =	swait.ge [sflag:s26], $0x2800  }
0x11c: {  	[sflag:s26] =	ssyncset.done $0x0  }
0x11d: {  	[sflag:s26] =	ssyncadd.s32 $0xFFFFD800  }
0x11e: {  	_ =	swait.ge [sflag:s22], $0x2800  }
0x11f: {  	[sflag:s22] =	ssyncset.done $0x0  }
0x120: {  	s5 =	sadd.s32 $0xA00, s5;
	[sflag:s22] =	ssyncadd.s32 $0xFFFFD800  }
0x121: {  	[tilespmem:s25], [sflag:$0x3] =	stream.linear.gather [hbm4b:s5+s4], $0x2800, $0x38;
	[tilespmem:$0x1F980] =	vst v63  }
0x122: {  	v1 =	vld [tilespmem:$0x1050]  }
0x123: {  	v2 =	vld [tilespmem:$0x1060]  }
0x124: {  	v3 =	vld [tilespmem:$0x1070]  }
0x125: {  	v62 =	vld [tilespmem:$0x1080]  }
0x126: {  	v63 =	vld [tilespmem:$0x1090]  }
0x127: {  	[tilespmem:$0x2080] =	vst v1  }
0x128: {  	[tilespmem:$0x2090] =	vst v2  }
0x129: {  	[tilespmem:$0x20A0] =	vst v3  }
0x12a: {  	[tilespmem:$0x20B0] =	vst v62  }
0x12b: {  	[tilespmem:$0x20C0] =	vst v63  }
0x12c: {  	[spmem:s3] =	stream.indirect.scatter.add.f32 [tilespmem:s8], [sflag:$0x6], $0x80, s30, s28, $0xb8;
	[tilespmem:$0x1F980] =	vst v63  }
0x12d: {  	_ =	swait.ge [sflag:s9], $0x2800  }
0x12e: {  	[sflag:s9] =	ssyncset.done $0x0  }
0x12f: {  	[sflag:s9] =	ssyncadd.s32 $0xFFFFD800  }
0x130: {  	_ =	swait.ge [sflag:s21], $0x2800  }
0x131: {  	[sflag:s21] =	ssyncset.done $0x0  }
0x132: {  	s19 =	simm.s32 $0x10A0;
	[sflag:s21] =	ssyncadd.s32 $0xFFFFD800  }
0x133: {  	[tilespmem:s8], [sflag:$0x4] =	stream.linear.gather [hbm4b:s13+s4], $0x2800, $0x38;
	[tilespmem:$0x1F980] =	vst v63  }
0x134: {  	v1 =	vld [tilespmem:s19+$0x0];
	_ =	sdelay $0x4  }
0x135: {  	[tilespmem:$0x2000] =	vst v1  }
0x136: {  	v1 =	vld [tilespmem:s19+$0x10];
	_ =	sdelay $0x4  }
0x137: {  	[tilespmem:$0x2010] =	vst v1  }
0x138: {  	v1 =	vld [tilespmem:s19+$0x20];
	_ =	sdelay $0x4  }
0x139: {  	[tilespmem:$0x2020] =	vst v1  }
0x13a: {  	v1 =	vld [tilespmem:s19+$0x30];
	_ =	sdelay $0x4  }
0x13b: {  	[tilespmem:$0x2030] =	vst v1  }
0x13c: {  	v1 =	vld [tilespmem:s19+$0x40];
	_ =	sdelay $0x4  }
0x13d: {  	[tilespmem:$0x2040] =	vst v1  }
0x13e: {  	[spmem:s3] =	stream.indirect.scatter.add.f32 [tilespmem:s25], [sflag:$0x5], $0x80, s16, s28, $0xb8;
	[tilespmem:$0x1F980] =	vst v63  }
0x13f: {  	_ =	swait.ge [sflag:s26], $0x2800  }
0x140: {  	[sflag:s26] =	ssyncset.done $0x0  }
0x141: {  	[sflag:s26] =	ssyncadd.s32 $0xFFFFD800  }
0x142: {  	_ =	swait.ge [sflag:s22], $0x2800  }
0x143: {  	[sflag:s22] =	ssyncset.done $0x0  }
0x144: {  	s20 =	sadd.s32 $0x500, s13;
	[sflag:s22] =	ssyncadd.s32 $0xFFFFD800  }
0x145: {  	[tilespmem:s25], [sflag:$0x3] =	stream.linear.gather [hbm4b:s20+s4], $0x2800, $0x38;
	[tilespmem:$0x1F980] =	vst v63  }
0x146: {  	v1 =	vld [tilespmem:s19+$0x50];
	_ =	sdelay $0x4  }
0x147: {  	[tilespmem:$0x2080] =	vst v1  }
0x148: {  	v1 =	vld [tilespmem:s19+$0x60];
	_ =	sdelay $0x4  }
0x149: {  	[tilespmem:$0x2090] =	vst v1  }
0x14a: {  	v1 =	vld [tilespmem:s19+$0x70];
	_ =	sdelay $0x3  }
0x14b: {  	s31 =	simm.s32 $0xA0  }
0x14c: {  	s6 =	sand.u32 $0x1FE0, s31;
	[tilespmem:$0x20A0] =	vst v1  }
0x14d: {  	v1 =	vld [tilespmem:s6+$0x1080];
	_ =	sdelay $0x4  }
0x14e: {  	[tilespmem:$0x20B0] =	vst v1  }
0x14f: {  	v1 =	vld [tilespmem:s19+$0x90];
	_ =	sdelay $0x4  }
0x150: {  	s17 =	simm.s32 $0x1140;
	s20 =	sadd.s32 $0xA00, s13;
	s19 =	simm.s32 $0x140;
	[tilespmem:$0x20C0] =	vst v1  }
.LBB2_6:
0x151: {  	s10 =	smov.u32 s17;
	s6 =	smov.u32 s19  }
0x152: {  	[spmem:s3] =	stream.indirect.scatter.add.f32 [tilespmem:s8], [sflag:$0x6], $0x80, s30, s28, $0xb8;
	[tilespmem:$0x1F980] =	vst v63  }
0x153: {  	p3 =	sne.s32 s19, $0xE60;
	s19 =	sadd.s32 $0xA0, s19;
	_ =	swait.ge [sflag:s9], $0x2800  }
0x154: {  	[sflag:s9] =	ssyncset.done $0x0  }
0x155: {  	[sflag:s9] =	ssyncadd.s32 $0xFFFFD800  }
0x156: {  	_ =	swait.ge [sflag:s21], $0x2800  }
0x157: {  	[sflag:s21] =	ssyncset.done $0x0  }
0x158: {  	[sflag:s21] =	ssyncadd.s32 $0xFFFFD800  }
0x159: {  	[tilespmem:s8], [sflag:$0x4] =	stream.linear.gather [hbm4b:s20+s4], $0x2800, $0x38;
	[tilespmem:$0x1F980] =	vst v63  }
0x15a: {  	v1 =	vld [tilespmem:s17+$0x0];
	_ =	sdelay $0x4  }
0x15b: {  	[tilespmem:$0x2000] =	vst v1  }
0x15c: {  	v1 =	vld [tilespmem:s17+$0x10];
	_ =	sdelay $0x4  }
0x15d: {  	[tilespmem:$0x2010] =	vst v1  }
0x15e: {  	v1 =	vld [tilespmem:s17+$0x20];
	_ =	sdelay $0x4  }
0x15f: {  	[tilespmem:$0x2020] =	vst v1  }
0x160: {  	v1 =	vld [tilespmem:s17+$0x30];
	_ =	sdelay $0x4  }
0x161: {  	[tilespmem:$0x2030] =	vst v1  }
0x162: {  	v1 =	vld [tilespmem:s17+$0x40];
	_ =	sdelay $0x4  }
0x163: {  	[tilespmem:$0x2040] =	vst v1  }
0x164: {  	[spmem:s3] =	stream.indirect.scatter.add.f32 [tilespmem:s25], [sflag:$0x5], $0x80, s16, s28, $0xb8;
	[tilespmem:$0x1F980] =	vst v63  }
0x165: {  	_ =	swait.ge [sflag:s26], $0x2800  }
0x166: {  	[sflag:s26] =	ssyncset.done $0x0  }
0x167: {  	[sflag:s26] =	ssyncadd.s32 $0xFFFFD800  }
0x168: {  	_ =	swait.ge [sflag:s22], $0x2800  }
0x169: {  	[sflag:s22] =	ssyncset.done $0x0  }
0x16a: {  	s5 =	sadd.s32 $0x500, s20;
	[sflag:s22] =	ssyncadd.s32 $0xFFFFD800  }
0x16b: {  	[tilespmem:s25], [sflag:$0x3] =	stream.linear.gather [hbm4b:s5+s4], $0x2800, $0x38;
	[tilespmem:$0x1F980] =	vst v63  }
0x16c: {  	v1 =	vld [tilespmem:s17+$0x50];
	_ =	sdelay $0x4  }
0x16d: {  	[tilespmem:$0x2080] =	vst v1  }
0x16e: {  	v1 =	vld [tilespmem:s17+$0x60];
	_ =	sdelay $0x4  }
0x16f: {  	[tilespmem:$0x2090] =	vst v1  }
0x170: {  	v1 =	vld [tilespmem:s17+$0x70];
	_ =	sdelay $0x4  }
0x171: {  	s5 =	sand.u32 $0x1FE0, s6;
	[tilespmem:$0x20A0] =	vst v1  }
0x172: {  	v1 =	vld [tilespmem:s5+$0x1080];
	_ =	sdelay $0x4  }
0x173: {  	[tilespmem:$0x20B0] =	vst v1  }
0x174: {  	v1 =	vld [tilespmem:s17+$0x90]  }
.Ltmp9:
0x175: {  	(pc) =	sbr.rel @p3 .LBB2_6-.Ltmp9, $2  }
0x176: {  	_ =	sdelay $0x2  }
0x177: {  	s20 =	sadd.s32 $0xA00, s20;
	s17 =	sadd.s32 $0xA0, s17;
	[tilespmem:$0x20C0] =	vst v1  }
0x178: {  	[spmem:s3] =	stream.indirect.scatter.add.f32 [tilespmem:s8], [sflag:$0x6], $0x80, s30, s28, $0xb8;
	[tilespmem:$0x1F980] =	vst v63  }
0x179: {  	_ =	swait.ge [sflag:s9], $0x2800  }
0x17a: {  	[sflag:s9] =	ssyncset.done $0x0  }
0x17b: {  	[sflag:s9] =	ssyncadd.s32 $0xFFFFD800  }
0x17c: {  	_ =	swait.ge [sflag:s21], $0x2800  }
0x17d: {  	[sflag:s21] =	ssyncset.done $0x0  }
0x17e: {  	s5 =	sadd.s32 s0, s15;
	[sflag:s21] =	ssyncadd.s32 $0xFFFFD800  }
0x17f: {  	[tilespmem:s8], [sflag:$0x4] =	stream.linear.gather [hbm4b:s5+s4], $0x2800, $0x38;
	[tilespmem:$0x1F980] =	vst v63  }
0x180: {  	v1 =	vld [tilespmem:s10+$0xA0];
	_ =	sdelay $0x4  }
0x181: {  	[tilespmem:$0x2000] =	vst v1  }
0x182: {  	v1 =	vld [tilespmem:s10+$0xB0];
	_ =	sdelay $0x4  }
0x183: {  	[tilespmem:$0x2010] =	vst v1  }
0x184: {  	v1 =	vld [tilespmem:s10+$0xC0];
	_ =	sdelay $0x4  }
0x185: {  	[tilespmem:$0x2020] =	vst v1  }
0x186: {  	v1 =	vld [tilespmem:s10+$0xD0];
	_ =	sdelay $0x4  }
0x187: {  	[tilespmem:$0x2030] =	vst v1  }
0x188: {  	v1 =	vld [tilespmem:s10+$0xE0];
	_ =	sdelay $0x4  }
0x189: {  	[tilespmem:$0x2040] =	vst v1  }
0x18a: {  	[spmem:s3] =	stream.indirect.scatter.add.f32 [tilespmem:s25], [sflag:$0x5], $0x80, s16, s28, $0xb8;
	[tilespmem:$0x1F980] =	vst v63  }
0x18b: {  	_ =	swait.ge [sflag:s26], $0x2800  }
0x18c: {  	[sflag:s26] =	ssyncset.done $0x0  }
0x18d: {  	[sflag:s26] =	ssyncadd.s32 $0xFFFFD800  }
0x18e: {  	_ =	swait.ge [sflag:s22], $0x2800  }
0x18f: {  	[sflag:s22] =	ssyncset.done $0x0  }
0x190: {  	[sflag:s22] =	ssyncadd.s32 $0xFFFFD800  }
0x191: {  	v1 =	vld [tilespmem:$0x1F50];
	_ =	sdelay $0x4  }
0x192: {  	[tilespmem:$0x2080] =	vst v1  }
0x193: {  	v1 =	vld [tilespmem:s10+$0x100];
	_ =	sdelay $0x4  }
0x194: {  	v2 =	vld [tilespmem:$0x1F80];
	[tilespmem:$0x2090] =	vst v1  }
0x195: {  	v1 =	vld [tilespmem:s10+$0x110];
	_ =	sdelay $0x3  }
0x196: {  	[tilespmem:$0x20B0] =	vst v2  }
0x197: {  	[tilespmem:$0x20A0] =	vst v1  }
0x198: {  	v1 =	vld [tilespmem:s10+$0x130];
	_ =	sdelay $0x2  }
0x199: {  	s11 =	sadd.s32 $0x1, s11  }
0x19a: {  	p3 =	sne.s32 s11, $0x5  }
.Ltmp10:
0x19b: {  	[tilespmem:$0x20C0] =	vst v1;
	(pc) =	sbr.rel @p3 .LBB2_5-.Ltmp10, $4  }
0x19c: {  	[spmem:s3] =	stream.indirect.scatter.add.f32 [tilespmem:s8], [sflag:$0x6], $0x80, s30, s28, $0xb8;
	[tilespmem:$0x1F980] =	vst v63  }
0x19d: {  	_ =	swait.ge [sflag:s21], $0x2800  }
0x19e: {  	[sflag:s21] =	ssyncset.done $0x0  }
0x19f: {  	s13 =	sadd.s32 $0xFA00, s13;
	[sflag:s21] =	ssyncadd.s32 $0xFFFFD800  }
0x1a0: {  	s6 =	rddreg [dreg:$0x7]  }
0x1a1: {  	s15 =	rddreg [dreg:$0x11]  }
0x1a2: {  	s17 =	rddreg [dreg:$0x12];
	s19 =	simm.s32 $0x2100  }
.LBB2_17:
0x1a3: {  	[bflag:$0x0] =	sbarrier.arrive $0xFFFF  }
0x1a4: {  	s5 =	rddreg [dreg:$0x8]  }
0x1a5: {  	[tilespmem:s19], [sflag:$0x7] =	stream.linear.gather [spmem:s5], $0x2800, $0x38;
	[tilespmem:$0x1F980] =	vst v63  }
0x1a6: {  	_ =	swait.ge [sflag:s23], $0x2800  }
0x1a7: {  	[sflag:s23] =	ssyncset.done $0x0;
	s11 =	rddreg [dreg:$0x1a]  }
0x1a8: {  	s5 =	sadd.s32 s6, s11;
	[sflag:s23] =	ssyncadd.s32 $0xFFFFD800  }
0x1a9: {  	[hbm4b:s5+s4] =	stream.linear.scatter [tilespmem:s19], [sflag:$0x1], $0x2800, $0x38;
	[tilespmem:$0x1F980] =	vst v63  }
0x1aa: {  	s13 =	rddreg [dreg:$0x9]  }
0x1ab: {  	[tilespmem:s14], [sflag:$0x7] =	stream.linear.gather [spmem:s13], $0x2800, $0x38;
	[tilespmem:$0x1F980] =	vst v63  }
0x1ac: {  	_ =	swait.ge [sflag:s23], $0x2800  }
0x1ad: {  	[sflag:s23] =	ssyncset.done $0x0;
	s20 =	rddreg [dreg:$0xa]  }
0x1ae: {  	[sflag:s23] =	ssyncadd.s32 $0xFFFFD800;
	s5 =	sadd.s32 s6, s20  }
0x1af: {  	[hbm4b:s5+s4] =	stream.linear.scatter [tilespmem:s14], [sflag:$0x2], $0x2800, $0x38;
	[tilespmem:$0x1F980] =	vst v63  }
0x1b0: {  	_ =	swait.ge [sflag:s12], $0x2800  }
0x1b1: {  	[sflag:s12] =	ssyncset.done $0x0  }
0x1b2: {  	s11 =	rddreg [dreg:$0xb];
	[sflag:s12] =	ssyncadd.s32 $0xFFFFD800  }
0x1b3: {  	[tilespmem:s19], [sflag:$0x7] =	stream.linear.gather [spmem:s11], $0x2800, $0x38;
	[tilespmem:$0x1F980] =	vst v63  }
0x1b4: {  	_ =	swait.ge [sflag:s23], $0x2800  }
0x1b5: {  	[sflag:s23] =	ssyncset.done $0x0;
	s31 =	rddreg [dreg:$0xc]  }
0x1b6: {  	[sflag:s23] =	ssyncadd.s32 $0xFFFFD800;
	s5 =	sadd.s32 s6, s31  }
0x1b7: {  	[hbm4b:s5+s4] =	stream.linear.scatter [tilespmem:s19], [sflag:$0x1], $0x2800, $0x38;
	[tilespmem:$0x1F980] =	vst v63  }
0x1b8: {  	_ =	swait.ge [sflag:s18], $0x2800  }
0x1b9: {  	[sflag:s18] =	ssyncset.done $0x0  }
0x1ba: {  	s10 =	rddreg [dreg:$0xd];
	[sflag:s18] =	ssyncadd.s32 $0xFFFFD800  }
0x1bb: {  	[tilespmem:s14], [sflag:$0x7] =	stream.linear.gather [spmem:s10], $0x2800, $0x38;
	[tilespmem:$0x1F980] =	vst v63  }
0x1bc: {  	_ =	swait.ge [sflag:s23], $0x2800  }
0x1bd: {  	[sflag:s23] =	ssyncset.done $0x0;
	s13 =	rddreg [dreg:$0xe]  }
0x1be: {  	[sflag:s23] =	ssyncadd.s32 $0xFFFFD800;
	s5 =	sadd.s32 s6, s13  }
0x1bf: {  	[hbm4b:s5+s4] =	stream.linear.scatter [tilespmem:s14], [sflag:$0x2], $0x2800, $0x38;
	[tilespmem:$0x1F980] =	vst v63  }
0x1c0: {  	_ =	swait.ge [sflag:s12], $0x2800  }
0x1c1: {  	[sflag:s12] =	ssyncset.done $0x0  }
0x1c2: {  	s13 =	rddreg [dreg:$0xf];
	[sflag:s12] =	ssyncadd.s32 $0xFFFFD800  }
0x1c3: {  	[tilespmem:s19], [sflag:$0x7] =	stream.linear.gather [spmem:s13], $0x2800, $0x38;
	[tilespmem:$0x1F980] =	vst v63  }
0x1c4: {  	_ =	swait.ge [sflag:s23], $0x2800  }
0x1c5: {  	[sflag:s23] =	ssyncset.done $0x0;
	s20 =	rddreg [dreg:$0x10]  }
0x1c6: {  	[sflag:s23] =	ssyncadd.s32 $0xFFFFD800;
	s5 =	sadd.s32 s6, s20  }
0x1c7: {  	[hbm4b:s5+s4] =	stream.linear.scatter [tilespmem:s19], [sflag:$0x1], $0x2800, $0x38;
	[tilespmem:$0x1F980] =	vst v63  }
0x1c8: {  	_ =	swait.ge [sflag:s18], $0x2800  }
0x1c9: {  	[sflag:s18] =	ssyncset.done $0x0  }
0x1ca: {  	[sflag:s18] =	ssyncadd.s32 $0xFFFFD800  }
0x1cb: {  	[tilespmem:s14], [sflag:$0x7] =	stream.linear.gather [spmem:s15], $0x2800, $0x38;
	[tilespmem:$0x1F980] =	vst v63  }
0x1cc: {  	_ =	swait.ge [sflag:s23], $0x2800  }
0x1cd: {  	[sflag:s23] =	ssyncset.done $0x0;
	s31 =	rddreg [dreg:$0x14]  }
0x1ce: {  	[sflag:s23] =	ssyncadd.s32 $0xFFFFD800;
	s5 =	sadd.s32 s6, s31  }
0x1cf: {  	[hbm4b:s5+s4] =	stream.linear.scatter [tilespmem:s14], [sflag:$0x2], $0x2800, $0x38;
	[tilespmem:$0x1F980] =	vst v63  }
0x1d0: {  	_ =	swait.ge [sflag:s12], $0x2800  }
0x1d1: {  	[sflag:s12] =	ssyncset.done $0x0  }
.Ltmp11:
0x1d2: {  	[sflag:s12] =	ssyncadd.s32 $0xFFFFD800;
	(pc) =	sbr.rel @p0 .LBB2_19-.Ltmp11, $4  }
0x1d3: {  	[tilespmem:s19], [sflag:$0x7] =	stream.linear.gather [spmem:s17], $0x2800, $0x38;
	[tilespmem:$0x1F980] =	vst v63  }
0x1d4: {  	_ =	swait.ge [sflag:s23], $0x2800  }
0x1d5: {  	[sflag:s23] =	ssyncset.done $0x0  }
0x1d6: {  	[sflag:s23] =	ssyncadd.s32 $0xFFFFD800  }
0x1d7: {  	s5 =	rddreg [dreg:$0x16]  }
0x1d8: {  	[hbm4b:s5+s4] =	stream.linear.scatter [tilespmem:s19], [sflag:$0x1], $0x2800, $0x38;
	[tilespmem:$0x1F980] =	vst v63  }
.Ltmp12:
0x1d9: {  	_ = 	snop;
	(pc) =	sbr.rel @p2 .LBB2_20-.Ltmp12, $4  }
.Ltmp13:
0x1da: {  	_ = 	snop;
	(pc) =	sbr.rel @!p2 .LBB2_21-.Ltmp13, $4  }
0x1db: {  	_ =	swait.ge [sflag:s18], $0x2800  }
0x1dc: {  	[sflag:s18] =	ssyncset.done $0x0;
	s10 =	rddreg [dreg:$0x6]  }
0x1dd: {  	s6 =	simm.s32 $0x1;
	s20 =	rddreg [dreg:$0x1c];
	[sflag:s18] =	ssyncadd.s32 $0xFFFFD800  }
0x1de: {  	_ = 	snop  }
.LBB2_19:
0x1df: {  	s5 =	rddreg [dreg:$0x15]  }
0x1e0: {  	[hbm4b:s5+s4] =	stream.linear.scatter [tilespmem:s19], [sflag:$0x1], $0x2800, $0x38;
	[tilespmem:$0x1F980] =	vst v63  }
.Ltmp14:
0x1e1: {  	_ = 	snop;
	(pc) =	sbr.rel @p1 .LBB2_21-.Ltmp14, $4  }
.Ltmp15:
0x1e2: {  	_ = 	snop;
	(pc) =	sbr.rel @!p1 .LBB2_20-.Ltmp15, $4  }
0x1e3: {  	_ =	swait.ge [sflag:s18], $0x2800  }
0x1e4: {  	[sflag:s18] =	ssyncset.done $0x0;
	s10 =	rddreg [dreg:$0x7]  }
0x1e5: {  	s6 =	simm.s32 $0x1;
	s20 =	rddreg [dreg:$0x1c];
	[sflag:s18] =	ssyncadd.s32 $0xFFFFD800  }
0x1e6: {  	_ = 	snop  }
.LBB2_22:
0x1e7: {  	_ =	sfence.sel $0x180000  }
0x1e8: {  	[bflag:$0x0] =	sbarrier.arrive $0xFFFF  }
0x1e9: {  	_ =	strace $0x90000047  }
0x1ea: {  	s0 =	stileid.u32;
	[bflag:$0x2] =	sbarrier.arrive $0xFFFF  }
0x1eb: {  	p0 =	sne.s32 s0, $0x0;
	s0 =	rddreg [dreg:$0x4]  }
0x1ec: {  	s0 =	sadd.s32 @!p0 $0x100000, s0  }
0x1ed: {  	[sflag:s0] =	ssyncadd.tile.s32 @!p0 $0x1;
	_ =	shalt  }
.Lfunc_end2:
_tile_overlayer_lowered:
.L_overlay_start_2:
0x1ee: {  	(tag) =	ssettag $0x2  }
0x1ef: {  	s0 =	rddreg [dreg:$0x0];
	s2 =	stileid.u32  }
0x1f0: {  	s1 =	rddreg [dreg:$0x1];
	p0 =	sne.s32 s2, $0x0  }
0x1f1: {  	s3 =	rddreg [dreg:$0x2];
	[bflag:$0x3] =	sbarrier.arrive $0xFFFF;
	s2 =	simm.s32 @!p0 $0x1C07  }
0x1f2: {  	[timem:s3], [sflag:s2] =	dma.local @!p0 [hbm:s0], s1  }
0x1f3: {  	s0 =	simm.s32 @!p0 $0x7  }
0x1f4: {  	_ =	swait.ge @!p0 [sflag:s0], s1  }
0x1f5: {  	s1 =	ssub.s32 @!p0 $0x0, s1;
	[sflag:s0] =	ssyncset.done @!p0 $0x0  }
0x1f6: {  	[sflag:s0] =	ssyncadd.s32 @!p0 s1  }
0x1f7: {  	[bflag:$0x3] =	sbarrier.arrive $0xFFFF  }
0x1f8: {  	_ =	shalt  }

</sc_bundles>
